<compile_context>
chip_gen: v7x
topology: tpu7x:2x2x1
jax: 0.10.2.dev20260603
libtpu: 0.0.44.dev20260713+nightly
codegen_flags: <defaults>
</compile_context>

<pallas_src>
import functools

import jax
import jax.numpy as jnp
from jax import lax
from jax.experimental import pallas as pl
from jax.experimental.pallas import tpu as pltpu
from jax.experimental.pallas import tpu_sc as plsc

N = 10000
E = 320000
F_IN = 128
H = 64
C = 10
G = 128
EPS = 1e-5

NC = 2
NS = 16
NW = NC * NS

K = 128
NK = (E + NW * K - 1) // (NW * K)
E_PAD = NW * NK * K
N_ACC = 10112
RPT = N_ACC // NS
DW = 16

@functools.cache
def _sc_mesh():
    return plsc.VectorSubcoreMesh(
        core_axis_name="c", subcore_axis_name="s",
        num_cores=NC, num_subcores=NS)


def _deg_body(dst_hbm, out_hbm, idx_v, ones_v, buf_v, acc_sh, sem):
    del sem
    cid = lax.axis_index("c")
    sid = lax.axis_index("s")
    wid = cid * NS + sid

    def fill_ones(i, _):
        ones_v[i, :] = jnp.ones((DW,), jnp.float32)
        return 0

    lax.fori_loop(0, K, fill_ones, 0)

    def fill_zero(i, _):
        buf_v[i, :] = jnp.zeros((DW,), jnp.float32)
        return 0

    lax.fori_loop(0, RPT, fill_zero, 0)
    pltpu.sync_copy(buf_v, acc_sh.at[pl.ds(sid * RPT, RPT)])
    pltpu.sync_copy(dst_hbm.at[wid], idx_v)
    plsc.subcore_barrier()

    def body(j, _):
        pltpu.sync_copy(ones_v, acc_sh.at[idx_v.at[j]], add=True)
        return 0

    lax.fori_loop(0, NK, body, 0)
    plsc.subcore_barrier()
    pltpu.sync_copy(acc_sh.at[pl.ds(sid * RPT, RPT)], buf_v)
    pltpu.sync_copy(buf_v, out_hbm.at[cid, pl.ds(sid * RPT, RPT)])


@functools.cache
def _deg_call():
    return pl.kernel(
        _deg_body,
        out_type=jax.ShapeDtypeStruct((NC, N_ACC, DW), jnp.float32),
        mesh=_sc_mesh(),
        compiler_params=pltpu.CompilerParams(use_tc_tiling_on_sc=False),
        scratch_types=[
            pltpu.VMEM((NK, K), jnp.int32),
            pltpu.VMEM((K, DW), jnp.float32),
            pltpu.VMEM((RPT, DW), jnp.float32),
            pltpu.VMEM_SHARED((N_ACC, DW), jnp.float32),
            pltpu.SemaphoreType.DMA,
        ],
    )


def _layer_body(hp_hbm, src_hbm, dst_hbm, out_hbm,
                srcv, dstv, bufa, bufb, initv, acc_sh, sema, semb):
    cid = lax.axis_index("c")
    sid = lax.axis_index("s")
    wid = cid * NS + sid

    pltpu.sync_copy(hp_hbm.at[pl.ds(sid * RPT, RPT)], initv)
    pltpu.sync_copy(initv, acc_sh.at[pl.ds(sid * RPT, RPT)])
    pltpu.sync_copy(src_hbm.at[wid], srcv)
    pltpu.sync_copy(dst_hbm.at[wid], dstv)
    plsc.subcore_barrier()

    pltpu.async_copy(hp_hbm.at[srcv.at[0]], bufa, sema)

    def body(i, _):
        j = 2 * i
        pltpu.async_copy(hp_hbm.at[srcv.at[j + 1]], bufb, semb)
        pltpu.make_async_copy(hp_hbm.at[srcv.at[0]], bufa, sema).wait()
        pltpu.sync_copy(bufa, acc_sh.at[dstv.at[j]], add=True)
        pltpu.async_copy(hp_hbm.at[srcv.at[j + 2]], bufa, sema)
        pltpu.make_async_copy(hp_hbm.at[srcv.at[0]], bufb, semb).wait()
        pltpu.sync_copy(bufb, acc_sh.at[dstv.at[j + 1]], add=True)
        return 0

    lax.fori_loop(0, (NK - 1) // 2, body, 0)
    pltpu.make_async_copy(hp_hbm.at[srcv.at[0]], bufa, sema).wait()
    pltpu.sync_copy(bufa, acc_sh.at[dstv.at[NK - 1]], add=True)
    plsc.subcore_barrier()
    pltpu.sync_copy(acc_sh.at[pl.ds(sid * RPT, RPT)], initv)
    pltpu.sync_copy(initv, out_hbm.at[cid, pl.ds(sid * RPT, RPT)])


@functools.cache
def _layer_call():
    return pl.kernel(
        _layer_body,
        out_type=jax.ShapeDtypeStruct((NC, N_ACC, H), jnp.float32),
        mesh=_sc_mesh(),
        compiler_params=pltpu.CompilerParams(use_tc_tiling_on_sc=False),
        scratch_types=[
            pltpu.VMEM((NK, K), jnp.int32),
            pltpu.VMEM((NK, K), jnp.int32),
            pltpu.VMEM((K, H), jnp.float32),
            pltpu.VMEM((K, H), jnp.float32),
            pltpu.VMEM((RPT, H), jnp.float32),
            pltpu.VMEM_SHARED((N_ACC, H), jnp.float32),
            pltpu.SemaphoreType.DMA,
            pltpu.SemaphoreType.DMA,
        ],
    )


def _prep_body(pdeg_ref, xp_ref, w1_ref, dinv_ref, hp_ref):
    deg = pdeg_ref[0, :, 0:1] + pdeg_ref[1, :, 0:1] + 1.0
    dinv = lax.rsqrt(deg)
    dinv_ref[...] = dinv
    z = jnp.dot(xp_ref[...], w1_ref[...], preferred_element_type=jnp.float32)
    hp_ref[...] = z * dinv


def _bn_relu(p_ref, hp_ref, dinv_ref, b_ref, g_ref, be_ref):
    dinv = dinv_ref[...]
    s = p_ref[0] + p_ref[1] - hp_ref[...]
    z = s * dinv + b_ref[...]
    mask = lax.broadcasted_iota(jnp.int32, (N_ACC, 1), 0) < N
    mean = jnp.sum(jnp.where(mask, z, 0.0), axis=0, keepdims=True) / N
    d = z - mean
    var = jnp.sum(jnp.where(mask, d * d, 0.0), axis=0, keepdims=True) / N
    y = g_ref[...] * d * lax.rsqrt(var + EPS) + be_ref[...]
    return jnp.maximum(y, 0.0), dinv


def _mid_body(p_ref, hp_ref, dinv_ref, b_ref, g_ref, be_ref, w_ref, out_ref):
    y, dinv = _bn_relu(p_ref, hp_ref, dinv_ref, b_ref, g_ref, be_ref)
    out_ref[...] = jnp.dot(
        y, w_ref[...], preferred_element_type=jnp.float32) * dinv


def _fin_body(p_ref, hp_ref, dinv_ref, b_ref, g_ref, be_ref, batch_ref,
              fcw_ref, fcb_ref, out_ref):
    y, _ = _bn_relu(p_ref, hp_ref, dinv_ref, b_ref, g_ref, be_ref)
    bt = batch_ref[...]
    gids = lax.broadcasted_iota(jnp.int32, (G, N_ACC), 0)
    oh = jnp.where(gids == bt, 1.0, 0.0)
    sums = jnp.dot(oh, y, preferred_element_type=jnp.float32)
    counts = jnp.sum(oh, axis=1, keepdims=True)
    pooled = sums / jnp.maximum(counts, 1.0)
    logits = jnp.dot(
        pooled, fcw_ref[...], preferred_element_type=jnp.float32) + fcb_ref[...]
    m = jnp.max(logits, axis=1, keepdims=True)
    lse = jnp.log(jnp.sum(jnp.exp(logits - m), axis=1, keepdims=True)) + m
    out_ref[...] = logits - lse


_prep_call = pl.pallas_call(
    _prep_body,
    out_shape=(
        jax.ShapeDtypeStruct((N_ACC, 1), jnp.float32),
        jax.ShapeDtypeStruct((N_ACC, H), jnp.float32),
    ),
)

_mid_call = pl.pallas_call(
    _mid_body,
    out_shape=jax.ShapeDtypeStruct((N_ACC, H), jnp.float32),
)

_fin_call = pl.pallas_call(
    _fin_body,
    out_shape=jax.ShapeDtypeStruct((G, C), jnp.float32),
)


def kernel(x, edge_index, batch, W1, b1, g1, be1, W2, b2, g2, be2,
           W3, b3, g3, be3, W4, b4, g4, be4, fcW, fcb):
    pad = E_PAD - E
    src = jnp.concatenate(
        [edge_index[0], jnp.zeros((pad,), jnp.int32)]).reshape(NW, NK, K)
    dst = jnp.concatenate(
        [edge_index[1], jnp.full((pad,), N, jnp.int32)]).reshape(NW, NK, K)
    xp = jnp.pad(x, ((0, N_ACC - N), (0, 0)))
    batchp = jnp.pad(batch, (0, N_ACC - N),
                     constant_values=G).reshape(1, N_ACC)

    pdeg = _deg_call()(dst)
    dinv, hp = _prep_call(pdeg, xp, W1)

    for b, g, be, Wn in ((b1, g1, be1, W2), (b2, g2, be2, W3),
                         (b3, g3, be3, W4)):
        p = _layer_call()(hp, src, dst)
        hp = _mid_call(p, hp, dinv, b.reshape(1, H), g.reshape(1, H),
                       be.reshape(1, H), Wn)

    p = _layer_call()(hp, src, dst)
    return _fin_call(p, hp, dinv, b4.reshape(1, H), g4.reshape(1, H),
                     be4.reshape(1, H), batchp, fcW, fcb)

# --- scband reference (transcript-rebuilt; emitter-appended) ---
"""Pipeline reference for scband-gcn-12317966204981 (READ-ONLY COPY).

The authoritative reference and input builder live on the scoring server;
editing this copy changes nothing except your own understanding.
"""

import jax, jax.numpy as jnp
import numpy as np

N = 10000
E = 320000
F_IN = 128
H = 64
C = 10
G = 128
EPS = 1e-5


def setup_inputs(seed: int = 0) -> dict:
    key = jax.random.key(seed)
    ks = jax.random.split(key, 24)
    inp = {}
    inp["x"] = jax.random.normal(ks[0], (N, F_IN), dtype=jnp.float32)
    inp["edge_index"] = jax.random.randint(ks[1], (2, E), 0, N, dtype=jnp.int32)
    inp["batch"] = jnp.sort(jax.random.randint(ks[2], (N,), 0, G, dtype=jnp.int32))
    inp["W1"] = jax.random.normal(ks[3], (F_IN, H), dtype=jnp.float32) * (1.0 / np.sqrt(F_IN))
    inp["b1"] = jnp.zeros((H,), dtype=jnp.float32)
    inp["g1"] = jnp.ones((H,), dtype=jnp.float32)
    inp["be1"] = jnp.zeros((H,), dtype=jnp.float32)
    inp["W2"] = jax.random.normal(ks[4], (H, H), dtype=jnp.float32) * (1.0 / np.sqrt(H))
    inp["b2"] = jnp.zeros((H,), dtype=jnp.float32)
    inp["g2"] = jnp.ones((H,), dtype=jnp.float32)
    inp["be2"] = jnp.zeros((H,), dtype=jnp.float32)
    inp["W3"] = jax.random.normal(ks[5], (H, H), dtype=jnp.float32) * (1.0 / np.sqrt(H))
    inp["b3"] = jnp.zeros((H,), dtype=jnp.float32)
    inp["g3"] = jnp.ones((H,), dtype=jnp.float32)
    inp["be3"] = jnp.zeros((H,), dtype=jnp.float32)
    inp["W4"] = jax.random.normal(ks[6], (H, H), dtype=jnp.float32) * (1.0 / np.sqrt(H))
    inp["b4"] = jnp.zeros((H,), dtype=jnp.float32)
    inp["g4"] = jnp.ones((H,), dtype=jnp.float32)
    inp["be4"] = jnp.zeros((H,), dtype=jnp.float32)
    inp["fcW"] = jax.random.normal(ks[7], (H, C), dtype=jnp.float32) * (1.0 / np.sqrt(H))
    inp["fcb"] = jnp.zeros((C,), dtype=jnp.float32)
    return inp


def gcn_conv(x, W, b, src, dst, num_nodes):
    # GCNConv with added self-loops and symmetric normalization
    h = x @ W
    deg = jnp.zeros((num_nodes,), dtype=jnp.float32).at[dst].add(1.0)
    dinv = jnp.where(deg > 0, 1.0 / jnp.sqrt(deg), 0.0)
    norm = dinv[src] * dinv[dst]
    msg = h[src] * norm[:, None]
    out = jnp.zeros((num_nodes, W.shape[1]), dtype=jnp.float32).at[dst].add(msg)
    return out + b


def batch_norm(x, gamma, beta):
    mean = jnp.mean(x, axis=0)
    var = jnp.mean((x - mean) ** 2, axis=0)
    xn = (x - mean) / jnp.sqrt(var + EPS)
    return gamma * xn + beta


def reference(x, edge_index, batch, W1, b1, g1, be1, W2, b2, g2, be2, W3, b3, g3, be3, W4, b4, g4, be4, fcW, fcb):
    num_nodes = x.shape[0]
    loop = jnp.arange(num_nodes, dtype=edge_index.dtype)
    src = jnp.concatenate([edge_index[0], loop])
    dst = jnp.concatenate([edge_index[1], loop])

    h = jax.nn.relu(batch_norm(gcn_conv(x, W1, b1, src, dst, num_nodes), g1, be1))
    h = jax.nn.relu(batch_norm(gcn_conv(h, W2, b2, src, dst, num_nodes), g2, be2))
    h = jax.nn.relu(batch_norm(gcn_conv(h, W3, b3, src, dst, num_nodes), g3, be3))
    h = jax.nn.relu(batch_norm(gcn_conv(h, W4, b4, src, dst, num_nodes), g4, be4))

    # global_mean_pool
    sums = jax.ops.segment_sum(h, batch, num_segments=G)
    counts = jax.ops.segment_sum(jnp.ones((num_nodes,), dtype=jnp.float32), batch, num_segments=G)
    pooled = sums / jnp.maximum(counts, 1.0)[:, None]

    logits = pooled @ fcW + fcb
    return jax.nn.log_softmax(logits, axis=-1)

if __name__ == "__main__":
    import jax
    _d = setup_inputs()
    print(jax.jit(kernel)(*tuple(_d.values())))

</pallas_src>

<mosaic_0001>
#map = affine_map<(d0, d1) -> (0, 0)>
#map1 = affine_map<(d0, d1) -> (0, 0, 0)>
module attributes {stable_mosaic.version = 14 : i64} {
  func.func @_layer_body(%arg0: i32, %arg1: i32, %arg2: memref<10112x64xf32, #tpu.memory_space<hbm>>, %arg3: memref<32x79x128xi32, #tpu.memory_space<hbm>>, %arg4: memref<32x79x128xi32, #tpu.memory_space<hbm>>, %arg5: memref<2x10112x64xf32, #tpu.memory_space<hbm>>, %arg6: memref<79x128xi32, #tpu.memory_space<vmem>>, %arg7: memref<79x128xi32, #tpu.memory_space<vmem>>, %arg8: memref<128x64xf32, #tpu.memory_space<vmem>>, %arg9: memref<128x64xf32, #tpu.memory_space<vmem>>, %arg10: memref<632x64xf32, #tpu.memory_space<vmem>>, %arg11: memref<10112x64xf32, #tpu.memory_space<vmem_shared>>, %arg12: memref<!tpu.dma_semaphore, #tpu.memory_space<semaphore_mem>>, %arg13: memref<!tpu.dma_semaphore, #tpu.memory_space<semaphore_mem>>) attributes {dimension_semantics = [#tpu.dimension_semantics<core_parallel>, #tpu.dimension_semantics<subcore_parallel>], iteration_bounds = array<i64: 2, 16>, scalar_prefetch = 0 : i64, scratch_operands = 8 : i64, tpu.core_type = #tpu.core_type<sc_vector_subcore>, window_params = [{transform_indices = #map}, {transform_indices = #map1}, {transform_indices = #map1}, {transform_indices = #map1}]} {
    %mul3A = arith.constant 16 : i32
    %mul3A_0 = arith.muli %arg0, %mul3A : i32
    %add3A = arith.addi %mul3A_0, %arg1 : i32
    %mul3A_1 = arith.constant 632 : i32
    %mul3A_2 = arith.muli %arg1, %mul3A_1 : i32
    "tpu.region"() ({
      %run_scoped3A_28 = tpu.sem_alloc : memref<!tpu.dma_semaphore, #tpu.memory_space<semaphore_mem>>
      %dma_start3A_29 = arith.constant 0 : i32
      %dma_start3A_30 = tpu.memref_slice %arg2[%mul3A_2, %dma_start3A_29] : memref<10112x64xf32, #tpu.memory_space<hbm>> -> memref<632x64xf32, #tpu.memory_space<hbm>>
      %dma_start3A_31 = arith.constant 0 : i32
      %dma_start3A_32 = tpu.memref_slice %arg2[%mul3A_2, %dma_start3A_31] : memref<10112x64xf32, #tpu.memory_space<hbm>> -> memref<632x64xf32, #tpu.memory_space<hbm>>
      tpu.enqueue_dma source(%dma_start3A_32 : memref<632x64xf32, #tpu.memory_space<hbm>>) target(%arg10 : memref<632x64xf32, #tpu.memory_space<vmem>>) target_semaphore(%run_scoped3A_28 : memref<!tpu.dma_semaphore, #tpu.memory_space<semaphore_mem>>)
      %dma_wait3A_33 = arith.constant 0 : i32
      %dma_wait3A_34 = tpu.memref_slice %arg2[%mul3A_2, %dma_wait3A_33] : memref<10112x64xf32, #tpu.memory_space<hbm>> -> memref<632x64xf32, #tpu.memory_space<hbm>>
      %dma_wait3A_35 = arith.constant 0 : i32
      %dma_wait3A_36 = tpu.memref_slice %arg2[%mul3A_2, %dma_wait3A_35] : memref<10112x64xf32, #tpu.memory_space<hbm>> -> memref<632x64xf32, #tpu.memory_space<hbm>>
      tpu.wait_dma2 semaphore(%run_scoped3A_28 : memref<!tpu.dma_semaphore, #tpu.memory_space<semaphore_mem>>) src(%dma_wait3A_36 : memref<632x64xf32, #tpu.memory_space<hbm>>) dst(%arg10 : memref<632x64xf32, #tpu.memory_space<vmem>>)
      tpu.yield
    }) : () -> ()
    %mul3A_3 = arith.constant 632 : i32
    %mul3A_4 = arith.muli %arg1, %mul3A_3 : i32
    "tpu.region"() ({
      %run_scoped3A_28 = tpu.sem_alloc : memref<!tpu.dma_semaphore, #tpu.memory_space<semaphore_mem>>
      %dma_start3A_29 = arith.constant 0 : i32
      %dma_start3A_30 = tpu.memref_slice %arg11[%mul3A_4, %dma_start3A_29] : memref<10112x64xf32, #tpu.memory_space<vmem_shared>> -> memref<632x64xf32, #tpu.memory_space<vmem_shared>>
      %dma_start3A_31 = arith.constant 0 : i32
      %dma_start3A_32 = tpu.memref_slice %arg11[%mul3A_4, %dma_start3A_31] : memref<10112x64xf32, #tpu.memory_space<vmem_shared>> -> memref<632x64xf32, #tpu.memory_space<vmem_shared>>
      tpu.enqueue_dma source(%arg10 : memref<632x64xf32, #tpu.memory_space<vmem>>) target(%dma_start3A_32 : memref<632x64xf32, #tpu.memory_space<vmem_shared>>) target_semaphore(%run_scoped3A_28 : memref<!tpu.dma_semaphore, #tpu.memory_space<semaphore_mem>>)
      %dma_wait3A_33 = arith.constant 0 : i32
      %dma_wait3A_34 = tpu.memref_slice %arg11[%mul3A_4, %dma_wait3A_33] : memref<10112x64xf32, #tpu.memory_space<vmem_shared>> -> memref<632x64xf32, #tpu.memory_space<vmem_shared>>
      %dma_wait3A_35 = arith.constant 0 : i32
      %dma_wait3A_36 = tpu.memref_slice %arg11[%mul3A_4, %dma_wait3A_35] : memref<10112x64xf32, #tpu.memory_space<vmem_shared>> -> memref<632x64xf32, #tpu.memory_space<vmem_shared>>
      tpu.wait_dma2 semaphore(%run_scoped3A_28 : memref<!tpu.dma_semaphore, #tpu.memory_space<semaphore_mem>>) src(%arg10 : memref<632x64xf32, #tpu.memory_space<vmem>>) dst(%dma_wait3A_36 : memref<632x64xf32, #tpu.memory_space<vmem_shared>>)
      tpu.yield
    }) : () -> ()
    "tpu.region"() ({
      %run_scoped3A_28 = tpu.sem_alloc : memref<!tpu.dma_semaphore, #tpu.memory_space<semaphore_mem>>
      %dma_start3A_29 = arith.constant 0 : i32
      %dma_start3A_30 = arith.constant 0 : i32
      %dma_start3A_31 = tpu.memref_slice %arg3[%add3A, %dma_start3A_29, %dma_start3A_30] : memref<32x79x128xi32, #tpu.memory_space<hbm>> -> memref<1x79x128xi32, #tpu.memory_space<hbm>>
      %dma_start3A_32 = tpu.memref_squeeze %dma_start3A_31 : memref<1x79x128xi32, #tpu.memory_space<hbm>> -> memref<79x128xi32, #tpu.memory_space<hbm>>
      %dma_start3A_33 = arith.constant 0 : i32
      %dma_start3A_34 = arith.constant 0 : i32
      %dma_start3A_35 = tpu.memref_slice %arg3[%add3A, %dma_start3A_33, %dma_start3A_34] : memref<32x79x128xi32, #tpu.memory_space<hbm>> -> memref<1x79x128xi32, #tpu.memory_space<hbm>>
      %dma_start3A_36 = tpu.memref_squeeze %dma_start3A_35 : memref<1x79x128xi32, #tpu.memory_space<hbm>> -> memref<79x128xi32, #tpu.memory_space<hbm>>
      tpu.enqueue_dma source(%dma_start3A_36 : memref<79x128xi32, #tpu.memory_space<hbm>>) target(%arg6 : memref<79x128xi32, #tpu.memory_space<vmem>>) target_semaphore(%run_scoped3A_28 : memref<!tpu.dma_semaphore, #tpu.memory_space<semaphore_mem>>)
      %dma_wait3A_37 = arith.constant 0 : i32
      %dma_wait3A_38 = arith.constant 0 : i32
      %dma_wait3A_39 = tpu.memref_slice %arg3[%add3A, %dma_wait3A_37, %dma_wait3A_38] : memref<32x79x128xi32, #tpu.memory_space<hbm>> -> memref<1x79x128xi32, #tpu.memory_space<hbm>>
      %dma_wait3A_40 = tpu.memref_squeeze %dma_wait3A_39 : memref<1x79x128xi32, #tpu.memory_space<hbm>> -> memref<79x128xi32, #tpu.memory_space<hbm>>
      %dma_wait3A_41 = arith.constant 0 : i32
      %dma_wait3A_42 = arith.constant 0 : i32
      %dma_wait3A_43 = tpu.memref_slice %arg3[%add3A, %dma_wait3A_41, %dma_wait3A_42] : memref<32x79x128xi32, #tpu.memory_space<hbm>> -> memref<1x79x128xi32, #tpu.memory_space<hbm>>
      %dma_wait3A_44 = tpu.memref_squeeze %dma_wait3A_43 : memref<1x79x128xi32, #tpu.memory_space<hbm>> -> memref<79x128xi32, #tpu.memory_space<hbm>>
      tpu.wait_dma2 semaphore(%run_scoped3A_28 : memref<!tpu.dma_semaphore, #tpu.memory_space<semaphore_mem>>) src(%dma_wait3A_44 : memref<79x128xi32, #tpu.memory_space<hbm>>) dst(%arg6 : memref<79x128xi32, #tpu.memory_space<vmem>>)
      tpu.yield
    }) : () -> ()
    "tpu.region"() ({
      %run_scoped3A_28 = tpu.sem_alloc : memref<!tpu.dma_semaphore, #tpu.memory_space<semaphore_mem>>
      %dma_start3A_29 = arith.constant 0 : i32
      %dma_start3A_30 = arith.constant 0 : i32
      %dma_start3A_31 = tpu.memref_slice %arg4[%add3A, %dma_start3A_29, %dma_start3A_30] : memref<32x79x128xi32, #tpu.memory_space<hbm>> -> memref<1x79x128xi32, #tpu.memory_space<hbm>>
      %dma_start3A_32 = tpu.memref_squeeze %dma_start3A_31 : memref<1x79x128xi32, #tpu.memory_space<hbm>> -> memref<79x128xi32, #tpu.memory_space<hbm>>
      %dma_start3A_33 = arith.constant 0 : i32
      %dma_start3A_34 = arith.constant 0 : i32
      %dma_start3A_35 = tpu.memref_slice %arg4[%add3A, %dma_start3A_33, %dma_start3A_34] : memref<32x79x128xi32, #tpu.memory_space<hbm>> -> memref<1x79x128xi32, #tpu.memory_space<hbm>>
      %dma_start3A_36 = tpu.memref_squeeze %dma_start3A_35 : memref<1x79x128xi32, #tpu.memory_space<hbm>> -> memref<79x128xi32, #tpu.memory_space<hbm>>
      tpu.enqueue_dma source(%dma_start3A_36 : memref<79x128xi32, #tpu.memory_space<hbm>>) target(%arg7 : memref<79x128xi32, #tpu.memory_space<vmem>>) target_semaphore(%run_scoped3A_28 : memref<!tpu.dma_semaphore, #tpu.memory_space<semaphore_mem>>)
      %dma_wait3A_37 = arith.constant 0 : i32
      %dma_wait3A_38 = arith.constant 0 : i32
      %dma_wait3A_39 = tpu.memref_slice %arg4[%add3A, %dma_wait3A_37, %dma_wait3A_38] : memref<32x79x128xi32, #tpu.memory_space<hbm>> -> memref<1x79x128xi32, #tpu.memory_space<hbm>>
      %dma_wait3A_40 = tpu.memref_squeeze %dma_wait3A_39 : memref<1x79x128xi32, #tpu.memory_space<hbm>> -> memref<79x128xi32, #tpu.memory_space<hbm>>
      %dma_wait3A_41 = arith.constant 0 : i32
      %dma_wait3A_42 = arith.constant 0 : i32
      %dma_wait3A_43 = tpu.memref_slice %arg4[%add3A, %dma_wait3A_41, %dma_wait3A_42] : memref<32x79x128xi32, #tpu.memory_space<hbm>> -> memref<1x79x128xi32, #tpu.memory_space<hbm>>
      %dma_wait3A_44 = tpu.memref_squeeze %dma_wait3A_43 : memref<1x79x128xi32, #tpu.memory_space<hbm>> -> memref<79x128xi32, #tpu.memory_space<hbm>>
      tpu.wait_dma2 semaphore(%run_scoped3A_28 : memref<!tpu.dma_semaphore, #tpu.memory_space<semaphore_mem>>) src(%dma_wait3A_44 : memref<79x128xi32, #tpu.memory_space<hbm>>) dst(%arg7 : memref<79x128xi32, #tpu.memory_space<vmem>>)
      tpu.yield
    }) : () -> ()
    %barrier3A = arith.constant 0 : index
    tpu.barrier barrier_id(%barrier3A)
    %dma_start3A = arith.constant 0 : i32
    %dma_start3A_5 = arith.constant 0 : i32
    %dma_start3A_6 = tpu.memref_slice %arg6[%dma_start3A, %dma_start3A_5] : memref<79x128xi32, #tpu.memory_space<vmem>> -> memref<1x128xi32, #tpu.memory_space<vmem>>
    %dma_start3A_7 = tpu.memref_squeeze %dma_start3A_6 : memref<1x128xi32, #tpu.memory_space<vmem>> -> memref<128xi32, #tpu.memory_space<vmem>>
    %dma_start3A_8 = arith.constant 0 : i32
    %dma_start3A_9 = arith.constant 0 : i32
    %dma_start3A_10 = tpu.memref_slice %arg2[%dma_start3A_8, %dma_start3A_9] : memref<10112x64xf32, #tpu.memory_space<hbm>> -> memref<10112x64xf32, #tpu.memory_space<hbm>>
    tpu.enqueue_indirect_dma source(%dma_start3A_10 : memref<10112x64xf32, #tpu.memory_space<hbm>>) target(%arg8 : memref<128x64xf32, #tpu.memory_space<vmem>>) offsets(%dma_start3A_7 : memref<128xi32, #tpu.memory_space<vmem>>) semaphore(%arg12 : memref<!tpu.dma_semaphore, #tpu.memory_space<semaphore_mem>>)
    %scan3A = arith.constant 0 : i32
    %scan3A_11 = arith.constant 0 : i32
    %scan3A_12 = arith.constant 39 : i32
    %scan3A_13 = arith.addi %scan3A_11, %scan3A_12 : i32
    %scan3A_14 = arith.constant 1 : i32
    %scan3A_15 = scf.for %scan3A_28 = %scan3A_11 to %scan3A_13 step %scan3A_14 iter_args(%scan3A_29 = %scan3A) -> (i32)  : i32 {
      %mul3A_30 = arith.constant 2 : i32
      %mul3A_31 = arith.muli %mul3A_30, %scan3A_28 : i32
      %add3A_32 = arith.constant 1 : i32
      %add3A_33 = arith.addi %mul3A_31, %add3A_32 : i32
      %dma_start3A_34 = arith.constant 0 : i32
      %dma_start3A_35 = tpu.memref_slice %arg6[%add3A_33, %dma_start3A_34] : memref<79x128xi32, #tpu.memory_space<vmem>> -> memref<1x128xi32, #tpu.memory_space<vmem>>
      %dma_start3A_36 = tpu.memref_squeeze %dma_start3A_35 : memref<1x128xi32, #tpu.memory_space<vmem>> -> memref<128xi32, #tpu.memory_space<vmem>>
      %dma_start3A_37 = arith.constant 0 : i32
      %dma_start3A_38 = arith.constant 0 : i32
      %dma_start3A_39 = tpu.memref_slice %arg2[%dma_start3A_37, %dma_start3A_38] : memref<10112x64xf32, #tpu.memory_space<hbm>> -> memref<10112x64xf32, #tpu.memory_space<hbm>>
      tpu.enqueue_indirect_dma source(%dma_start3A_39 : memref<10112x64xf32, #tpu.memory_space<hbm>>) target(%arg9 : memref<128x64xf32, #tpu.memory_space<vmem>>) offsets(%dma_start3A_36 : memref<128xi32, #tpu.memory_space<vmem>>) semaphore(%arg13 : memref<!tpu.dma_semaphore, #tpu.memory_space<semaphore_mem>>)
      %dma_wait3A_40 = arith.constant 0 : i32
      %dma_wait3A_41 = arith.constant 0 : i32
      %dma_wait3A_42 = tpu.memref_slice %arg6[%dma_wait3A_40, %dma_wait3A_41] : memref<79x128xi32, #tpu.memory_space<vmem>> -> memref<1x128xi32, #tpu.memory_space<vmem>>
      %dma_wait3A_43 = tpu.memref_squeeze %dma_wait3A_42 : memref<1x128xi32, #tpu.memory_space<vmem>> -> memref<128xi32, #tpu.memory_space<vmem>>
      %dma_wait3A_44 = arith.constant 0 : i32
      %dma_wait3A_45 = arith.constant 0 : i32
      %dma_wait3A_46 = tpu.memref_slice %arg2[%dma_wait3A_44, %dma_wait3A_45] : memref<10112x64xf32, #tpu.memory_space<hbm>> -> memref<10112x64xf32, #tpu.memory_space<hbm>>
      tpu.wait_indirect_dma semaphore(%arg12 : memref<!tpu.dma_semaphore, #tpu.memory_space<semaphore_mem>>) src(%dma_wait3A_46 : memref<10112x64xf32, #tpu.memory_space<hbm>>) dst(%arg8 : memref<128x64xf32, #tpu.memory_space<vmem>>)
      "tpu.region"() ({
        %run_scoped3A_65 = tpu.sem_alloc : memref<!tpu.dma_semaphore, #tpu.memory_space<semaphore_mem>>
        %dma_start3A_66 = arith.constant 0 : i32
        %dma_start3A_67 = tpu.memref_slice %arg7[%mul3A_31, %dma_start3A_66] : memref<79x128xi32, #tpu.memory_space<vmem>> -> memref<1x128xi32, #tpu.memory_space<vmem>>
        %dma_start3A_68 = tpu.memref_squeeze %dma_start3A_67 : memref<1x128xi32, #tpu.memory_space<vmem>> -> memref<128xi32, #tpu.memory_space<vmem>>
        %dma_start3A_69 = arith.constant 0 : i32
        %dma_start3A_70 = arith.constant 0 : i32
        %dma_start3A_71 = tpu.memref_slice %arg11[%dma_start3A_69, %dma_start3A_70] : memref<10112x64xf32, #tpu.memory_space<vmem_shared>> -> memref<10112x64xf32, #tpu.memory_space<vmem_shared>>
        tpu.enqueue_indirect_dma source(%arg8 : memref<128x64xf32, #tpu.memory_space<vmem>>) target(%dma_start3A_71 : memref<10112x64xf32, #tpu.memory_space<vmem_shared>>) offsets(%dma_start3A_68 : memref<128xi32, #tpu.memory_space<vmem>>) semaphore(%run_scoped3A_65 : memref<!tpu.dma_semaphore, #tpu.memory_space<semaphore_mem>>) {add = true}
        %dma_wait3A_72 = arith.constant 0 : i32
        %dma_wait3A_73 = tpu.memref_slice %arg7[%mul3A_31, %dma_wait3A_72] : memref<79x128xi32, #tpu.memory_space<vmem>> -> memref<1x128xi32, #tpu.memory_space<vmem>>
        %dma_wait3A_74 = tpu.memref_squeeze %dma_wait3A_73 : memref<1x128xi32, #tpu.memory_space<vmem>> -> memref<128xi32, #tpu.memory_space<vmem>>
        %dma_wait3A_75 = arith.constant 0 : i32
        %dma_wait3A_76 = arith.constant 0 : i32
        %dma_wait3A_77 = tpu.memref_slice %arg11[%dma_wait3A_75, %dma_wait3A_76] : memref<10112x64xf32, #tpu.memory_space<vmem_shared>> -> memref<10112x64xf32, #tpu.memory_space<vmem_shared>>
        tpu.wait_indirect_dma semaphore(%run_scoped3A_65 : memref<!tpu.dma_semaphore, #tpu.memory_space<semaphore_mem>>) src(%arg8 : memref<128x64xf32, #tpu.memory_space<vmem>>) dst(%dma_wait3A_77 : memref<10112x64xf32, #tpu.memory_space<vmem_shared>>)
        tpu.yield
      }) : () -> ()
      %add3A_47 = arith.constant 2 : i32
      %add3A_48 = arith.addi %mul3A_31, %add3A_47 : i32
      %dma_start3A_49 = arith.constant 0 : i32
      %dma_start3A_50 = tpu.memref_slice %arg6[%add3A_48, %dma_start3A_49] : memref<79x128xi32, #tpu.memory_space<vmem>> -> memref<1x128xi32, #tpu.memory_space<vmem>>
      %dma_start3A_51 = tpu.memref_squeeze %dma_start3A_50 : memref<1x128xi32, #tpu.memory_space<vmem>> -> memref<128xi32, #tpu.memory_space<vmem>>
      %dma_start3A_52 = arith.constant 0 : i32
      %dma_start3A_53 = arith.constant 0 : i32
      %dma_start3A_54 = tpu.memref_slice %arg2[%dma_start3A_52, %dma_start3A_53] : memref<10112x64xf32, #tpu.memory_space<hbm>> -> memref<10112x64xf32, #tpu.memory_space<hbm>>
      tpu.enqueue_indirect_dma source(%dma_start3A_54 : memref<10112x64xf32, #tpu.memory_space<hbm>>) target(%arg8 : memref<128x64xf32, #tpu.memory_space<vmem>>) offsets(%dma_start3A_51 : memref<128xi32, #tpu.memory_space<vmem>>) semaphore(%arg12 : memref<!tpu.dma_semaphore, #tpu.memory_space<semaphore_mem>>)
      %dma_wait3A_55 = arith.constant 0 : i32
      %dma_wait3A_56 = arith.constant 0 : i32
      %dma_wait3A_57 = tpu.memref_slice %arg6[%dma_wait3A_55, %dma_wait3A_56] : memref<79x128xi32, #tpu.memory_space<vmem>> -> memref<1x128xi32, #tpu.memory_space<vmem>>
      %dma_wait3A_58 = tpu.memref_squeeze %dma_wait3A_57 : memref<1x128xi32, #tpu.memory_space<vmem>> -> memref<128xi32, #tpu.memory_space<vmem>>
      %dma_wait3A_59 = arith.constant 0 : i32
      %dma_wait3A_60 = arith.constant 0 : i32
      %dma_wait3A_61 = tpu.memref_slice %arg2[%dma_wait3A_59, %dma_wait3A_60] : memref<10112x64xf32, #tpu.memory_space<hbm>> -> memref<10112x64xf32, #tpu.memory_space<hbm>>
      tpu.wait_indirect_dma semaphore(%arg13 : memref<!tpu.dma_semaphore, #tpu.memory_space<semaphore_mem>>) src(%dma_wait3A_61 : memref<10112x64xf32, #tpu.memory_space<hbm>>) dst(%arg9 : memref<128x64xf32, #tpu.memory_space<vmem>>)
      %add3A_62 = arith.constant 1 : i32
      %add3A_63 = arith.addi %mul3A_31, %add3A_62 : i32
      "tpu.region"() ({
        %run_scoped3A_65 = tpu.sem_alloc : memref<!tpu.dma_semaphore, #tpu.memory_space<semaphore_mem>>
        %dma_start3A_66 = arith.constant 0 : i32
        %dma_start3A_67 = tpu.memref_slice %arg7[%add3A_63, %dma_start3A_66] : memref<79x128xi32, #tpu.memory_space<vmem>> -> memref<1x128xi32, #tpu.memory_space<vmem>>
        %dma_start3A_68 = tpu.memref_squeeze %dma_start3A_67 : memref<1x128xi32, #tpu.memory_space<vmem>> -> memref<128xi32, #tpu.memory_space<vmem>>
        %dma_start3A_69 = arith.constant 0 : i32
        %dma_start3A_70 = arith.constant 0 : i32
        %dma_start3A_71 = tpu.memref_slice %arg11[%dma_start3A_69, %dma_start3A_70] : memref<10112x64xf32, #tpu.memory_space<vmem_shared>> -> memref<10112x64xf32, #tpu.memory_space<vmem_shared>>
        tpu.enqueue_indirect_dma source(%arg9 : memref<128x64xf32, #tpu.memory_space<vmem>>) target(%dma_start3A_71 : memref<10112x64xf32, #tpu.memory_space<vmem_shared>>) offsets(%dma_start3A_68 : memref<128xi32, #tpu.memory_space<vmem>>) semaphore(%run_scoped3A_65 : memref<!tpu.dma_semaphore, #tpu.memory_space<semaphore_mem>>) {add = true}
        %dma_wait3A_72 = arith.constant 0 : i32
        %dma_wait3A_73 = tpu.memref_slice %arg7[%add3A_63, %dma_wait3A_72] : memref<79x128xi32, #tpu.memory_space<vmem>> -> memref<1x128xi32, #tpu.memory_space<vmem>>
        %dma_wait3A_74 = tpu.memref_squeeze %dma_wait3A_73 : memref<1x128xi32, #tpu.memory_space<vmem>> -> memref<128xi32, #tpu.memory_space<vmem>>
        %dma_wait3A_75 = arith.constant 0 : i32
        %dma_wait3A_76 = arith.constant 0 : i32
        %dma_wait3A_77 = tpu.memref_slice %arg11[%dma_wait3A_75, %dma_wait3A_76] : memref<10112x64xf32, #tpu.memory_space<vmem_shared>> -> memref<10112x64xf32, #tpu.memory_space<vmem_shared>>
        tpu.wait_indirect_dma semaphore(%run_scoped3A_65 : memref<!tpu.dma_semaphore, #tpu.memory_space<semaphore_mem>>) src(%arg9 : memref<128x64xf32, #tpu.memory_space<vmem>>) dst(%dma_wait3A_77 : memref<10112x64xf32, #tpu.memory_space<vmem_shared>>)
        tpu.yield
      }) : () -> ()
      %scan3A_64 = arith.constant 0 : i32
      scf.yield %scan3A_64 : i32
    }
    %scan3A_16 = arith.constant 39 : i32
    %dma_wait3A = arith.constant 0 : i32
    %dma_wait3A_17 = arith.constant 0 : i32
    %dma_wait3A_18 = tpu.memref_slice %arg6[%dma_wait3A, %dma_wait3A_17] : memref<79x128xi32, #tpu.memory_space<vmem>> -> memref<1x128xi32, #tpu.memory_space<vmem>>
    %dma_wait3A_19 = tpu.memref_squeeze %dma_wait3A_18 : memref<1x128xi32, #tpu.memory_space<vmem>> -> memref<128xi32, #tpu.memory_space<vmem>>
    %dma_wait3A_20 = arith.constant 0 : i32
    %dma_wait3A_21 = arith.constant 0 : i32
    %dma_wait3A_22 = tpu.memref_slice %arg2[%dma_wait3A_20, %dma_wait3A_21] : memref<10112x64xf32, #tpu.memory_space<hbm>> -> memref<10112x64xf32, #tpu.memory_space<hbm>>
    tpu.wait_indirect_dma semaphore(%arg12 : memref<!tpu.dma_semaphore, #tpu.memory_space<semaphore_mem>>) src(%dma_wait3A_22 : memref<10112x64xf32, #tpu.memory_space<hbm>>) dst(%arg8 : memref<128x64xf32, #tpu.memory_space<vmem>>)
    %run_scoped3A = arith.constant 78 : i32
    "tpu.region"() ({
      %run_scoped3A_28 = tpu.sem_alloc : memref<!tpu.dma_semaphore, #tpu.memory_space<semaphore_mem>>
      %dma_start3A_29 = arith.constant 0 : i32
      %dma_start3A_30 = tpu.memref_slice %arg7[%run_scoped3A, %dma_start3A_29] : memref<79x128xi32, #tpu.memory_space<vmem>> -> memref<1x128xi32, #tpu.memory_space<vmem>>
      %dma_start3A_31 = tpu.memref_squeeze %dma_start3A_30 : memref<1x128xi32, #tpu.memory_space<vmem>> -> memref<128xi32, #tpu.memory_space<vmem>>
      %dma_start3A_32 = arith.constant 0 : i32
      %dma_start3A_33 = arith.constant 0 : i32
      %dma_start3A_34 = tpu.memref_slice %arg11[%dma_start3A_32, %dma_start3A_33] : memref<10112x64xf32, #tpu.memory_space<vmem_shared>> -> memref<10112x64xf32, #tpu.memory_space<vmem_shared>>
      tpu.enqueue_indirect_dma source(%arg8 : memref<128x64xf32, #tpu.memory_space<vmem>>) target(%dma_start3A_34 : memref<10112x64xf32, #tpu.memory_space<vmem_shared>>) offsets(%dma_start3A_31 : memref<128xi32, #tpu.memory_space<vmem>>) semaphore(%run_scoped3A_28 : memref<!tpu.dma_semaphore, #tpu.memory_space<semaphore_mem>>) {add = true}
      %dma_wait3A_35 = arith.constant 0 : i32
      %dma_wait3A_36 = tpu.memref_slice %arg7[%run_scoped3A, %dma_wait3A_35] : memref<79x128xi32, #tpu.memory_space<vmem>> -> memref<1x128xi32, #tpu.memory_space<vmem>>
      %dma_wait3A_37 = tpu.memref_squeeze %dma_wait3A_36 : memref<1x128xi32, #tpu.memory_space<vmem>> -> memref<128xi32, #tpu.memory_space<vmem>>
      %dma_wait3A_38 = arith.constant 0 : i32
      %dma_wait3A_39 = arith.constant 0 : i32
      %dma_wait3A_40 = tpu.memref_slice %arg11[%dma_wait3A_38, %dma_wait3A_39] : memref<10112x64xf32, #tpu.memory_space<vmem_shared>> -> memref<10112x64xf32, #tpu.memory_space<vmem_shared>>
      tpu.wait_indirect_dma semaphore(%run_scoped3A_28 : memref<!tpu.dma_semaphore, #tpu.memory_space<semaphore_mem>>) src(%arg8 : memref<128x64xf32, #tpu.memory_space<vmem>>) dst(%dma_wait3A_40 : memref<10112x64xf32, #tpu.memory_space<vmem_shared>>)
      tpu.yield
    }) : () -> ()
    %barrier3A_23 = arith.constant 0 : index
    tpu.barrier barrier_id(%barrier3A_23)
    %mul3A_24 = arith.constant 632 : i32
    %mul3A_25 = arith.muli %arg1, %mul3A_24 : i32
    "tpu.region"() ({
      %run_scoped3A_28 = tpu.sem_alloc : memref<!tpu.dma_semaphore, #tpu.memory_space<semaphore_mem>>
      %dma_start3A_29 = arith.constant 0 : i32
      %dma_start3A_30 = tpu.memref_slice %arg11[%mul3A_25, %dma_start3A_29] : memref<10112x64xf32, #tpu.memory_space<vmem_shared>> -> memref<632x64xf32, #tpu.memory_space<vmem_shared>>
      %dma_start3A_31 = arith.constant 0 : i32
      %dma_start3A_32 = tpu.memref_slice %arg11[%mul3A_25, %dma_start3A_31] : memref<10112x64xf32, #tpu.memory_space<vmem_shared>> -> memref<632x64xf32, #tpu.memory_space<vmem_shared>>
      tpu.enqueue_dma source(%dma_start3A_32 : memref<632x64xf32, #tpu.memory_space<vmem_shared>>) target(%arg10 : memref<632x64xf32, #tpu.memory_space<vmem>>) target_semaphore(%run_scoped3A_28 : memref<!tpu.dma_semaphore, #tpu.memory_space<semaphore_mem>>)
      %dma_wait3A_33 = arith.constant 0 : i32
      %dma_wait3A_34 = tpu.memref_slice %arg11[%mul3A_25, %dma_wait3A_33] : memref<10112x64xf32, #tpu.memory_space<vmem_shared>> -> memref<632x64xf32, #tpu.memory_space<vmem_shared>>
      %dma_wait3A_35 = arith.constant 0 : i32
      %dma_wait3A_36 = tpu.memref_slice %arg11[%mul3A_25, %dma_wait3A_35] : memref<10112x64xf32, #tpu.memory_space<vmem_shared>> -> memref<632x64xf32, #tpu.memory_space<vmem_shared>>
      tpu.wait_dma2 semaphore(%run_scoped3A_28 : memref<!tpu.dma_semaphore, #tpu.memory_space<semaphore_mem>>) src(%dma_wait3A_36 : memref<632x64xf32, #tpu.memory_space<vmem_shared>>) dst(%arg10 : memref<632x64xf32, #tpu.memory_space<vmem>>)
      tpu.yield
    }) : () -> ()
    %mul3A_26 = arith.constant 632 : i32
    %mul3A_27 = arith.muli %arg1, %mul3A_26 : i32
    "tpu.region"() ({
      %run_scoped3A_28 = tpu.sem_alloc : memref<!tpu.dma_semaphore, #tpu.memory_space<semaphore_mem>>
      %dma_start3A_29 = arith.constant 0 : i32
      %dma_start3A_30 = tpu.memref_slice %arg5[%arg0, %mul3A_27, %dma_start3A_29] : memref<2x10112x64xf32, #tpu.memory_space<hbm>> -> memref<1x632x64xf32, #tpu.memory_space<hbm>>
      %dma_start3A_31 = tpu.memref_squeeze %dma_start3A_30 : memref<1x632x64xf32, #tpu.memory_space<hbm>> -> memref<632x64xf32, #tpu.memory_space<hbm>>
      %dma_start3A_32 = arith.constant 0 : i32
      %dma_start3A_33 = tpu.memref_slice %arg5[%arg0, %mul3A_27, %dma_start3A_32] : memref<2x10112x64xf32, #tpu.memory_space<hbm>> -> memref<1x632x64xf32, #tpu.memory_space<hbm>>
      %dma_start3A_34 = tpu.memref_squeeze %dma_start3A_33 : memref<1x632x64xf32, #tpu.memory_space<hbm>> -> memref<632x64xf32, #tpu.memory_space<hbm>>
      tpu.enqueue_dma source(%arg10 : memref<632x64xf32, #tpu.memory_space<vmem>>) target(%dma_start3A_34 : memref<632x64xf32, #tpu.memory_space<hbm>>) target_semaphore(%run_scoped3A_28 : memref<!tpu.dma_semaphore, #tpu.memory_space<semaphore_mem>>)
      %dma_wait3A_35 = arith.constant 0 : i32
      %dma_wait3A_36 = tpu.memref_slice %arg5[%arg0, %mul3A_27, %dma_wait3A_35] : memref<2x10112x64xf32, #tpu.memory_space<hbm>> -> memref<1x632x64xf32, #tpu.memory_space<hbm>>
      %dma_wait3A_37 = tpu.memref_squeeze %dma_wait3A_36 : memref<1x632x64xf32, #tpu.memory_space<hbm>> -> memref<632x64xf32, #tpu.memory_space<hbm>>
      %dma_wait3A_38 = arith.constant 0 : i32
      %dma_wait3A_39 = tpu.memref_slice %arg5[%arg0, %mul3A_27, %dma_wait3A_38] : memref<2x10112x64xf32, #tpu.memory_space<hbm>> -> memref<1x632x64xf32, #tpu.memory_space<hbm>>
      %dma_wait3A_40 = tpu.memref_squeeze %dma_wait3A_39 : memref<1x632x64xf32, #tpu.memory_space<hbm>> -> memref<632x64xf32, #tpu.memory_space<hbm>>
      tpu.wait_dma2 semaphore(%run_scoped3A_28 : memref<!tpu.dma_semaphore, #tpu.memory_space<semaphore_mem>>) src(%arg10 : memref<632x64xf32, #tpu.memory_space<vmem>>) dst(%dma_wait3A_40 : memref<632x64xf32, #tpu.memory_space<hbm>>)
      tpu.yield
    }) : () -> ()
    return
  }
}

#map = affine_map<(d0, d1) -> (0, 0, 0)>
module attributes {stable_mosaic.version = 14 : i64} {
  func.func @_deg_body(%arg0: i32, %arg1: i32, %arg2: memref<32x79x128xi32, #tpu.memory_space<hbm>>, %arg3: memref<2x10112x16xf32, #tpu.memory_space<hbm>>, %arg4: memref<79x128xi32, #tpu.memory_space<vmem>>, %arg5: memref<128x16xf32, #tpu.memory_space<vmem>>, %arg6: memref<632x16xf32, #tpu.memory_space<vmem>>, %arg7: memref<10112x16xf32, #tpu.memory_space<vmem_shared>>, %arg8: memref<!tpu.dma_semaphore, #tpu.memory_space<semaphore_mem>>) attributes {dimension_semantics = [#tpu.dimension_semantics<core_parallel>, #tpu.dimension_semantics<subcore_parallel>], iteration_bounds = array<i64: 2, 16>, scalar_prefetch = 0 : i64, scratch_operands = 5 : i64, tpu.core_type = #tpu.core_type<sc_vector_subcore>, window_params = [{transform_indices = #map}, {transform_indices = #map}]} {
    %mul3A = arith.constant 16 : i32
    %mul3A_0 = arith.muli %arg0, %mul3A : i32
    %add3A = arith.addi %mul3A_0, %arg1 : i32
    %scan3A = arith.constant 0 : i32
    %scan3A_1 = arith.constant 0 : i32
    %scan3A_2 = arith.constant 128 : i32
    %scan3A_3 = arith.addi %scan3A_1, %scan3A_2 : i32
    %scan3A_4 = arith.constant 1 : i32
    %scan3A_5 = scf.for %scan3A_28 = %scan3A_1 to %scan3A_3 step %scan3A_4 iter_args(%scan3A_29 = %scan3A) -> (i32)  : i32 {
      %broadcast_in_dim3A = arith.constant 1.000000e+00 : f32
      %broadcast_in_dim3A_30 = vector.broadcast %broadcast_in_dim3A : f32 to vector<16xf32>
      %swap3A = arith.index_cast %scan3A_28 : i32 to index
      %swap3A_31 = arith.constant 0 : index
      %swap3A_32 = tpu.vector_load %arg5[%swap3A, %swap3A_31] {strides = array<i32>} : memref<128x16xf32, #tpu.memory_space<vmem>>, vector<1x16xf32>,
      %swap3A_33 = vector.shape_cast %swap3A_32 : vector<1x16xf32> to vector<16xf32>
      %swap3A_34 = vector.shape_cast %broadcast_in_dim3A_30 : vector<16xf32> to vector<1x16xf32>
      tpu.vector_store %arg5[%swap3A, %swap3A_31], %swap3A_34 {strides = array<i32>} : memref<128x16xf32, #tpu.memory_space<vmem>>, vector<1x16xf32>,
      %scan3A_35 = arith.constant 0 : i32
      scf.yield %scan3A_35 : i32
    }
    %scan3A_6 = arith.constant 128 : i32
    %scan3A_7 = arith.constant 0 : i32
    %scan3A_8 = arith.constant 0 : i32
    %scan3A_9 = arith.constant 632 : i32
    %scan3A_10 = arith.addi %scan3A_8, %scan3A_9 : i32
    %scan3A_11 = arith.constant 1 : i32
    %scan3A_12 = scf.for %scan3A_28 = %scan3A_8 to %scan3A_10 step %scan3A_11 iter_args(%scan3A_29 = %scan3A_7) -> (i32)  : i32 {
      %broadcast_in_dim3A = arith.constant 0.000000e+00 : f32
      %broadcast_in_dim3A_30 = vector.broadcast %broadcast_in_dim3A : f32 to vector<16xf32>
      %swap3A = arith.index_cast %scan3A_28 : i32 to index
      %swap3A_31 = arith.constant 0 : index
      %swap3A_32 = tpu.vector_load %arg6[%swap3A, %swap3A_31] {strides = array<i32>} : memref<632x16xf32, #tpu.memory_space<vmem>>, vector<1x16xf32>,
      %swap3A_33 = vector.shape_cast %swap3A_32 : vector<1x16xf32> to vector<16xf32>
      %swap3A_34 = vector.shape_cast %broadcast_in_dim3A_30 : vector<16xf32> to vector<1x16xf32>
      tpu.vector_store %arg6[%swap3A, %swap3A_31], %swap3A_34 {strides = array<i32>} : memref<632x16xf32, #tpu.memory_space<vmem>>, vector<1x16xf32>,
      %scan3A_35 = arith.constant 0 : i32
      scf.yield %scan3A_35 : i32
    }
    %scan3A_13 = arith.constant 632 : i32
    %mul3A_14 = arith.constant 632 : i32
    %mul3A_15 = arith.muli %arg1, %mul3A_14 : i32
    "tpu.region"() ({
      %run_scoped3A = tpu.sem_alloc : memref<!tpu.dma_semaphore, #tpu.memory_space<semaphore_mem>>
      %dma_start3A = arith.constant 0 : i32
      %dma_start3A_28 = tpu.memref_slice %arg7[%mul3A_15, %dma_start3A] : memref<10112x16xf32, #tpu.memory_space<vmem_shared>> -> memref<632x16xf32, #tpu.memory_space<vmem_shared>>
      %dma_start3A_29 = arith.constant 0 : i32
      %dma_start3A_30 = tpu.memref_slice %arg7[%mul3A_15, %dma_start3A_29] : memref<10112x16xf32, #tpu.memory_space<vmem_shared>> -> memref<632x16xf32, #tpu.memory_space<vmem_shared>>
      tpu.enqueue_dma source(%arg6 : memref<632x16xf32, #tpu.memory_space<vmem>>) target(%dma_start3A_30 : memref<632x16xf32, #tpu.memory_space<vmem_shared>>) target_semaphore(%run_scoped3A : memref<!tpu.dma_semaphore, #tpu.memory_space<semaphore_mem>>)
      %dma_wait3A = arith.constant 0 : i32
      %dma_wait3A_31 = tpu.memref_slice %arg7[%mul3A_15, %dma_wait3A] : memref<10112x16xf32, #tpu.memory_space<vmem_shared>> -> memref<632x16xf32, #tpu.memory_space<vmem_shared>>
      %dma_wait3A_32 = arith.constant 0 : i32
      %dma_wait3A_33 = tpu.memref_slice %arg7[%mul3A_15, %dma_wait3A_32] : memref<10112x16xf32, #tpu.memory_space<vmem_shared>> -> memref<632x16xf32, #tpu.memory_space<vmem_shared>>
      tpu.wait_dma2 semaphore(%run_scoped3A : memref<!tpu.dma_semaphore, #tpu.memory_space<semaphore_mem>>) src(%arg6 : memref<632x16xf32, #tpu.memory_space<vmem>>) dst(%dma_wait3A_33 : memref<632x16xf32, #tpu.memory_space<vmem_shared>>)
      tpu.yield
    }) : () -> ()
    "tpu.region"() ({
      %run_scoped3A = tpu.sem_alloc : memref<!tpu.dma_semaphore, #tpu.memory_space<semaphore_mem>>
      %dma_start3A = arith.constant 0 : i32
      %dma_start3A_28 = arith.constant 0 : i32
      %dma_start3A_29 = tpu.memref_slice %arg2[%add3A, %dma_start3A, %dma_start3A_28] : memref<32x79x128xi32, #tpu.memory_space<hbm>> -> memref<1x79x128xi32, #tpu.memory_space<hbm>>
      %dma_start3A_30 = tpu.memref_squeeze %dma_start3A_29 : memref<1x79x128xi32, #tpu.memory_space<hbm>> -> memref<79x128xi32, #tpu.memory_space<hbm>>
      %dma_start3A_31 = arith.constant 0 : i32
      %dma_start3A_32 = arith.constant 0 : i32
      %dma_start3A_33 = tpu.memref_slice %arg2[%add3A, %dma_start3A_31, %dma_start3A_32] : memref<32x79x128xi32, #tpu.memory_space<hbm>> -> memref<1x79x128xi32, #tpu.memory_space<hbm>>
      %dma_start3A_34 = tpu.memref_squeeze %dma_start3A_33 : memref<1x79x128xi32, #tpu.memory_space<hbm>> -> memref<79x128xi32, #tpu.memory_space<hbm>>
      tpu.enqueue_dma source(%dma_start3A_34 : memref<79x128xi32, #tpu.memory_space<hbm>>) target(%arg4 : memref<79x128xi32, #tpu.memory_space<vmem>>) target_semaphore(%run_scoped3A : memref<!tpu.dma_semaphore, #tpu.memory_space<semaphore_mem>>)
      %dma_wait3A = arith.constant 0 : i32
      %dma_wait3A_35 = arith.constant 0 : i32
      %dma_wait3A_36 = tpu.memref_slice %arg2[%add3A, %dma_wait3A, %dma_wait3A_35] : memref<32x79x128xi32, #tpu.memory_space<hbm>> -> memref<1x79x128xi32, #tpu.memory_space<hbm>>
      %dma_wait3A_37 = tpu.memref_squeeze %dma_wait3A_36 : memref<1x79x128xi32, #tpu.memory_space<hbm>> -> memref<79x128xi32, #tpu.memory_space<hbm>>
      %dma_wait3A_38 = arith.constant 0 : i32
      %dma_wait3A_39 = arith.constant 0 : i32
      %dma_wait3A_40 = tpu.memref_slice %arg2[%add3A, %dma_wait3A_38, %dma_wait3A_39] : memref<32x79x128xi32, #tpu.memory_space<hbm>> -> memref<1x79x128xi32, #tpu.memory_space<hbm>>
      %dma_wait3A_41 = tpu.memref_squeeze %dma_wait3A_40 : memref<1x79x128xi32, #tpu.memory_space<hbm>> -> memref<79x128xi32, #tpu.memory_space<hbm>>
      tpu.wait_dma2 semaphore(%run_scoped3A : memref<!tpu.dma_semaphore, #tpu.memory_space<semaphore_mem>>) src(%dma_wait3A_41 : memref<79x128xi32, #tpu.memory_space<hbm>>) dst(%arg4 : memref<79x128xi32, #tpu.memory_space<vmem>>)
      tpu.yield
    }) : () -> ()
    %barrier3A = arith.constant 0 : index
    tpu.barrier barrier_id(%barrier3A)
    %scan3A_16 = arith.constant 0 : i32
    %scan3A_17 = arith.constant 0 : i32
    %scan3A_18 = arith.constant 79 : i32
    %scan3A_19 = arith.addi %scan3A_17, %scan3A_18 : i32
    %scan3A_20 = arith.constant 1 : i32
    %scan3A_21 = scf.for %scan3A_28 = %scan3A_17 to %scan3A_19 step %scan3A_20 iter_args(%scan3A_29 = %scan3A_16) -> (i32)  : i32 {
      "tpu.region"() ({
        %run_scoped3A = tpu.sem_alloc : memref<!tpu.dma_semaphore, #tpu.memory_space<semaphore_mem>>
        %dma_start3A = arith.constant 0 : i32
        %dma_start3A_31 = tpu.memref_slice %arg4[%scan3A_28, %dma_start3A] : memref<79x128xi32, #tpu.memory_space<vmem>> -> memref<1x128xi32, #tpu.memory_space<vmem>>
        %dma_start3A_32 = tpu.memref_squeeze %dma_start3A_31 : memref<1x128xi32, #tpu.memory_space<vmem>> -> memref<128xi32, #tpu.memory_space<vmem>>
        %dma_start3A_33 = arith.constant 0 : i32
        %dma_start3A_34 = arith.constant 0 : i32
        %dma_start3A_35 = tpu.memref_slice %arg7[%dma_start3A_33, %dma_start3A_34] : memref<10112x16xf32, #tpu.memory_space<vmem_shared>> -> memref<10112x16xf32, #tpu.memory_space<vmem_shared>>
        tpu.enqueue_indirect_dma source(%arg5 : memref<128x16xf32, #tpu.memory_space<vmem>>) target(%dma_start3A_35 : memref<10112x16xf32, #tpu.memory_space<vmem_shared>>) offsets(%dma_start3A_32 : memref<128xi32, #tpu.memory_space<vmem>>) semaphore(%run_scoped3A : memref<!tpu.dma_semaphore, #tpu.memory_space<semaphore_mem>>) {add = true}
        %dma_wait3A = arith.constant 0 : i32
        %dma_wait3A_36 = tpu.memref_slice %arg4[%scan3A_28, %dma_wait3A] : memref<79x128xi32, #tpu.memory_space<vmem>> -> memref<1x128xi32, #tpu.memory_space<vmem>>
        %dma_wait3A_37 = tpu.memref_squeeze %dma_wait3A_36 : memref<1x128xi32, #tpu.memory_space<vmem>> -> memref<128xi32, #tpu.memory_space<vmem>>
        %dma_wait3A_38 = arith.constant 0 : i32
        %dma_wait3A_39 = arith.constant 0 : i32
        %dma_wait3A_40 = tpu.memref_slice %arg7[%dma_wait3A_38, %dma_wait3A_39] : memref<10112x16xf32, #tpu.memory_space<vmem_shared>> -> memref<10112x16xf32, #tpu.memory_space<vmem_shared>>
        tpu.wait_indirect_dma semaphore(%run_scoped3A : memref<!tpu.dma_semaphore, #tpu.memory_space<semaphore_mem>>) src(%arg5 : memref<128x16xf32, #tpu.memory_space<vmem>>) dst(%dma_wait3A_40 : memref<10112x16xf32, #tpu.memory_space<vmem_shared>>)
        tpu.yield
      }) : () -> ()
      %scan3A_30 = arith.constant 0 : i32
      scf.yield %scan3A_30 : i32
    }
    %scan3A_22 = arith.constant 79 : i32
    %barrier3A_23 = arith.constant 0 : index
    tpu.barrier barrier_id(%barrier3A_23)
    %mul3A_24 = arith.constant 632 : i32
    %mul3A_25 = arith.muli %arg1, %mul3A_24 : i32
    "tpu.region"() ({
      %run_scoped3A = tpu.sem_alloc : memref<!tpu.dma_semaphore, #tpu.memory_space<semaphore_mem>>
      %dma_start3A = arith.constant 0 : i32
      %dma_start3A_28 = tpu.memref_slice %arg7[%mul3A_25, %dma_start3A] : memref<10112x16xf32, #tpu.memory_space<vmem_shared>> -> memref<632x16xf32, #tpu.memory_space<vmem_shared>>
      %dma_start3A_29 = arith.constant 0 : i32
      %dma_start3A_30 = tpu.memref_slice %arg7[%mul3A_25, %dma_start3A_29] : memref<10112x16xf32, #tpu.memory_space<vmem_shared>> -> memref<632x16xf32, #tpu.memory_space<vmem_shared>>
      tpu.enqueue_dma source(%dma_start3A_30 : memref<632x16xf32, #tpu.memory_space<vmem_shared>>) target(%arg6 : memref<632x16xf32, #tpu.memory_space<vmem>>) target_semaphore(%run_scoped3A : memref<!tpu.dma_semaphore, #tpu.memory_space<semaphore_mem>>)
      %dma_wait3A = arith.constant 0 : i32
      %dma_wait3A_31 = tpu.memref_slice %arg7[%mul3A_25, %dma_wait3A] : memref<10112x16xf32, #tpu.memory_space<vmem_shared>> -> memref<632x16xf32, #tpu.memory_space<vmem_shared>>
      %dma_wait3A_32 = arith.constant 0 : i32
      %dma_wait3A_33 = tpu.memref_slice %arg7[%mul3A_25, %dma_wait3A_32] : memref<10112x16xf32, #tpu.memory_space<vmem_shared>> -> memref<632x16xf32, #tpu.memory_space<vmem_shared>>
      tpu.wait_dma2 semaphore(%run_scoped3A : memref<!tpu.dma_semaphore, #tpu.memory_space<semaphore_mem>>) src(%dma_wait3A_33 : memref<632x16xf32, #tpu.memory_space<vmem_shared>>) dst(%arg6 : memref<632x16xf32, #tpu.memory_space<vmem>>)
      tpu.yield
    }) : () -> ()
    %mul3A_26 = arith.constant 632 : i32
    %mul3A_27 = arith.muli %arg1, %mul3A_26 : i32
    "tpu.region"() ({
      %run_scoped3A = tpu.sem_alloc : memref<!tpu.dma_semaphore, #tpu.memory_space<semaphore_mem>>
      %dma_start3A = arith.constant 0 : i32
      %dma_start3A_28 = tpu.memref_slice %arg3[%arg0, %mul3A_27, %dma_start3A] : memref<2x10112x16xf32, #tpu.memory_space<hbm>> -> memref<1x632x16xf32, #tpu.memory_space<hbm>>
      %dma_start3A_29 = tpu.memref_squeeze %dma_start3A_28 : memref<1x632x16xf32, #tpu.memory_space<hbm>> -> memref<632x16xf32, #tpu.memory_space<hbm>>
      %dma_start3A_30 = arith.constant 0 : i32
      %dma_start3A_31 = tpu.memref_slice %arg3[%arg0, %mul3A_27, %dma_start3A_30] : memref<2x10112x16xf32, #tpu.memory_space<hbm>> -> memref<1x632x16xf32, #tpu.memory_space<hbm>>
      %dma_start3A_32 = tpu.memref_squeeze %dma_start3A_31 : memref<1x632x16xf32, #tpu.memory_space<hbm>> -> memref<632x16xf32, #tpu.memory_space<hbm>>
      tpu.enqueue_dma source(%arg6 : memref<632x16xf32, #tpu.memory_space<vmem>>) target(%dma_start3A_32 : memref<632x16xf32, #tpu.memory_space<hbm>>) target_semaphore(%run_scoped3A : memref<!tpu.dma_semaphore, #tpu.memory_space<semaphore_mem>>)
      %dma_wait3A = arith.constant 0 : i32
      %dma_wait3A_33 = tpu.memref_slice %arg3[%arg0, %mul3A_27, %dma_wait3A] : memref<2x10112x16xf32, #tpu.memory_space<hbm>> -> memref<1x632x16xf32, #tpu.memory_space<hbm>>
      %dma_wait3A_34 = tpu.memref_squeeze %dma_wait3A_33 : memref<1x632x16xf32, #tpu.memory_space<hbm>> -> memref<632x16xf32, #tpu.memory_space<hbm>>
      %dma_wait3A_35 = arith.constant 0 : i32
      %dma_wait3A_36 = tpu.memref_slice %arg3[%arg0, %mul3A_27, %dma_wait3A_35] : memref<2x10112x16xf32, #tpu.memory_space<hbm>> -> memref<1x632x16xf32, #tpu.memory_space<hbm>>
      %dma_wait3A_37 = tpu.memref_squeeze %dma_wait3A_36 : memref<1x632x16xf32, #tpu.memory_space<hbm>> -> memref<632x16xf32, #tpu.memory_space<hbm>>
      tpu.wait_dma2 semaphore(%run_scoped3A : memref<!tpu.dma_semaphore, #tpu.memory_space<semaphore_mem>>) src(%arg6 : memref<632x16xf32, #tpu.memory_space<vmem>>) dst(%dma_wait3A_37 : memref<632x16xf32, #tpu.memory_space<hbm>>)
      tpu.yield
    }) : () -> ()
    return
  }
}

#map = affine_map<(d0, d1) -> (0, 0)>
#map1 = affine_map<(d0, d1) -> (0, 0, 0)>
module attributes {stable_mosaic.version = 14 : i64} {
  func.func @_layer_body(%arg0: i32, %arg1: i32, %arg2: memref<10112x64xf32, #tpu.memory_space<hbm>>, %arg3: memref<32x79x128xi32, #tpu.memory_space<hbm>>, %arg4: memref<32x79x128xi32, #tpu.memory_space<hbm>>, %arg5: memref<2x10112x64xf32, #tpu.memory_space<hbm>>, %arg6: memref<79x128xi32, #tpu.memory_space<vmem>>, %arg7: memref<79x128xi32, #tpu.memory_space<vmem>>, %arg8: memref<128x64xf32, #tpu.memory_space<vmem>>, %arg9: memref<128x64xf32, #tpu.memory_space<vmem>>, %arg10: memref<632x64xf32, #tpu.memory_space<vmem>>, %arg11: memref<10112x64xf32, #tpu.memory_space<vmem_shared>>, %arg12: memref<!tpu.dma_semaphore, #tpu.memory_space<semaphore_mem>>, %arg13: memref<!tpu.dma_semaphore, #tpu.memory_space<semaphore_mem>>) attributes {dimension_semantics = [#tpu.dimension_semantics<core_parallel>, #tpu.dimension_semantics<subcore_parallel>], iteration_bounds = array<i64: 2, 16>, scalar_prefetch = 0 : i64, scratch_operands = 8 : i64, tpu.core_type = #tpu.core_type<sc_vector_subcore>, window_params = [{transform_indices = #map}, {transform_indices = #map1}, {transform_indices = #map1}, {transform_indices = #map1}]} {
    %mul3A = arith.constant 16 : i32
    %mul3A_0 = arith.muli %arg0, %mul3A : i32
    %add3A = arith.addi %mul3A_0, %arg1 : i32
    %mul3A_1 = arith.constant 632 : i32
    %mul3A_2 = arith.muli %arg1, %mul3A_1 : i32
    "tpu.region"() ({
      %run_scoped3A_28 = tpu.sem_alloc : memref<!tpu.dma_semaphore, #tpu.memory_space<semaphore_mem>>
      %dma_start3A_29 = arith.constant 0 : i32
      %dma_start3A_30 = tpu.memref_slice %arg2[%mul3A_2, %dma_start3A_29] : memref<10112x64xf32, #tpu.memory_space<hbm>> -> memref<632x64xf32, #tpu.memory_space<hbm>>
      %dma_start3A_31 = arith.constant 0 : i32
      %dma_start3A_32 = tpu.memref_slice %arg2[%mul3A_2, %dma_start3A_31] : memref<10112x64xf32, #tpu.memory_space<hbm>> -> memref<632x64xf32, #tpu.memory_space<hbm>>
      tpu.enqueue_dma source(%dma_start3A_32 : memref<632x64xf32, #tpu.memory_space<hbm>>) target(%arg10 : memref<632x64xf32, #tpu.memory_space<vmem>>) target_semaphore(%run_scoped3A_28 : memref<!tpu.dma_semaphore, #tpu.memory_space<semaphore_mem>>)
      %dma_wait3A_33 = arith.constant 0 : i32
      %dma_wait3A_34 = tpu.memref_slice %arg2[%mul3A_2, %dma_wait3A_33] : memref<10112x64xf32, #tpu.memory_space<hbm>> -> memref<632x64xf32, #tpu.memory_space<hbm>>
      %dma_wait3A_35 = arith.constant 0 : i32
      %dma_wait3A_36 = tpu.memref_slice %arg2[%mul3A_2, %dma_wait3A_35] : memref<10112x64xf32, #tpu.memory_space<hbm>> -> memref<632x64xf32, #tpu.memory_space<hbm>>
      tpu.wait_dma2 semaphore(%run_scoped3A_28 : memref<!tpu.dma_semaphore, #tpu.memory_space<semaphore_mem>>) src(%dma_wait3A_36 : memref<632x64xf32, #tpu.memory_space<hbm>>) dst(%arg10 : memref<632x64xf32, #tpu.memory_space<vmem>>)
      tpu.yield
    }) : () -> ()
    %mul3A_3 = arith.constant 632 : i32
    %mul3A_4 = arith.muli %arg1, %mul3A_3 : i32
    "tpu.region"() ({
      %run_scoped3A_28 = tpu.sem_alloc : memref<!tpu.dma_semaphore, #tpu.memory_space<semaphore_mem>>
      %dma_start3A_29 = arith.constant 0 : i32
      %dma_start3A_30 = tpu.memref_slice %arg11[%mul3A_4, %dma_start3A_29] : memref<10112x64xf32, #tpu.memory_space<vmem_shared>> -> memref<632x64xf32, #tpu.memory_space<vmem_shared>>
      %dma_start3A_31 = arith.constant 0 : i32
      %dma_start3A_32 = tpu.memref_slice %arg11[%mul3A_4, %dma_start3A_31] : memref<10112x64xf32, #tpu.memory_space<vmem_shared>> -> memref<632x64xf32, #tpu.memory_space<vmem_shared>>
      tpu.enqueue_dma source(%arg10 : memref<632x64xf32, #tpu.memory_space<vmem>>) target(%dma_start3A_32 : memref<632x64xf32, #tpu.memory_space<vmem_shared>>) target_semaphore(%run_scoped3A_28 : memref<!tpu.dma_semaphore, #tpu.memory_space<semaphore_mem>>)
      %dma_wait3A_33 = arith.constant 0 : i32
      %dma_wait3A_34 = tpu.memref_slice %arg11[%mul3A_4, %dma_wait3A_33] : memref<10112x64xf32, #tpu.memory_space<vmem_shared>> -> memref<632x64xf32, #tpu.memory_space<vmem_shared>>
      %dma_wait3A_35 = arith.constant 0 : i32
      %dma_wait3A_36 = tpu.memref_slice %arg11[%mul3A_4, %dma_wait3A_35] : memref<10112x64xf32, #tpu.memory_space<vmem_shared>> -> memref<632x64xf32, #tpu.memory_space<vmem_shared>>
      tpu.wait_dma2 semaphore(%run_scoped3A_28 : memref<!tpu.dma_semaphore, #tpu.memory_space<semaphore_mem>>) src(%arg10 : memref<632x64xf32, #tpu.memory_space<vmem>>) dst(%dma_wait3A_36 : memref<632x64xf32, #tpu.memory_space<vmem_shared>>)
      tpu.yield
    }) : () -> ()
    "tpu.region"() ({
      %run_scoped3A_28 = tpu.sem_alloc : memref<!tpu.dma_semaphore, #tpu.memory_space<semaphore_mem>>
      %dma_start3A_29 = arith.constant 0 : i32
      %dma_start3A_30 = arith.constant 0 : i32
      %dma_start3A_31 = tpu.memref_slice %arg3[%add3A, %dma_start3A_29, %dma_start3A_30] : memref<32x79x128xi32, #tpu.memory_space<hbm>> -> memref<1x79x128xi32, #tpu.memory_space<hbm>>
      %dma_start3A_32 = tpu.memref_squeeze %dma_start3A_31 : memref<1x79x128xi32, #tpu.memory_space<hbm>> -> memref<79x128xi32, #tpu.memory_space<hbm>>
      %dma_start3A_33 = arith.constant 0 : i32
      %dma_start3A_34 = arith.constant 0 : i32
      %dma_start3A_35 = tpu.memref_slice %arg3[%add3A, %dma_start3A_33, %dma_start3A_34] : memref<32x79x128xi32, #tpu.memory_space<hbm>> -> memref<1x79x128xi32, #tpu.memory_space<hbm>>
      %dma_start3A_36 = tpu.memref_squeeze %dma_start3A_35 : memref<1x79x128xi32, #tpu.memory_space<hbm>> -> memref<79x128xi32, #tpu.memory_space<hbm>>
      tpu.enqueue_dma source(%dma_start3A_36 : memref<79x128xi32, #tpu.memory_space<hbm>>) target(%arg6 : memref<79x128xi32, #tpu.memory_space<vmem>>) target_semaphore(%run_scoped3A_28 : memref<!tpu.dma_semaphore, #tpu.memory_space<semaphore_mem>>)
      %dma_wait3A_37 = arith.constant 0 : i32
      %dma_wait3A_38 = arith.constant 0 : i32
      %dma_wait3A_39 = tpu.memref_slice %arg3[%add3A, %dma_wait3A_37, %dma_wait3A_38] : memref<32x79x128xi32, #tpu.memory_space<hbm>> -> memref<1x79x128xi32, #tpu.memory_space<hbm>>
      %dma_wait3A_40 = tpu.memref_squeeze %dma_wait3A_39 : memref<1x79x128xi32, #tpu.memory_space<hbm>> -> memref<79x128xi32, #tpu.memory_space<hbm>>
      %dma_wait3A_41 = arith.constant 0 : i32
      %dma_wait3A_42 = arith.constant 0 : i32
      %dma_wait3A_43 = tpu.memref_slice %arg3[%add3A, %dma_wait3A_41, %dma_wait3A_42] : memref<32x79x128xi32, #tpu.memory_space<hbm>> -> memref<1x79x128xi32, #tpu.memory_space<hbm>>
      %dma_wait3A_44 = tpu.memref_squeeze %dma_wait3A_43 : memref<1x79x128xi32, #tpu.memory_space<hbm>> -> memref<79x128xi32, #tpu.memory_space<hbm>>
      tpu.wait_dma2 semaphore(%run_scoped3A_28 : memref<!tpu.dma_semaphore, #tpu.memory_space<semaphore_mem>>) src(%dma_wait3A_44 : memref<79x128xi32, #tpu.memory_space<hbm>>) dst(%arg6 : memref<79x128xi32, #tpu.memory_space<vmem>>)
      tpu.yield
    }) : () -> ()
    "tpu.region"() ({
      %run_scoped3A_28 = tpu.sem_alloc : memref<!tpu.dma_semaphore, #tpu.memory_space<semaphore_mem>>
      %dma_start3A_29 = arith.constant 0 : i32
      %dma_start3A_30 = arith.constant 0 : i32
      %dma_start3A_31 = tpu.memref_slice %arg4[%add3A, %dma_start3A_29, %dma_start3A_30] : memref<32x79x128xi32, #tpu.memory_space<hbm>> -> memref<1x79x128xi32, #tpu.memory_space<hbm>>
      %dma_start3A_32 = tpu.memref_squeeze %dma_start3A_31 : memref<1x79x128xi32, #tpu.memory_space<hbm>> -> memref<79x128xi32, #tpu.memory_space<hbm>>
      %dma_start3A_33 = arith.constant 0 : i32
      %dma_start3A_34 = arith.constant 0 : i32
      %dma_start3A_35 = tpu.memref_slice %arg4[%add3A, %dma_start3A_33, %dma_start3A_34] : memref<32x79x128xi32, #tpu.memory_space<hbm>> -> memref<1x79x128xi32, #tpu.memory_space<hbm>>
      %dma_start3A_36 = tpu.memref_squeeze %dma_start3A_35 : memref<1x79x128xi32, #tpu.memory_space<hbm>> -> memref<79x128xi32, #tpu.memory_space<hbm>>
      tpu.enqueue_dma source(%dma_start3A_36 : memref<79x128xi32, #tpu.memory_space<hbm>>) target(%arg7 : memref<79x128xi32, #tpu.memory_space<vmem>>) target_semaphore(%run_scoped3A_28 : memref<!tpu.dma_semaphore, #tpu.memory_space<semaphore_mem>>)
      %dma_wait3A_37 = arith.constant 0 : i32
      %dma_wait3A_38 = arith.constant 0 : i32
      %dma_wait3A_39 = tpu.memref_slice %arg4[%add3A, %dma_wait3A_37, %dma_wait3A_38] : memref<32x79x128xi32, #tpu.memory_space<hbm>> -> memref<1x79x128xi32, #tpu.memory_space<hbm>>
      %dma_wait3A_40 = tpu.memref_squeeze %dma_wait3A_39 : memref<1x79x128xi32, #tpu.memory_space<hbm>> -> memref<79x128xi32, #tpu.memory_space<hbm>>
      %dma_wait3A_41 = arith.constant 0 : i32
      %dma_wait3A_42 = arith.constant 0 : i32
      %dma_wait3A_43 = tpu.memref_slice %arg4[%add3A, %dma_wait3A_41, %dma_wait3A_42] : memref<32x79x128xi32, #tpu.memory_space<hbm>> -> memref<1x79x128xi32, #tpu.memory_space<hbm>>
      %dma_wait3A_44 = tpu.memref_squeeze %dma_wait3A_43 : memref<1x79x128xi32, #tpu.memory_space<hbm>> -> memref<79x128xi32, #tpu.memory_space<hbm>>
      tpu.wait_dma2 semaphore(%run_scoped3A_28 : memref<!tpu.dma_semaphore, #tpu.memory_space<semaphore_mem>>) src(%dma_wait3A_44 : memref<79x128xi32, #tpu.memory_space<hbm>>) dst(%arg7 : memref<79x128xi32, #tpu.memory_space<vmem>>)
      tpu.yield
    }) : () -> ()
    %barrier3A = arith.constant 0 : index
    tpu.barrier barrier_id(%barrier3A)
    %dma_start3A = arith.constant 0 : i32
    %dma_start3A_5 = arith.constant 0 : i32
    %dma_start3A_6 = tpu.memref_slice %arg6[%dma_start3A, %dma_start3A_5] : memref<79x128xi32, #tpu.memory_space<vmem>> -> memref<1x128xi32, #tpu.memory_space<vmem>>
    %dma_start3A_7 = tpu.memref_squeeze %dma_start3A_6 : memref<1x128xi32, #tpu.memory_space<vmem>> -> memref<128xi32, #tpu.memory_space<vmem>>
    %dma_start3A_8 = arith.constant 0 : i32
    %dma_start3A_9 = arith.constant 0 : i32
    %dma_start3A_10 = tpu.memref_slice %arg2[%dma_start3A_8, %dma_start3A_9] : memref<10112x64xf32, #tpu.memory_space<hbm>> -> memref<10112x64xf32, #tpu.memory_space<hbm>>
    tpu.enqueue_indirect_dma source(%dma_start3A_10 : memref<10112x64xf32, #tpu.memory_space<hbm>>) target(%arg8 : memref<128x64xf32, #tpu.memory_space<vmem>>) offsets(%dma_start3A_7 : memref<128xi32, #tpu.memory_space<vmem>>) semaphore(%arg12 : memref<!tpu.dma_semaphore, #tpu.memory_space<semaphore_mem>>)
    %scan3A = arith.constant 0 : i32
    %scan3A_11 = arith.constant 0 : i32
    %scan3A_12 = arith.constant 39 : i32
    %scan3A_13 = arith.addi %scan3A_11, %scan3A_12 : i32
    %scan3A_14 = arith.constant 1 : i32
    %scan3A_15 = scf.for %scan3A_28 = %scan3A_11 to %scan3A_13 step %scan3A_14 iter_args(%scan3A_29 = %scan3A) -> (i32)  : i32 {
      %mul3A_30 = arith.constant 2 : i32
      %mul3A_31 = arith.muli %mul3A_30, %scan3A_28 : i32
      %add3A_32 = arith.constant 1 : i32
      %add3A_33 = arith.addi %mul3A_31, %add3A_32 : i32
      %dma_start3A_34 = arith.constant 0 : i32
      %dma_start3A_35 = tpu.memref_slice %arg6[%add3A_33, %dma_start3A_34] : memref<79x128xi32, #tpu.memory_space<vmem>> -> memref<1x128xi32, #tpu.memory_space<vmem>>
      %dma_start3A_36 = tpu.memref_squeeze %dma_start3A_35 : memref<1x128xi32, #tpu.memory_space<vmem>> -> memref<128xi32, #tpu.memory_space<vmem>>
      %dma_start3A_37 = arith.constant 0 : i32
      %dma_start3A_38 = arith.constant 0 : i32
      %dma_start3A_39 = tpu.memref_slice %arg2[%dma_start3A_37, %dma_start3A_38] : memref<10112x64xf32, #tpu.memory_space<hbm>> -> memref<10112x64xf32, #tpu.memory_space<hbm>>
      tpu.enqueue_indirect_dma source(%dma_start3A_39 : memref<10112x64xf32, #tpu.memory_space<hbm>>) target(%arg9 : memref<128x64xf32, #tpu.memory_space<vmem>>) offsets(%dma_start3A_36 : memref<128xi32, #tpu.memory_space<vmem>>) semaphore(%arg13 : memref<!tpu.dma_semaphore, #tpu.memory_space<semaphore_mem>>)
      %dma_wait3A_40 = arith.constant 0 : i32
      %dma_wait3A_41 = arith.constant 0 : i32
      %dma_wait3A_42 = tpu.memref_slice %arg6[%dma_wait3A_40, %dma_wait3A_41] : memref<79x128xi32, #tpu.memory_space<vmem>> -> memref<1x128xi32, #tpu.memory_space<vmem>>
      %dma_wait3A_43 = tpu.memref_squeeze %dma_wait3A_42 : memref<1x128xi32, #tpu.memory_space<vmem>> -> memref<128xi32, #tpu.memory_space<vmem>>
      %dma_wait3A_44 = arith.constant 0 : i32
      %dma_wait3A_45 = arith.constant 0 : i32
      %dma_wait3A_46 = tpu.memref_slice %arg2[%dma_wait3A_44, %dma_wait3A_45] : memref<10112x64xf32, #tpu.memory_space<hbm>> -> memref<10112x64xf32, #tpu.memory_space<hbm>>
      tpu.wait_indirect_dma semaphore(%arg12 : memref<!tpu.dma_semaphore, #tpu.memory_space<semaphore_mem>>) src(%dma_wait3A_46 : memref<10112x64xf32, #tpu.memory_space<hbm>>) dst(%arg8 : memref<128x64xf32, #tpu.memory_space<vmem>>)
      "tpu.region"() ({
        %run_scoped3A_65 = tpu.sem_alloc : memref<!tpu.dma_semaphore, #tpu.memory_space<semaphore_mem>>
        %dma_start3A_66 = arith.constant 0 : i32
        %dma_start3A_67 = tpu.memref_slice %arg7[%mul3A_31, %dma_start3A_66] : memref<79x128xi32, #tpu.memory_space<vmem>> -> memref<1x128xi32, #tpu.memory_space<vmem>>
        %dma_start3A_68 = tpu.memref_squeeze %dma_start3A_67 : memref<1x128xi32, #tpu.memory_space<vmem>> -> memref<128xi32, #tpu.memory_space<vmem>>
        %dma_start3A_69 = arith.constant 0 : i32
        %dma_start3A_70 = arith.constant 0 : i32
        %dma_start3A_71 = tpu.memref_slice %arg11[%dma_start3A_69, %dma_start3A_70] : memref<10112x64xf32, #tpu.memory_space<vmem_shared>> -> memref<10112x64xf32, #tpu.memory_space<vmem_shared>>
        tpu.enqueue_indirect_dma source(%arg8 : memref<128x64xf32, #tpu.memory_space<vmem>>) target(%dma_start3A_71 : memref<10112x64xf32, #tpu.memory_space<vmem_shared>>) offsets(%dma_start3A_68 : memref<128xi32, #tpu.memory_space<vmem>>) semaphore(%run_scoped3A_65 : memref<!tpu.dma_semaphore, #tpu.memory_space<semaphore_mem>>) {add = true}
        %dma_wait3A_72 = arith.constant 0 : i32
        %dma_wait3A_73 = tpu.memref_slice %arg7[%mul3A_31, %dma_wait3A_72] : memref<79x128xi32, #tpu.memory_space<vmem>> -> memref<1x128xi32, #tpu.memory_space<vmem>>
        %dma_wait3A_74 = tpu.memref_squeeze %dma_wait3A_73 : memref<1x128xi32, #tpu.memory_space<vmem>> -> memref<128xi32, #tpu.memory_space<vmem>>
        %dma_wait3A_75 = arith.constant 0 : i32
        %dma_wait3A_76 = arith.constant 0 : i32
        %dma_wait3A_77 = tpu.memref_slice %arg11[%dma_wait3A_75, %dma_wait3A_76] : memref<10112x64xf32, #tpu.memory_space<vmem_shared>> -> memref<10112x64xf32, #tpu.memory_space<vmem_shared>>
        tpu.wait_indirect_dma semaphore(%run_scoped3A_65 : memref<!tpu.dma_semaphore, #tpu.memory_space<semaphore_mem>>) src(%arg8 : memref<128x64xf32, #tpu.memory_space<vmem>>) dst(%dma_wait3A_77 : memref<10112x64xf32, #tpu.memory_space<vmem_shared>>)
        tpu.yield
      }) : () -> ()
      %add3A_47 = arith.constant 2 : i32
      %add3A_48 = arith.addi %mul3A_31, %add3A_47 : i32
      %dma_start3A_49 = arith.constant 0 : i32
      %dma_start3A_50 = tpu.memref_slice %arg6[%add3A_48, %dma_start3A_49] : memref<79x128xi32, #tpu.memory_space<vmem>> -> memref<1x128xi32, #tpu.memory_space<vmem>>
      %dma_start3A_51 = tpu.memref_squeeze %dma_start3A_50 : memref<1x128xi32, #tpu.memory_space<vmem>> -> memref<128xi32, #tpu.memory_space<vmem>>
      %dma_start3A_52 = arith.constant 0 : i32
      %dma_start3A_53 = arith.constant 0 : i32
      %dma_start3A_54 = tpu.memref_slice %arg2[%dma_start3A_52, %dma_start3A_53] : memref<10112x64xf32, #tpu.memory_space<hbm>> -> memref<10112x64xf32, #tpu.memory_space<hbm>>
      tpu.enqueue_indirect_dma source(%dma_start3A_54 : memref<10112x64xf32, #tpu.memory_space<hbm>>) target(%arg8 : memref<128x64xf32, #tpu.memory_space<vmem>>) offsets(%dma_start3A_51 : memref<128xi32, #tpu.memory_space<vmem>>) semaphore(%arg12 : memref<!tpu.dma_semaphore, #tpu.memory_space<semaphore_mem>>)
      %dma_wait3A_55 = arith.constant 0 : i32
      %dma_wait3A_56 = arith.constant 0 : i32
      %dma_wait3A_57 = tpu.memref_slice %arg6[%dma_wait3A_55, %dma_wait3A_56] : memref<79x128xi32, #tpu.memory_space<vmem>> -> memref<1x128xi32, #tpu.memory_space<vmem>>
      %dma_wait3A_58 = tpu.memref_squeeze %dma_wait3A_57 : memref<1x128xi32, #tpu.memory_space<vmem>> -> memref<128xi32, #tpu.memory_space<vmem>>
      %dma_wait3A_59 = arith.constant 0 : i32
      %dma_wait3A_60 = arith.constant 0 : i32
      %dma_wait3A_61 = tpu.memref_slice %arg2[%dma_wait3A_59, %dma_wait3A_60] : memref<10112x64xf32, #tpu.memory_space<hbm>> -> memref<10112x64xf32, #tpu.memory_space<hbm>>
      tpu.wait_indirect_dma semaphore(%arg13 : memref<!tpu.dma_semaphore, #tpu.memory_space<semaphore_mem>>) src(%dma_wait3A_61 : memref<10112x64xf32, #tpu.memory_space<hbm>>) dst(%arg9 : memref<128x64xf32, #tpu.memory_space<vmem>>)
      %add3A_62 = arith.constant 1 : i32
      %add3A_63 = arith.addi %mul3A_31, %add3A_62 : i32
      "tpu.region"() ({
        %run_scoped3A_65 = tpu.sem_alloc : memref<!tpu.dma_semaphore, #tpu.memory_space<semaphore_mem>>
        %dma_start3A_66 = arith.constant 0 : i32
        %dma_start3A_67 = tpu.memref_slice %arg7[%add3A_63, %dma_start3A_66] : memref<79x128xi32, #tpu.memory_space<vmem>> -> memref<1x128xi32, #tpu.memory_space<vmem>>
        %dma_start3A_68 = tpu.memref_squeeze %dma_start3A_67 : memref<1x128xi32, #tpu.memory_space<vmem>> -> memref<128xi32, #tpu.memory_space<vmem>>
        %dma_start3A_69 = arith.constant 0 : i32
        %dma_start3A_70 = arith.constant 0 : i32
        %dma_start3A_71 = tpu.memref_slice %arg11[%dma_start3A_69, %dma_start3A_70] : memref<10112x64xf32, #tpu.memory_space<vmem_shared>> -> memref<10112x64xf32, #tpu.memory_space<vmem_shared>>
        tpu.enqueue_indirect_dma source(%arg9 : memref<128x64xf32, #tpu.memory_space<vmem>>) target(%dma_start3A_71 : memref<10112x64xf32, #tpu.memory_space<vmem_shared>>) offsets(%dma_start3A_68 : memref<128xi32, #tpu.memory_space<vmem>>) semaphore(%run_scoped3A_65 : memref<!tpu.dma_semaphore, #tpu.memory_space<semaphore_mem>>) {add = true}
        %dma_wait3A_72 = arith.constant 0 : i32
        %dma_wait3A_73 = tpu.memref_slice %arg7[%add3A_63, %dma_wait3A_72] : memref<79x128xi32, #tpu.memory_space<vmem>> -> memref<1x128xi32, #tpu.memory_space<vmem>>
        %dma_wait3A_74 = tpu.memref_squeeze %dma_wait3A_73 : memref<1x128xi32, #tpu.memory_space<vmem>> -> memref<128xi32, #tpu.memory_space<vmem>>
        %dma_wait3A_75 = arith.constant 0 : i32
        %dma_wait3A_76 = arith.constant 0 : i32
        %dma_wait3A_77 = tpu.memref_slice %arg11[%dma_wait3A_75, %dma_wait3A_76] : memref<10112x64xf32, #tpu.memory_space<vmem_shared>> -> memref<10112x64xf32, #tpu.memory_space<vmem_shared>>
        tpu.wait_indirect_dma semaphore(%run_scoped3A_65 : memref<!tpu.dma_semaphore, #tpu.memory_space<semaphore_mem>>) src(%arg9 : memref<128x64xf32, #tpu.memory_space<vmem>>) dst(%dma_wait3A_77 : memref<10112x64xf32, #tpu.memory_space<vmem_shared>>)
        tpu.yield
      }) : () -> ()
      %scan3A_64 = arith.constant 0 : i32
      scf.yield %scan3A_64 : i32
    }
    %scan3A_16 = arith.constant 39 : i32
    %dma_wait3A = arith.constant 0 : i32
    %dma_wait3A_17 = arith.constant 0 : i32
    %dma_wait3A_18 = tpu.memref_slice %arg6[%dma_wait3A, %dma_wait3A_17] : memref<79x128xi32, #tpu.memory_space<vmem>> -> memref<1x128xi32, #tpu.memory_space<vmem>>
    %dma_wait3A_19 = tpu.memref_squeeze %dma_wait3A_18 : memref<1x128xi32, #tpu.memory_space<vmem>> -> memref<128xi32, #tpu.memory_space<vmem>>
    %dma_wait3A_20 = arith.constant 0 : i32
    %dma_wait3A_21 = arith.constant 0 : i32
    %dma_wait3A_22 = tpu.memref_slice %arg2[%dma_wait3A_20, %dma_wait3A_21] : memref<10112x64xf32, #tpu.memory_space<hbm>> -> memref<10112x64xf32, #tpu.memory_space<hbm>>
    tpu.wait_indirect_dma semaphore(%arg12 : memref<!tpu.dma_semaphore, #tpu.memory_space<semaphore_mem>>) src(%dma_wait3A_22 : memref<10112x64xf32, #tpu.memory_space<hbm>>) dst(%arg8 : memref<128x64xf32, #tpu.memory_space<vmem>>)
    %run_scoped3A = arith.constant 78 : i32
    "tpu.region"() ({
      %run_scoped3A_28 = tpu.sem_alloc : memref<!tpu.dma_semaphore, #tpu.memory_space<semaphore_mem>>
      %dma_start3A_29 = arith.constant 0 : i32
      %dma_start3A_30 = tpu.memref_slice %arg7[%run_scoped3A, %dma_start3A_29] : memref<79x128xi32, #tpu.memory_space<vmem>> -> memref<1x128xi32, #tpu.memory_space<vmem>>
      %dma_start3A_31 = tpu.memref_squeeze %dma_start3A_30 : memref<1x128xi32, #tpu.memory_space<vmem>> -> memref<128xi32, #tpu.memory_space<vmem>>
      %dma_start3A_32 = arith.constant 0 : i32
      %dma_start3A_33 = arith.constant 0 : i32
      %dma_start3A_34 = tpu.memref_slice %arg11[%dma_start3A_32, %dma_start3A_33] : memref<10112x64xf32, #tpu.memory_space<vmem_shared>> -> memref<10112x64xf32, #tpu.memory_space<vmem_shared>>
      tpu.enqueue_indirect_dma source(%arg8 : memref<128x64xf32, #tpu.memory_space<vmem>>) target(%dma_start3A_34 : memref<10112x64xf32, #tpu.memory_space<vmem_shared>>) offsets(%dma_start3A_31 : memref<128xi32, #tpu.memory_space<vmem>>) semaphore(%run_scoped3A_28 : memref<!tpu.dma_semaphore, #tpu.memory_space<semaphore_mem>>) {add = true}
      %dma_wait3A_35 = arith.constant 0 : i32
      %dma_wait3A_36 = tpu.memref_slice %arg7[%run_scoped3A, %dma_wait3A_35] : memref<79x128xi32, #tpu.memory_space<vmem>> -> memref<1x128xi32, #tpu.memory_space<vmem>>
      %dma_wait3A_37 = tpu.memref_squeeze %dma_wait3A_36 : memref<1x128xi32, #tpu.memory_space<vmem>> -> memref<128xi32, #tpu.memory_space<vmem>>
      %dma_wait3A_38 = arith.constant 0 : i32
      %dma_wait3A_39 = arith.constant 0 : i32
      %dma_wait3A_40 = tpu.memref_slice %arg11[%dma_wait3A_38, %dma_wait3A_39] : memref<10112x64xf32, #tpu.memory_space<vmem_shared>> -> memref<10112x64xf32, #tpu.memory_space<vmem_shared>>
      tpu.wait_indirect_dma semaphore(%run_scoped3A_28 : memref<!tpu.dma_semaphore, #tpu.memory_space<semaphore_mem>>) src(%arg8 : memref<128x64xf32, #tpu.memory_space<vmem>>) dst(%dma_wait3A_40 : memref<10112x64xf32, #tpu.memory_space<vmem_shared>>)
      tpu.yield
    }) : () -> ()
    %barrier3A_23 = arith.constant 0 : index
    tpu.barrier barrier_id(%barrier3A_23)
    %mul3A_24 = arith.constant 632 : i32
    %mul3A_25 = arith.muli %arg1, %mul3A_24 : i32
    "tpu.region"() ({
      %run_scoped3A_28 = tpu.sem_alloc : memref<!tpu.dma_semaphore, #tpu.memory_space<semaphore_mem>>
      %dma_start3A_29 = arith.constant 0 : i32
      %dma_start3A_30 = tpu.memref_slice %arg11[%mul3A_25, %dma_start3A_29] : memref<10112x64xf32, #tpu.memory_space<vmem_shared>> -> memref<632x64xf32, #tpu.memory_space<vmem_shared>>
      %dma_start3A_31 = arith.constant 0 : i32
      %dma_start3A_32 = tpu.memref_slice %arg11[%mul3A_25, %dma_start3A_31] : memref<10112x64xf32, #tpu.memory_space<vmem_shared>> -> memref<632x64xf32, #tpu.memory_space<vmem_shared>>
      tpu.enqueue_dma source(%dma_start3A_32 : memref<632x64xf32, #tpu.memory_space<vmem_shared>>) target(%arg10 : memref<632x64xf32, #tpu.memory_space<vmem>>) target_semaphore(%run_scoped3A_28 : memref<!tpu.dma_semaphore, #tpu.memory_space<semaphore_mem>>)
      %dma_wait3A_33 = arith.constant 0 : i32
      %dma_wait3A_34 = tpu.memref_slice %arg11[%mul3A_25, %dma_wait3A_33] : memref<10112x64xf32, #tpu.memory_space<vmem_shared>> -> memref<632x64xf32, #tpu.memory_space<vmem_shared>>
      %dma_wait3A_35 = arith.constant 0 : i32
      %dma_wait3A_36 = tpu.memref_slice %arg11[%mul3A_25, %dma_wait3A_35] : memref<10112x64xf32, #tpu.memory_space<vmem_shared>> -> memref<632x64xf32, #tpu.memory_space<vmem_shared>>
      tpu.wait_dma2 semaphore(%run_scoped3A_28 : memref<!tpu.dma_semaphore, #tpu.memory_space<semaphore_mem>>) src(%dma_wait3A_36 : memref<632x64xf32, #tpu.memory_space<vmem_shared>>) dst(%arg10 : memref<632x64xf32, #tpu.memory_space<vmem>>)
      tpu.yield
    }) : () -> ()
    %mul3A_26 = arith.constant 632 : i32
    %mul3A_27 = arith.muli %arg1, %mul3A_26 : i32
    "tpu.region"() ({
      %run_scoped3A_28 = tpu.sem_alloc : memref<!tpu.dma_semaphore, #tpu.memory_space<semaphore_mem>>
      %dma_start3A_29 = arith.constant 0 : i32
      %dma_start3A_30 = tpu.memref_slice %arg5[%arg0, %mul3A_27, %dma_start3A_29] : memref<2x10112x64xf32, #tpu.memory_space<hbm>> -> memref<1x632x64xf32, #tpu.memory_space<hbm>>
      %dma_start3A_31 = tpu.memref_squeeze %dma_start3A_30 : memref<1x632x64xf32, #tpu.memory_space<hbm>> -> memref<632x64xf32, #tpu.memory_space<hbm>>
      %dma_start3A_32 = arith.constant 0 : i32
      %dma_start3A_33 = tpu.memref_slice %arg5[%arg0, %mul3A_27, %dma_start3A_32] : memref<2x10112x64xf32, #tpu.memory_space<hbm>> -> memref<1x632x64xf32, #tpu.memory_space<hbm>>
      %dma_start3A_34 = tpu.memref_squeeze %dma_start3A_33 : memref<1x632x64xf32, #tpu.memory_space<hbm>> -> memref<632x64xf32, #tpu.memory_space<hbm>>
      tpu.enqueue_dma source(%arg10 : memref<632x64xf32, #tpu.memory_space<vmem>>) target(%dma_start3A_34 : memref<632x64xf32, #tpu.memory_space<hbm>>) target_semaphore(%run_scoped3A_28 : memref<!tpu.dma_semaphore, #tpu.memory_space<semaphore_mem>>)
      %dma_wait3A_35 = arith.constant 0 : i32
      %dma_wait3A_36 = tpu.memref_slice %arg5[%arg0, %mul3A_27, %dma_wait3A_35] : memref<2x10112x64xf32, #tpu.memory_space<hbm>> -> memref<1x632x64xf32, #tpu.memory_space<hbm>>
      %dma_wait3A_37 = tpu.memref_squeeze %dma_wait3A_36 : memref<1x632x64xf32, #tpu.memory_space<hbm>> -> memref<632x64xf32, #tpu.memory_space<hbm>>
      %dma_wait3A_38 = arith.constant 0 : i32
      %dma_wait3A_39 = tpu.memref_slice %arg5[%arg0, %mul3A_27, %dma_wait3A_38] : memref<2x10112x64xf32, #tpu.memory_space<hbm>> -> memref<1x632x64xf32, #tpu.memory_space<hbm>>
      %dma_wait3A_40 = tpu.memref_squeeze %dma_wait3A_39 : memref<1x632x64xf32, #tpu.memory_space<hbm>> -> memref<632x64xf32, #tpu.memory_space<hbm>>
      tpu.wait_dma2 semaphore(%run_scoped3A_28 : memref<!tpu.dma_semaphore, #tpu.memory_space<semaphore_mem>>) src(%arg10 : memref<632x64xf32, #tpu.memory_space<vmem>>) dst(%dma_wait3A_40 : memref<632x64xf32, #tpu.memory_space<hbm>>)
      tpu.yield
    }) : () -> ()
    return
  }
}

#map = affine_map<(d0, d1) -> (0, 0)>
#map1 = affine_map<(d0, d1) -> (0, 0, 0)>
module attributes {stable_mosaic.version = 14 : i64} {
  func.func @_layer_body(%arg0: i32, %arg1: i32, %arg2: memref<10112x64xf32, #tpu.memory_space<hbm>>, %arg3: memref<32x79x128xi32, #tpu.memory_space<hbm>>, %arg4: memref<32x79x128xi32, #tpu.memory_space<hbm>>, %arg5: memref<2x10112x64xf32, #tpu.memory_space<hbm>>, %arg6: memref<79x128xi32, #tpu.memory_space<vmem>>, %arg7: memref<79x128xi32, #tpu.memory_space<vmem>>, %arg8: memref<128x64xf32, #tpu.memory_space<vmem>>, %arg9: memref<128x64xf32, #tpu.memory_space<vmem>>, %arg10: memref<632x64xf32, #tpu.memory_space<vmem>>, %arg11: memref<10112x64xf32, #tpu.memory_space<vmem_shared>>, %arg12: memref<!tpu.dma_semaphore, #tpu.memory_space<semaphore_mem>>, %arg13: memref<!tpu.dma_semaphore, #tpu.memory_space<semaphore_mem>>) attributes {dimension_semantics = [#tpu.dimension_semantics<core_parallel>, #tpu.dimension_semantics<subcore_parallel>], iteration_bounds = array<i64: 2, 16>, scalar_prefetch = 0 : i64, scratch_operands = 8 : i64, tpu.core_type = #tpu.core_type<sc_vector_subcore>, window_params = [{transform_indices = #map}, {transform_indices = #map1}, {transform_indices = #map1}, {transform_indices = #map1}]} {
    %mul3A = arith.constant 16 : i32
    %mul3A_0 = arith.muli %arg0, %mul3A : i32
    %add3A = arith.addi %mul3A_0, %arg1 : i32
    %mul3A_1 = arith.constant 632 : i32
    %mul3A_2 = arith.muli %arg1, %mul3A_1 : i32
    "tpu.region"() ({
      %run_scoped3A_28 = tpu.sem_alloc : memref<!tpu.dma_semaphore, #tpu.memory_space<semaphore_mem>>
      %dma_start3A_29 = arith.constant 0 : i32
      %dma_start3A_30 = tpu.memref_slice %arg2[%mul3A_2, %dma_start3A_29] : memref<10112x64xf32, #tpu.memory_space<hbm>> -> memref<632x64xf32, #tpu.memory_space<hbm>>
      %dma_start3A_31 = arith.constant 0 : i32
      %dma_start3A_32 = tpu.memref_slice %arg2[%mul3A_2, %dma_start3A_31] : memref<10112x64xf32, #tpu.memory_space<hbm>> -> memref<632x64xf32, #tpu.memory_space<hbm>>
      tpu.enqueue_dma source(%dma_start3A_32 : memref<632x64xf32, #tpu.memory_space<hbm>>) target(%arg10 : memref<632x64xf32, #tpu.memory_space<vmem>>) target_semaphore(%run_scoped3A_28 : memref<!tpu.dma_semaphore, #tpu.memory_space<semaphore_mem>>)
      %dma_wait3A_33 = arith.constant 0 : i32
      %dma_wait3A_34 = tpu.memref_slice %arg2[%mul3A_2, %dma_wait3A_33] : memref<10112x64xf32, #tpu.memory_space<hbm>> -> memref<632x64xf32, #tpu.memory_space<hbm>>
      %dma_wait3A_35 = arith.constant 0 : i32
      %dma_wait3A_36 = tpu.memref_slice %arg2[%mul3A_2, %dma_wait3A_35] : memref<10112x64xf32, #tpu.memory_space<hbm>> -> memref<632x64xf32, #tpu.memory_space<hbm>>
      tpu.wait_dma2 semaphore(%run_scoped3A_28 : memref<!tpu.dma_semaphore, #tpu.memory_space<semaphore_mem>>) src(%dma_wait3A_36 : memref<632x64xf32, #tpu.memory_space<hbm>>) dst(%arg10 : memref<632x64xf32, #tpu.memory_space<vmem>>)
      tpu.yield
    }) : () -> ()
    %mul3A_3 = arith.constant 632 : i32
    %mul3A_4 = arith.muli %arg1, %mul3A_3 : i32
    "tpu.region"() ({
      %run_scoped3A_28 = tpu.sem_alloc : memref<!tpu.dma_semaphore, #tpu.memory_space<semaphore_mem>>
      %dma_start3A_29 = arith.constant 0 : i32
      %dma_start3A_30 = tpu.memref_slice %arg11[%mul3A_4, %dma_start3A_29] : memref<10112x64xf32, #tpu.memory_space<vmem_shared>> -> memref<632x64xf32, #tpu.memory_space<vmem_shared>>
      %dma_start3A_31 = arith.constant 0 : i32
      %dma_start3A_32 = tpu.memref_slice %arg11[%mul3A_4, %dma_start3A_31] : memref<10112x64xf32, #tpu.memory_space<vmem_shared>> -> memref<632x64xf32, #tpu.memory_space<vmem_shared>>
      tpu.enqueue_dma source(%arg10 : memref<632x64xf32, #tpu.memory_space<vmem>>) target(%dma_start3A_32 : memref<632x64xf32, #tpu.memory_space<vmem_shared>>) target_semaphore(%run_scoped3A_28 : memref<!tpu.dma_semaphore, #tpu.memory_space<semaphore_mem>>)
      %dma_wait3A_33 = arith.constant 0 : i32
      %dma_wait3A_34 = tpu.memref_slice %arg11[%mul3A_4, %dma_wait3A_33] : memref<10112x64xf32, #tpu.memory_space<vmem_shared>> -> memref<632x64xf32, #tpu.memory_space<vmem_shared>>
      %dma_wait3A_35 = arith.constant 0 : i32
      %dma_wait3A_36 = tpu.memref_slice %arg11[%mul3A_4, %dma_wait3A_35] : memref<10112x64xf32, #tpu.memory_space<vmem_shared>> -> memref<632x64xf32, #tpu.memory_space<vmem_shared>>
      tpu.wait_dma2 semaphore(%run_scoped3A_28 : memref<!tpu.dma_semaphore, #tpu.memory_space<semaphore_mem>>) src(%arg10 : memref<632x64xf32, #tpu.memory_space<vmem>>) dst(%dma_wait3A_36 : memref<632x64xf32, #tpu.memory_space<vmem_shared>>)
      tpu.yield
    }) : () -> ()
    "tpu.region"() ({
      %run_scoped3A_28 = tpu.sem_alloc : memref<!tpu.dma_semaphore, #tpu.memory_space<semaphore_mem>>
      %dma_start3A_29 = arith.constant 0 : i32
      %dma_start3A_30 = arith.constant 0 : i32
      %dma_start3A_31 = tpu.memref_slice %arg3[%add3A, %dma_start3A_29, %dma_start3A_30] : memref<32x79x128xi32, #tpu.memory_space<hbm>> -> memref<1x79x128xi32, #tpu.memory_space<hbm>>
      %dma_start3A_32 = tpu.memref_squeeze %dma_start3A_31 : memref<1x79x128xi32, #tpu.memory_space<hbm>> -> memref<79x128xi32, #tpu.memory_space<hbm>>
      %dma_start3A_33 = arith.constant 0 : i32
      %dma_start3A_34 = arith.constant 0 : i32
      %dma_start3A_35 = tpu.memref_slice %arg3[%add3A, %dma_start3A_33, %dma_start3A_34] : memref<32x79x128xi32, #tpu.memory_space<hbm>> -> memref<1x79x128xi32, #tpu.memory_space<hbm>>
      %dma_start3A_36 = tpu.memref_squeeze %dma_start3A_35 : memref<1x79x128xi32, #tpu.memory_space<hbm>> -> memref<79x128xi32, #tpu.memory_space<hbm>>
      tpu.enqueue_dma source(%dma_start3A_36 : memref<79x128xi32, #tpu.memory_space<hbm>>) target(%arg6 : memref<79x128xi32, #tpu.memory_space<vmem>>) target_semaphore(%run_scoped3A_28 : memref<!tpu.dma_semaphore, #tpu.memory_space<semaphore_mem>>)
      %dma_wait3A_37 = arith.constant 0 : i32
      %dma_wait3A_38 = arith.constant 0 : i32
      %dma_wait3A_39 = tpu.memref_slice %arg3[%add3A, %dma_wait3A_37, %dma_wait3A_38] : memref<32x79x128xi32, #tpu.memory_space<hbm>> -> memref<1x79x128xi32, #tpu.memory_space<hbm>>
      %dma_wait3A_40 = tpu.memref_squeeze %dma_wait3A_39 : memref<1x79x128xi32, #tpu.memory_space<hbm>> -> memref<79x128xi32, #tpu.memory_space<hbm>>
      %dma_wait3A_41 = arith.constant 0 : i32
      %dma_wait3A_42 = arith.constant 0 : i32
      %dma_wait3A_43 = tpu.memref_slice %arg3[%add3A, %dma_wait3A_41, %dma_wait3A_42] : memref<32x79x128xi32, #tpu.memory_space<hbm>> -> memref<1x79x128xi32, #tpu.memory_space<hbm>>
      %dma_wait3A_44 = tpu.memref_squeeze %dma_wait3A_43 : memref<1x79x128xi32, #tpu.memory_space<hbm>> -> memref<79x128xi32, #tpu.memory_space<hbm>>
      tpu.wait_dma2 semaphore(%run_scoped3A_28 : memref<!tpu.dma_semaphore, #tpu.memory_space<semaphore_mem>>) src(%dma_wait3A_44 : memref<79x128xi32, #tpu.memory_space<hbm>>) dst(%arg6 : memref<79x128xi32, #tpu.memory_space<vmem>>)
      tpu.yield
    }) : () -> ()
    "tpu.region"() ({
      %run_scoped3A_28 = tpu.sem_alloc : memref<!tpu.dma_semaphore, #tpu.memory_space<semaphore_mem>>
      %dma_start3A_29 = arith.constant 0 : i32
      %dma_start3A_30 = arith.constant 0 : i32
      %dma_start3A_31 = tpu.memref_slice %arg4[%add3A, %dma_start3A_29, %dma_start3A_30] : memref<32x79x128xi32, #tpu.memory_space<hbm>> -> memref<1x79x128xi32, #tpu.memory_space<hbm>>
      %dma_start3A_32 = tpu.memref_squeeze %dma_start3A_31 : memref<1x79x128xi32, #tpu.memory_space<hbm>> -> memref<79x128xi32, #tpu.memory_space<hbm>>
      %dma_start3A_33 = arith.constant 0 : i32
      %dma_start3A_34 = arith.constant 0 : i32
      %dma_start3A_35 = tpu.memref_slice %arg4[%add3A, %dma_start3A_33, %dma_start3A_34] : memref<32x79x128xi32, #tpu.memory_space<hbm>> -> memref<1x79x128xi32, #tpu.memory_space<hbm>>
      %dma_start3A_36 = tpu.memref_squeeze %dma_start3A_35 : memref<1x79x128xi32, #tpu.memory_space<hbm>> -> memref<79x128xi32, #tpu.memory_space<hbm>>
      tpu.enqueue_dma source(%dma_start3A_36 : memref<79x128xi32, #tpu.memory_space<hbm>>) target(%arg7 : memref<79x128xi32, #tpu.memory_space<vmem>>) target_semaphore(%run_scoped3A_28 : memref<!tpu.dma_semaphore, #tpu.memory_space<semaphore_mem>>)
      %dma_wait3A_37 = arith.constant 0 : i32
      %dma_wait3A_38 = arith.constant 0 : i32
      %dma_wait3A_39 = tpu.memref_slice %arg4[%add3A, %dma_wait3A_37, %dma_wait3A_38] : memref<32x79x128xi32, #tpu.memory_space<hbm>> -> memref<1x79x128xi32, #tpu.memory_space<hbm>>
      %dma_wait3A_40 = tpu.memref_squeeze %dma_wait3A_39 : memref<1x79x128xi32, #tpu.memory_space<hbm>> -> memref<79x128xi32, #tpu.memory_space<hbm>>
      %dma_wait3A_41 = arith.constant 0 : i32
      %dma_wait3A_42 = arith.constant 0 : i32
      %dma_wait3A_43 = tpu.memref_slice %arg4[%add3A, %dma_wait3A_41, %dma_wait3A_42] : memref<32x79x128xi32, #tpu.memory_space<hbm>> -> memref<1x79x128xi32, #tpu.memory_space<hbm>>
      %dma_wait3A_44 = tpu.memref_squeeze %dma_wait3A_43 : memref<1x79x128xi32, #tpu.memory_space<hbm>> -> memref<79x128xi32, #tpu.memory_space<hbm>>
      tpu.wait_dma2 semaphore(%run_scoped3A_28 : memref<!tpu.dma_semaphore, #tpu.memory_space<semaphore_mem>>) src(%dma_wait3A_44 : memref<79x128xi32, #tpu.memory_space<hbm>>) dst(%arg7 : memref<79x128xi32, #tpu.memory_space<vmem>>)
      tpu.yield
    }) : () -> ()
    %barrier3A = arith.constant 0 : index
    tpu.barrier barrier_id(%barrier3A)
    %dma_start3A = arith.constant 0 : i32
    %dma_start3A_5 = arith.constant 0 : i32
    %dma_start3A_6 = tpu.memref_slice %arg6[%dma_start3A, %dma_start3A_5] : memref<79x128xi32, #tpu.memory_space<vmem>> -> memref<1x128xi32, #tpu.memory_space<vmem>>
    %dma_start3A_7 = tpu.memref_squeeze %dma_start3A_6 : memref<1x128xi32, #tpu.memory_space<vmem>> -> memref<128xi32, #tpu.memory_space<vmem>>
    %dma_start3A_8 = arith.constant 0 : i32
    %dma_start3A_9 = arith.constant 0 : i32
    %dma_start3A_10 = tpu.memref_slice %arg2[%dma_start3A_8, %dma_start3A_9] : memref<10112x64xf32, #tpu.memory_space<hbm>> -> memref<10112x64xf32, #tpu.memory_space<hbm>>
    tpu.enqueue_indirect_dma source(%dma_start3A_10 : memref<10112x64xf32, #tpu.memory_space<hbm>>) target(%arg8 : memref<128x64xf32, #tpu.memory_space<vmem>>) offsets(%dma_start3A_7 : memref<128xi32, #tpu.memory_space<vmem>>) semaphore(%arg12 : memref<!tpu.dma_semaphore, #tpu.memory_space<semaphore_mem>>)
    %scan3A = arith.constant 0 : i32
    %scan3A_11 = arith.constant 0 : i32
    %scan3A_12 = arith.constant 39 : i32
    %scan3A_13 = arith.addi %scan3A_11, %scan3A_12 : i32
    %scan3A_14 = arith.constant 1 : i32
    %scan3A_15 = scf.for %scan3A_28 = %scan3A_11 to %scan3A_13 step %scan3A_14 iter_args(%scan3A_29 = %scan3A) -> (i32)  : i32 {
      %mul3A_30 = arith.constant 2 : i32
      %mul3A_31 = arith.muli %mul3A_30, %scan3A_28 : i32
      %add3A_32 = arith.constant 1 : i32
      %add3A_33 = arith.addi %mul3A_31, %add3A_32 : i32
      %dma_start3A_34 = arith.constant 0 : i32
      %dma_start3A_35 = tpu.memref_slice %arg6[%add3A_33, %dma_start3A_34] : memref<79x128xi32, #tpu.memory_space<vmem>> -> memref<1x128xi32, #tpu.memory_space<vmem>>
      %dma_start3A_36 = tpu.memref_squeeze %dma_start3A_35 : memref<1x128xi32, #tpu.memory_space<vmem>> -> memref<128xi32, #tpu.memory_space<vmem>>
      %dma_start3A_37 = arith.constant 0 : i32
      %dma_start3A_38 = arith.constant 0 : i32
      %dma_start3A_39 = tpu.memref_slice %arg2[%dma_start3A_37, %dma_start3A_38] : memref<10112x64xf32, #tpu.memory_space<hbm>> -> memref<10112x64xf32, #tpu.memory_space<hbm>>
      tpu.enqueue_indirect_dma source(%dma_start3A_39 : memref<10112x64xf32, #tpu.memory_space<hbm>>) target(%arg9 : memref<128x64xf32, #tpu.memory_space<vmem>>) offsets(%dma_start3A_36 : memref<128xi32, #tpu.memory_space<vmem>>) semaphore(%arg13 : memref<!tpu.dma_semaphore, #tpu.memory_space<semaphore_mem>>)
      %dma_wait3A_40 = arith.constant 0 : i32
      %dma_wait3A_41 = arith.constant 0 : i32
      %dma_wait3A_42 = tpu.memref_slice %arg6[%dma_wait3A_40, %dma_wait3A_41] : memref<79x128xi32, #tpu.memory_space<vmem>> -> memref<1x128xi32, #tpu.memory_space<vmem>>
      %dma_wait3A_43 = tpu.memref_squeeze %dma_wait3A_42 : memref<1x128xi32, #tpu.memory_space<vmem>> -> memref<128xi32, #tpu.memory_space<vmem>>
      %dma_wait3A_44 = arith.constant 0 : i32
      %dma_wait3A_45 = arith.constant 0 : i32
      %dma_wait3A_46 = tpu.memref_slice %arg2[%dma_wait3A_44, %dma_wait3A_45] : memref<10112x64xf32, #tpu.memory_space<hbm>> -> memref<10112x64xf32, #tpu.memory_space<hbm>>
      tpu.wait_indirect_dma semaphore(%arg12 : memref<!tpu.dma_semaphore, #tpu.memory_space<semaphore_mem>>) src(%dma_wait3A_46 : memref<10112x64xf32, #tpu.memory_space<hbm>>) dst(%arg8 : memref<128x64xf32, #tpu.memory_space<vmem>>)
      "tpu.region"() ({
        %run_scoped3A_65 = tpu.sem_alloc : memref<!tpu.dma_semaphore, #tpu.memory_space<semaphore_mem>>
        %dma_start3A_66 = arith.constant 0 : i32
        %dma_start3A_67 = tpu.memref_slice %arg7[%mul3A_31, %dma_start3A_66] : memref<79x128xi32, #tpu.memory_space<vmem>> -> memref<1x128xi32, #tpu.memory_space<vmem>>
        %dma_start3A_68 = tpu.memref_squeeze %dma_start3A_67 : memref<1x128xi32, #tpu.memory_space<vmem>> -> memref<128xi32, #tpu.memory_space<vmem>>
        %dma_start3A_69 = arith.constant 0 : i32
        %dma_start3A_70 = arith.constant 0 : i32
        %dma_start3A_71 = tpu.memref_slice %arg11[%dma_start3A_69, %dma_start3A_70] : memref<10112x64xf32, #tpu.memory_space<vmem_shared>> -> memref<10112x64xf32, #tpu.memory_space<vmem_shared>>
        tpu.enqueue_indirect_dma source(%arg8 : memref<128x64xf32, #tpu.memory_space<vmem>>) target(%dma_start3A_71 : memref<10112x64xf32, #tpu.memory_space<vmem_shared>>) offsets(%dma_start3A_68 : memref<128xi32, #tpu.memory_space<vmem>>) semaphore(%run_scoped3A_65 : memref<!tpu.dma_semaphore, #tpu.memory_space<semaphore_mem>>) {add = true}
        %dma_wait3A_72 = arith.constant 0 : i32
        %dma_wait3A_73 = tpu.memref_slice %arg7[%mul3A_31, %dma_wait3A_72] : memref<79x128xi32, #tpu.memory_space<vmem>> -> memref<1x128xi32, #tpu.memory_space<vmem>>
        %dma_wait3A_74 = tpu.memref_squeeze %dma_wait3A_73 : memref<1x128xi32, #tpu.memory_space<vmem>> -> memref<128xi32, #tpu.memory_space<vmem>>
        %dma_wait3A_75 = arith.constant 0 : i32
        %dma_wait3A_76 = arith.constant 0 : i32
        %dma_wait3A_77 = tpu.memref_slice %arg11[%dma_wait3A_75, %dma_wait3A_76] : memref<10112x64xf32, #tpu.memory_space<vmem_shared>> -> memref<10112x64xf32, #tpu.memory_space<vmem_shared>>
        tpu.wait_indirect_dma semaphore(%run_scoped3A_65 : memref<!tpu.dma_semaphore, #tpu.memory_space<semaphore_mem>>) src(%arg8 : memref<128x64xf32, #tpu.memory_space<vmem>>) dst(%dma_wait3A_77 : memref<10112x64xf32, #tpu.memory_space<vmem_shared>>)
        tpu.yield
      }) : () -> ()
      %add3A_47 = arith.constant 2 : i32
      %add3A_48 = arith.addi %mul3A_31, %add3A_47 : i32
      %dma_start3A_49 = arith.constant 0 : i32
      %dma_start3A_50 = tpu.memref_slice %arg6[%add3A_48, %dma_start3A_49] : memref<79x128xi32, #tpu.memory_space<vmem>> -> memref<1x128xi32, #tpu.memory_space<vmem>>
      %dma_start3A_51 = tpu.memref_squeeze %dma_start3A_50 : memref<1x128xi32, #tpu.memory_space<vmem>> -> memref<128xi32, #tpu.memory_space<vmem>>
      %dma_start3A_52 = arith.constant 0 : i32
      %dma_start3A_53 = arith.constant 0 : i32
      %dma_start3A_54 = tpu.memref_slice %arg2[%dma_start3A_52, %dma_start3A_53] : memref<10112x64xf32, #tpu.memory_space<hbm>> -> memref<10112x64xf32, #tpu.memory_space<hbm>>
      tpu.enqueue_indirect_dma source(%dma_start3A_54 : memref<10112x64xf32, #tpu.memory_space<hbm>>) target(%arg8 : memref<128x64xf32, #tpu.memory_space<vmem>>) offsets(%dma_start3A_51 : memref<128xi32, #tpu.memory_space<vmem>>) semaphore(%arg12 : memref<!tpu.dma_semaphore, #tpu.memory_space<semaphore_mem>>)
      %dma_wait3A_55 = arith.constant 0 : i32
      %dma_wait3A_56 = arith.constant 0 : i32
      %dma_wait3A_57 = tpu.memref_slice %arg6[%dma_wait3A_55, %dma_wait3A_56] : memref<79x128xi32, #tpu.memory_space<vmem>> -> memref<1x128xi32, #tpu.memory_space<vmem>>
      %dma_wait3A_58 = tpu.memref_squeeze %dma_wait3A_57 : memref<1x128xi32, #tpu.memory_space<vmem>> -> memref<128xi32, #tpu.memory_space<vmem>>
      %dma_wait3A_59 = arith.constant 0 : i32
      %dma_wait3A_60 = arith.constant 0 : i32
      %dma_wait3A_61 = tpu.memref_slice %arg2[%dma_wait3A_59, %dma_wait3A_60] : memref<10112x64xf32, #tpu.memory_space<hbm>> -> memref<10112x64xf32, #tpu.memory_space<hbm>>
      tpu.wait_indirect_dma semaphore(%arg13 : memref<!tpu.dma_semaphore, #tpu.memory_space<semaphore_mem>>) src(%dma_wait3A_61 : memref<10112x64xf32, #tpu.memory_space<hbm>>) dst(%arg9 : memref<128x64xf32, #tpu.memory_space<vmem>>)
      %add3A_62 = arith.constant 1 : i32
      %add3A_63 = arith.addi %mul3A_31, %add3A_62 : i32
      "tpu.region"() ({
        %run_scoped3A_65 = tpu.sem_alloc : memref<!tpu.dma_semaphore, #tpu.memory_space<semaphore_mem>>
        %dma_start3A_66 = arith.constant 0 : i32
        %dma_start3A_67 = tpu.memref_slice %arg7[%add3A_63, %dma_start3A_66] : memref<79x128xi32, #tpu.memory_space<vmem>> -> memref<1x128xi32, #tpu.memory_space<vmem>>
        %dma_start3A_68 = tpu.memref_squeeze %dma_start3A_67 : memref<1x128xi32, #tpu.memory_space<vmem>> -> memref<128xi32, #tpu.memory_space<vmem>>
        %dma_start3A_69 = arith.constant 0 : i32
        %dma_start3A_70 = arith.constant 0 : i32
        %dma_start3A_71 = tpu.memref_slice %arg11[%dma_start3A_69, %dma_start3A_70] : memref<10112x64xf32, #tpu.memory_space<vmem_shared>> -> memref<10112x64xf32, #tpu.memory_space<vmem_shared>>
        tpu.enqueue_indirect_dma source(%arg9 : memref<128x64xf32, #tpu.memory_space<vmem>>) target(%dma_start3A_71 : memref<10112x64xf32, #tpu.memory_space<vmem_shared>>) offsets(%dma_start3A_68 : memref<128xi32, #tpu.memory_space<vmem>>) semaphore(%run_scoped3A_65 : memref<!tpu.dma_semaphore, #tpu.memory_space<semaphore_mem>>) {add = true}
        %dma_wait3A_72 = arith.constant 0 : i32
        %dma_wait3A_73 = tpu.memref_slice %arg7[%add3A_63, %dma_wait3A_72] : memref<79x128xi32, #tpu.memory_space<vmem>> -> memref<1x128xi32, #tpu.memory_space<vmem>>
        %dma_wait3A_74 = tpu.memref_squeeze %dma_wait3A_73 : memref<1x128xi32, #tpu.memory_space<vmem>> -> memref<128xi32, #tpu.memory_space<vmem>>
        %dma_wait3A_75 = arith.constant 0 : i32
        %dma_wait3A_76 = arith.constant 0 : i32
        %dma_wait3A_77 = tpu.memref_slice %arg11[%dma_wait3A_75, %dma_wait3A_76] : memref<10112x64xf32, #tpu.memory_space<vmem_shared>> -> memref<10112x64xf32, #tpu.memory_space<vmem_shared>>
        tpu.wait_indirect_dma semaphore(%run_scoped3A_65 : memref<!tpu.dma_semaphore, #tpu.memory_space<semaphore_mem>>) src(%arg9 : memref<128x64xf32, #tpu.memory_space<vmem>>) dst(%dma_wait3A_77 : memref<10112x64xf32, #tpu.memory_space<vmem_shared>>)
        tpu.yield
      }) : () -> ()
      %scan3A_64 = arith.constant 0 : i32
      scf.yield %scan3A_64 : i32
    }
    %scan3A_16 = arith.constant 39 : i32
    %dma_wait3A = arith.constant 0 : i32
    %dma_wait3A_17 = arith.constant 0 : i32
    %dma_wait3A_18 = tpu.memref_slice %arg6[%dma_wait3A, %dma_wait3A_17] : memref<79x128xi32, #tpu.memory_space<vmem>> -> memref<1x128xi32, #tpu.memory_space<vmem>>
    %dma_wait3A_19 = tpu.memref_squeeze %dma_wait3A_18 : memref<1x128xi32, #tpu.memory_space<vmem>> -> memref<128xi32, #tpu.memory_space<vmem>>
    %dma_wait3A_20 = arith.constant 0 : i32
    %dma_wait3A_21 = arith.constant 0 : i32
    %dma_wait3A_22 = tpu.memref_slice %arg2[%dma_wait3A_20, %dma_wait3A_21] : memref<10112x64xf32, #tpu.memory_space<hbm>> -> memref<10112x64xf32, #tpu.memory_space<hbm>>
    tpu.wait_indirect_dma semaphore(%arg12 : memref<!tpu.dma_semaphore, #tpu.memory_space<semaphore_mem>>) src(%dma_wait3A_22 : memref<10112x64xf32, #tpu.memory_space<hbm>>) dst(%arg8 : memref<128x64xf32, #tpu.memory_space<vmem>>)
    %run_scoped3A = arith.constant 78 : i32
    "tpu.region"() ({
      %run_scoped3A_28 = tpu.sem_alloc : memref<!tpu.dma_semaphore, #tpu.memory_space<semaphore_mem>>
      %dma_start3A_29 = arith.constant 0 : i32
      %dma_start3A_30 = tpu.memref_slice %arg7[%run_scoped3A, %dma_start3A_29] : memref<79x128xi32, #tpu.memory_space<vmem>> -> memref<1x128xi32, #tpu.memory_space<vmem>>
      %dma_start3A_31 = tpu.memref_squeeze %dma_start3A_30 : memref<1x128xi32, #tpu.memory_space<vmem>> -> memref<128xi32, #tpu.memory_space<vmem>>
      %dma_start3A_32 = arith.constant 0 : i32
      %dma_start3A_33 = arith.constant 0 : i32
      %dma_start3A_34 = tpu.memref_slice %arg11[%dma_start3A_32, %dma_start3A_33] : memref<10112x64xf32, #tpu.memory_space<vmem_shared>> -> memref<10112x64xf32, #tpu.memory_space<vmem_shared>>
      tpu.enqueue_indirect_dma source(%arg8 : memref<128x64xf32, #tpu.memory_space<vmem>>) target(%dma_start3A_34 : memref<10112x64xf32, #tpu.memory_space<vmem_shared>>) offsets(%dma_start3A_31 : memref<128xi32, #tpu.memory_space<vmem>>) semaphore(%run_scoped3A_28 : memref<!tpu.dma_semaphore, #tpu.memory_space<semaphore_mem>>) {add = true}
      %dma_wait3A_35 = arith.constant 0 : i32
      %dma_wait3A_36 = tpu.memref_slice %arg7[%run_scoped3A, %dma_wait3A_35] : memref<79x128xi32, #tpu.memory_space<vmem>> -> memref<1x128xi32, #tpu.memory_space<vmem>>
      %dma_wait3A_37 = tpu.memref_squeeze %dma_wait3A_36 : memref<1x128xi32, #tpu.memory_space<vmem>> -> memref<128xi32, #tpu.memory_space<vmem>>
      %dma_wait3A_38 = arith.constant 0 : i32
      %dma_wait3A_39 = arith.constant 0 : i32
      %dma_wait3A_40 = tpu.memref_slice %arg11[%dma_wait3A_38, %dma_wait3A_39] : memref<10112x64xf32, #tpu.memory_space<vmem_shared>> -> memref<10112x64xf32, #tpu.memory_space<vmem_shared>>
      tpu.wait_indirect_dma semaphore(%run_scoped3A_28 : memref<!tpu.dma_semaphore, #tpu.memory_space<semaphore_mem>>) src(%arg8 : memref<128x64xf32, #tpu.memory_space<vmem>>) dst(%dma_wait3A_40 : memref<10112x64xf32, #tpu.memory_space<vmem_shared>>)
      tpu.yield
    }) : () -> ()
    %barrier3A_23 = arith.constant 0 : index
    tpu.barrier barrier_id(%barrier3A_23)
    %mul3A_24 = arith.constant 632 : i32
    %mul3A_25 = arith.muli %arg1, %mul3A_24 : i32
    "tpu.region"() ({
      %run_scoped3A_28 = tpu.sem_alloc : memref<!tpu.dma_semaphore, #tpu.memory_space<semaphore_mem>>
      %dma_start3A_29 = arith.constant 0 : i32
      %dma_start3A_30 = tpu.memref_slice %arg11[%mul3A_25, %dma_start3A_29] : memref<10112x64xf32, #tpu.memory_space<vmem_shared>> -> memref<632x64xf32, #tpu.memory_space<vmem_shared>>
      %dma_start3A_31 = arith.constant 0 : i32
      %dma_start3A_32 = tpu.memref_slice %arg11[%mul3A_25, %dma_start3A_31] : memref<10112x64xf32, #tpu.memory_space<vmem_shared>> -> memref<632x64xf32, #tpu.memory_space<vmem_shared>>
      tpu.enqueue_dma source(%dma_start3A_32 : memref<632x64xf32, #tpu.memory_space<vmem_shared>>) target(%arg10 : memref<632x64xf32, #tpu.memory_space<vmem>>) target_semaphore(%run_scoped3A_28 : memref<!tpu.dma_semaphore, #tpu.memory_space<semaphore_mem>>)
      %dma_wait3A_33 = arith.constant 0 : i32
      %dma_wait3A_34 = tpu.memref_slice %arg11[%mul3A_25, %dma_wait3A_33] : memref<10112x64xf32, #tpu.memory_space<vmem_shared>> -> memref<632x64xf32, #tpu.memory_space<vmem_shared>>
      %dma_wait3A_35 = arith.constant 0 : i32
      %dma_wait3A_36 = tpu.memref_slice %arg11[%mul3A_25, %dma_wait3A_35] : memref<10112x64xf32, #tpu.memory_space<vmem_shared>> -> memref<632x64xf32, #tpu.memory_space<vmem_shared>>
      tpu.wait_dma2 semaphore(%run_scoped3A_28 : memref<!tpu.dma_semaphore, #tpu.memory_space<semaphore_mem>>) src(%dma_wait3A_36 : memref<632x64xf32, #tpu.memory_space<vmem_shared>>) dst(%arg10 : memref<632x64xf32, #tpu.memory_space<vmem>>)
      tpu.yield
    }) : () -> ()
    %mul3A_26 = arith.constant 632 : i32
    %mul3A_27 = arith.muli %arg1, %mul3A_26 : i32
    "tpu.region"() ({
      %run_scoped3A_28 = tpu.sem_alloc : memref<!tpu.dma_semaphore, #tpu.memory_space<semaphore_mem>>
      %dma_start3A_29 = arith.constant 0 : i32
      %dma_start3A_30 = tpu.memref_slice %arg5[%arg0, %mul3A_27, %dma_start3A_29] : memref<2x10112x64xf32, #tpu.memory_space<hbm>> -> memref<1x632x64xf32, #tpu.memory_space<hbm>>
      %dma_start3A_31 = tpu.memref_squeeze %dma_start3A_30 : memref<1x632x64xf32, #tpu.memory_space<hbm>> -> memref<632x64xf32, #tpu.memory_space<hbm>>
      %dma_start3A_32 = arith.constant 0 : i32
      %dma_start3A_33 = tpu.memref_slice %arg5[%arg0, %mul3A_27, %dma_start3A_32] : memref<2x10112x64xf32, #tpu.memory_space<hbm>> -> memref<1x632x64xf32, #tpu.memory_space<hbm>>
      %dma_start3A_34 = tpu.memref_squeeze %dma_start3A_33 : memref<1x632x64xf32, #tpu.memory_space<hbm>> -> memref<632x64xf32, #tpu.memory_space<hbm>>
      tpu.enqueue_dma source(%arg10 : memref<632x64xf32, #tpu.memory_space<vmem>>) target(%dma_start3A_34 : memref<632x64xf32, #tpu.memory_space<hbm>>) target_semaphore(%run_scoped3A_28 : memref<!tpu.dma_semaphore, #tpu.memory_space<semaphore_mem>>)
      %dma_wait3A_35 = arith.constant 0 : i32
      %dma_wait3A_36 = tpu.memref_slice %arg5[%arg0, %mul3A_27, %dma_wait3A_35] : memref<2x10112x64xf32, #tpu.memory_space<hbm>> -> memref<1x632x64xf32, #tpu.memory_space<hbm>>
      %dma_wait3A_37 = tpu.memref_squeeze %dma_wait3A_36 : memref<1x632x64xf32, #tpu.memory_space<hbm>> -> memref<632x64xf32, #tpu.memory_space<hbm>>
      %dma_wait3A_38 = arith.constant 0 : i32
      %dma_wait3A_39 = tpu.memref_slice %arg5[%arg0, %mul3A_27, %dma_wait3A_38] : memref<2x10112x64xf32, #tpu.memory_space<hbm>> -> memref<1x632x64xf32, #tpu.memory_space<hbm>>
      %dma_wait3A_40 = tpu.memref_squeeze %dma_wait3A_39 : memref<1x632x64xf32, #tpu.memory_space<hbm>> -> memref<632x64xf32, #tpu.memory_space<hbm>>
      tpu.wait_dma2 semaphore(%run_scoped3A_28 : memref<!tpu.dma_semaphore, #tpu.memory_space<semaphore_mem>>) src(%arg10 : memref<632x64xf32, #tpu.memory_space<vmem>>) dst(%dma_wait3A_40 : memref<632x64xf32, #tpu.memory_space<hbm>>)
      tpu.yield
    }) : () -> ()
    return
  }
}

#map = affine_map<(d0, d1) -> (0, 0)>
#map1 = affine_map<(d0, d1) -> (0, 0, 0)>
module attributes {stable_mosaic.version = 14 : i64} {
  func.func @_layer_body(%arg0: i32, %arg1: i32, %arg2: memref<10112x64xf32, #tpu.memory_space<hbm>>, %arg3: memref<32x79x128xi32, #tpu.memory_space<hbm>>, %arg4: memref<32x79x128xi32, #tpu.memory_space<hbm>>, %arg5: memref<2x10112x64xf32, #tpu.memory_space<hbm>>, %arg6: memref<79x128xi32, #tpu.memory_space<vmem>>, %arg7: memref<79x128xi32, #tpu.memory_space<vmem>>, %arg8: memref<128x64xf32, #tpu.memory_space<vmem>>, %arg9: memref<128x64xf32, #tpu.memory_space<vmem>>, %arg10: memref<632x64xf32, #tpu.memory_space<vmem>>, %arg11: memref<10112x64xf32, #tpu.memory_space<vmem_shared>>, %arg12: memref<!tpu.dma_semaphore, #tpu.memory_space<semaphore_mem>>, %arg13: memref<!tpu.dma_semaphore, #tpu.memory_space<semaphore_mem>>) attributes {dimension_semantics = [#tpu.dimension_semantics<core_parallel>, #tpu.dimension_semantics<subcore_parallel>], iteration_bounds = array<i64: 2, 16>, scalar_prefetch = 0 : i64, scratch_operands = 8 : i64, tpu.core_type = #tpu.core_type<sc_vector_subcore>, window_params = [{transform_indices = #map}, {transform_indices = #map1}, {transform_indices = #map1}, {transform_indices = #map1}]} {
    %mul3A = arith.constant 16 : i32
    %mul3A_0 = arith.muli %arg0, %mul3A : i32
    %add3A = arith.addi %mul3A_0, %arg1 : i32
    %mul3A_1 = arith.constant 632 : i32
    %mul3A_2 = arith.muli %arg1, %mul3A_1 : i32
    "tpu.region"() ({
      %run_scoped3A_28 = tpu.sem_alloc : memref<!tpu.dma_semaphore, #tpu.memory_space<semaphore_mem>>
      %dma_start3A_29 = arith.constant 0 : i32
      %dma_start3A_30 = tpu.memref_slice %arg2[%mul3A_2, %dma_start3A_29] : memref<10112x64xf32, #tpu.memory_space<hbm>> -> memref<632x64xf32, #tpu.memory_space<hbm>>
      %dma_start3A_31 = arith.constant 0 : i32
      %dma_start3A_32 = tpu.memref_slice %arg2[%mul3A_2, %dma_start3A_31] : memref<10112x64xf32, #tpu.memory_space<hbm>> -> memref<632x64xf32, #tpu.memory_space<hbm>>
      tpu.enqueue_dma source(%dma_start3A_32 : memref<632x64xf32, #tpu.memory_space<hbm>>) target(%arg10 : memref<632x64xf32, #tpu.memory_space<vmem>>) target_semaphore(%run_scoped3A_28 : memref<!tpu.dma_semaphore, #tpu.memory_space<semaphore_mem>>)
      %dma_wait3A_33 = arith.constant 0 : i32
      %dma_wait3A_34 = tpu.memref_slice %arg2[%mul3A_2, %dma_wait3A_33] : memref<10112x64xf32, #tpu.memory_space<hbm>> -> memref<632x64xf32, #tpu.memory_space<hbm>>
      %dma_wait3A_35 = arith.constant 0 : i32
      %dma_wait3A_36 = tpu.memref_slice %arg2[%mul3A_2, %dma_wait3A_35] : memref<10112x64xf32, #tpu.memory_space<hbm>> -> memref<632x64xf32, #tpu.memory_space<hbm>>
      tpu.wait_dma2 semaphore(%run_scoped3A_28 : memref<!tpu.dma_semaphore, #tpu.memory_space<semaphore_mem>>) src(%dma_wait3A_36 : memref<632x64xf32, #tpu.memory_space<hbm>>) dst(%arg10 : memref<632x64xf32, #tpu.memory_space<vmem>>)
      tpu.yield
    }) : () -> ()
    %mul3A_3 = arith.constant 632 : i32
    %mul3A_4 = arith.muli %arg1, %mul3A_3 : i32
    "tpu.region"() ({
      %run_scoped3A_28 = tpu.sem_alloc : memref<!tpu.dma_semaphore, #tpu.memory_space<semaphore_mem>>
      %dma_start3A_29 = arith.constant 0 : i32
      %dma_start3A_30 = tpu.memref_slice %arg11[%mul3A_4, %dma_start3A_29] : memref<10112x64xf32, #tpu.memory_space<vmem_shared>> -> memref<632x64xf32, #tpu.memory_space<vmem_shared>>
      %dma_start3A_31 = arith.constant 0 : i32
      %dma_start3A_32 = tpu.memref_slice %arg11[%mul3A_4, %dma_start3A_31] : memref<10112x64xf32, #tpu.memory_space<vmem_shared>> -> memref<632x64xf32, #tpu.memory_space<vmem_shared>>
      tpu.enqueue_dma source(%arg10 : memref<632x64xf32, #tpu.memory_space<vmem>>) target(%dma_start3A_32 : memref<632x64xf32, #tpu.memory_space<vmem_shared>>) target_semaphore(%run_scoped3A_28 : memref<!tpu.dma_semaphore, #tpu.memory_space<semaphore_mem>>)
      %dma_wait3A_33 = arith.constant 0 : i32
      %dma_wait3A_34 = tpu.memref_slice %arg11[%mul3A_4, %dma_wait3A_33] : memref<10112x64xf32, #tpu.memory_space<vmem_shared>> -> memref<632x64xf32, #tpu.memory_space<vmem_shared>>
      %dma_wait3A_35 = arith.constant 0 : i32
      %dma_wait3A_36 = tpu.memref_slice %arg11[%mul3A_4, %dma_wait3A_35] : memref<10112x64xf32, #tpu.memory_space<vmem_shared>> -> memref<632x64xf32, #tpu.memory_space<vmem_shared>>
      tpu.wait_dma2 semaphore(%run_scoped3A_28 : memref<!tpu.dma_semaphore, #tpu.memory_space<semaphore_mem>>) src(%arg10 : memref<632x64xf32, #tpu.memory_space<vmem>>) dst(%dma_wait3A_36 : memref<632x64xf32, #tpu.memory_space<vmem_shared>>)
      tpu.yield
    }) : () -> ()
    "tpu.region"() ({
      %run_scoped3A_28 = tpu.sem_alloc : memref<!tpu.dma_semaphore, #tpu.memory_space<semaphore_mem>>
      %dma_start3A_29 = arith.constant 0 : i32
      %dma_start3A_30 = arith.constant 0 : i32
      %dma_start3A_31 = tpu.memref_slice %arg3[%add3A, %dma_start3A_29, %dma_start3A_30] : memref<32x79x128xi32, #tpu.memory_space<hbm>> -> memref<1x79x128xi32, #tpu.memory_space<hbm>>
      %dma_start3A_32 = tpu.memref_squeeze %dma_start3A_31 : memref<1x79x128xi32, #tpu.memory_space<hbm>> -> memref<79x128xi32, #tpu.memory_space<hbm>>
      %dma_start3A_33 = arith.constant 0 : i32
      %dma_start3A_34 = arith.constant 0 : i32
      %dma_start3A_35 = tpu.memref_slice %arg3[%add3A, %dma_start3A_33, %dma_start3A_34] : memref<32x79x128xi32, #tpu.memory_space<hbm>> -> memref<1x79x128xi32, #tpu.memory_space<hbm>>
      %dma_start3A_36 = tpu.memref_squeeze %dma_start3A_35 : memref<1x79x128xi32, #tpu.memory_space<hbm>> -> memref<79x128xi32, #tpu.memory_space<hbm>>
      tpu.enqueue_dma source(%dma_start3A_36 : memref<79x128xi32, #tpu.memory_space<hbm>>) target(%arg6 : memref<79x128xi32, #tpu.memory_space<vmem>>) target_semaphore(%run_scoped3A_28 : memref<!tpu.dma_semaphore, #tpu.memory_space<semaphore_mem>>)
      %dma_wait3A_37 = arith.constant 0 : i32
      %dma_wait3A_38 = arith.constant 0 : i32
      %dma_wait3A_39 = tpu.memref_slice %arg3[%add3A, %dma_wait3A_37, %dma_wait3A_38] : memref<32x79x128xi32, #tpu.memory_space<hbm>> -> memref<1x79x128xi32, #tpu.memory_space<hbm>>
      %dma_wait3A_40 = tpu.memref_squeeze %dma_wait3A_39 : memref<1x79x128xi32, #tpu.memory_space<hbm>> -> memref<79x128xi32, #tpu.memory_space<hbm>>
      %dma_wait3A_41 = arith.constant 0 : i32
      %dma_wait3A_42 = arith.constant 0 : i32
      %dma_wait3A_43 = tpu.memref_slice %arg3[%add3A, %dma_wait3A_41, %dma_wait3A_42] : memref<32x79x128xi32, #tpu.memory_space<hbm>> -> memref<1x79x128xi32, #tpu.memory_space<hbm>>
      %dma_wait3A_44 = tpu.memref_squeeze %dma_wait3A_43 : memref<1x79x128xi32, #tpu.memory_space<hbm>> -> memref<79x128xi32, #tpu.memory_space<hbm>>
      tpu.wait_dma2 semaphore(%run_scoped3A_28 : memref<!tpu.dma_semaphore, #tpu.memory_space<semaphore_mem>>) src(%dma_wait3A_44 : memref<79x128xi32, #tpu.memory_space<hbm>>) dst(%arg6 : memref<79x128xi32, #tpu.memory_space<vmem>>)
      tpu.yield
    }) : () -> ()
    "tpu.region"() ({
      %run_scoped3A_28 = tpu.sem_alloc : memref<!tpu.dma_semaphore, #tpu.memory_space<semaphore_mem>>
      %dma_start3A_29 = arith.constant 0 : i32
      %dma_start3A_30 = arith.constant 0 : i32
      %dma_start3A_31 = tpu.memref_slice %arg4[%add3A, %dma_start3A_29, %dma_start3A_30] : memref<32x79x128xi32, #tpu.memory_space<hbm>> -> memref<1x79x128xi32, #tpu.memory_space<hbm>>
      %dma_start3A_32 = tpu.memref_squeeze %dma_start3A_31 : memref<1x79x128xi32, #tpu.memory_space<hbm>> -> memref<79x128xi32, #tpu.memory_space<hbm>>
      %dma_start3A_33 = arith.constant 0 : i32
      %dma_start3A_34 = arith.constant 0 : i32
      %dma_start3A_35 = tpu.memref_slice %arg4[%add3A, %dma_start3A_33, %dma_start3A_34] : memref<32x79x128xi32, #tpu.memory_space<hbm>> -> memref<1x79x128xi32, #tpu.memory_space<hbm>>
      %dma_start3A_36 = tpu.memref_squeeze %dma_start3A_35 : memref<1x79x128xi32, #tpu.memory_space<hbm>> -> memref<79x128xi32, #tpu.memory_space<hbm>>
      tpu.enqueue_dma source(%dma_start3A_36 : memref<79x128xi32, #tpu.memory_space<hbm>>) target(%arg7 : memref<79x128xi32, #tpu.memory_space<vmem>>) target_semaphore(%run_scoped3A_28 : memref<!tpu.dma_semaphore, #tpu.memory_space<semaphore_mem>>)
      %dma_wait3A_37 = arith.constant 0 : i32
      %dma_wait3A_38 = arith.constant 0 : i32
      %dma_wait3A_39 = tpu.memref_slice %arg4[%add3A, %dma_wait3A_37, %dma_wait3A_38] : memref<32x79x128xi32, #tpu.memory_space<hbm>> -> memref<1x79x128xi32, #tpu.memory_space<hbm>>
      %dma_wait3A_40 = tpu.memref_squeeze %dma_wait3A_39 : memref<1x79x128xi32, #tpu.memory_space<hbm>> -> memref<79x128xi32, #tpu.memory_space<hbm>>
      %dma_wait3A_41 = arith.constant 0 : i32
      %dma_wait3A_42 = arith.constant 0 : i32
      %dma_wait3A_43 = tpu.memref_slice %arg4[%add3A, %dma_wait3A_41, %dma_wait3A_42] : memref<32x79x128xi32, #tpu.memory_space<hbm>> -> memref<1x79x128xi32, #tpu.memory_space<hbm>>
      %dma_wait3A_44 = tpu.memref_squeeze %dma_wait3A_43 : memref<1x79x128xi32, #tpu.memory_space<hbm>> -> memref<79x128xi32, #tpu.memory_space<hbm>>
      tpu.wait_dma2 semaphore(%run_scoped3A_28 : memref<!tpu.dma_semaphore, #tpu.memory_space<semaphore_mem>>) src(%dma_wait3A_44 : memref<79x128xi32, #tpu.memory_space<hbm>>) dst(%arg7 : memref<79x128xi32, #tpu.memory_space<vmem>>)
      tpu.yield
    }) : () -> ()
    %barrier3A = arith.constant 0 : index
    tpu.barrier barrier_id(%barrier3A)
    %dma_start3A = arith.constant 0 : i32
    %dma_start3A_5 = arith.constant 0 : i32
    %dma_start3A_6 = tpu.memref_slice %arg6[%dma_start3A, %dma_start3A_5] : memref<79x128xi32, #tpu.memory_space<vmem>> -> memref<1x128xi32, #tpu.memory_space<vmem>>
    %dma_start3A_7 = tpu.memref_squeeze %dma_start3A_6 : memref<1x128xi32, #tpu.memory_space<vmem>> -> memref<128xi32, #tpu.memory_space<vmem>>
    %dma_start3A_8 = arith.constant 0 : i32
    %dma_start3A_9 = arith.constant 0 : i32
    %dma_start3A_10 = tpu.memref_slice %arg2[%dma_start3A_8, %dma_start3A_9] : memref<10112x64xf32, #tpu.memory_space<hbm>> -> memref<10112x64xf32, #tpu.memory_space<hbm>>
    tpu.enqueue_indirect_dma source(%dma_start3A_10 : memref<10112x64xf32, #tpu.memory_space<hbm>>) target(%arg8 : memref<128x64xf32, #tpu.memory_space<vmem>>) offsets(%dma_start3A_7 : memref<128xi32, #tpu.memory_space<vmem>>) semaphore(%arg12 : memref<!tpu.dma_semaphore, #tpu.memory_space<semaphore_mem>>)
    %scan3A = arith.constant 0 : i32
    %scan3A_11 = arith.constant 0 : i32
    %scan3A_12 = arith.constant 39 : i32
    %scan3A_13 = arith.addi %scan3A_11, %scan3A_12 : i32
    %scan3A_14 = arith.constant 1 : i32
    %scan3A_15 = scf.for %scan3A_28 = %scan3A_11 to %scan3A_13 step %scan3A_14 iter_args(%scan3A_29 = %scan3A) -> (i32)  : i32 {
      %mul3A_30 = arith.constant 2 : i32
      %mul3A_31 = arith.muli %mul3A_30, %scan3A_28 : i32
      %add3A_32 = arith.constant 1 : i32
      %add3A_33 = arith.addi %mul3A_31, %add3A_32 : i32
      %dma_start3A_34 = arith.constant 0 : i32
      %dma_start3A_35 = tpu.memref_slice %arg6[%add3A_33, %dma_start3A_34] : memref<79x128xi32, #tpu.memory_space<vmem>> -> memref<1x128xi32, #tpu.memory_space<vmem>>
      %dma_start3A_36 = tpu.memref_squeeze %dma_start3A_35 : memref<1x128xi32, #tpu.memory_space<vmem>> -> memref<128xi32, #tpu.memory_space<vmem>>
      %dma_start3A_37 = arith.constant 0 : i32
      %dma_start3A_38 = arith.constant 0 : i32
      %dma_start3A_39 = tpu.memref_slice %arg2[%dma_start3A_37, %dma_start3A_38] : memref<10112x64xf32, #tpu.memory_space<hbm>> -> memref<10112x64xf32, #tpu.memory_space<hbm>>
      tpu.enqueue_indirect_dma source(%dma_start3A_39 : memref<10112x64xf32, #tpu.memory_space<hbm>>) target(%arg9 : memref<128x64xf32, #tpu.memory_space<vmem>>) offsets(%dma_start3A_36 : memref<128xi32, #tpu.memory_space<vmem>>) semaphore(%arg13 : memref<!tpu.dma_semaphore, #tpu.memory_space<semaphore_mem>>)
      %dma_wait3A_40 = arith.constant 0 : i32
      %dma_wait3A_41 = arith.constant 0 : i32
      %dma_wait3A_42 = tpu.memref_slice %arg6[%dma_wait3A_40, %dma_wait3A_41] : memref<79x128xi32, #tpu.memory_space<vmem>> -> memref<1x128xi32, #tpu.memory_space<vmem>>
      %dma_wait3A_43 = tpu.memref_squeeze %dma_wait3A_42 : memref<1x128xi32, #tpu.memory_space<vmem>> -> memref<128xi32, #tpu.memory_space<vmem>>
      %dma_wait3A_44 = arith.constant 0 : i32
      %dma_wait3A_45 = arith.constant 0 : i32
      %dma_wait3A_46 = tpu.memref_slice %arg2[%dma_wait3A_44, %dma_wait3A_45] : memref<10112x64xf32, #tpu.memory_space<hbm>> -> memref<10112x64xf32, #tpu.memory_space<hbm>>
      tpu.wait_indirect_dma semaphore(%arg12 : memref<!tpu.dma_semaphore, #tpu.memory_space<semaphore_mem>>) src(%dma_wait3A_46 : memref<10112x64xf32, #tpu.memory_space<hbm>>) dst(%arg8 : memref<128x64xf32, #tpu.memory_space<vmem>>)
      "tpu.region"() ({
        %run_scoped3A_65 = tpu.sem_alloc : memref<!tpu.dma_semaphore, #tpu.memory_space<semaphore_mem>>
        %dma_start3A_66 = arith.constant 0 : i32
        %dma_start3A_67 = tpu.memref_slice %arg7[%mul3A_31, %dma_start3A_66] : memref<79x128xi32, #tpu.memory_space<vmem>> -> memref<1x128xi32, #tpu.memory_space<vmem>>
        %dma_start3A_68 = tpu.memref_squeeze %dma_start3A_67 : memref<1x128xi32, #tpu.memory_space<vmem>> -> memref<128xi32, #tpu.memory_space<vmem>>
        %dma_start3A_69 = arith.constant 0 : i32
        %dma_start3A_70 = arith.constant 0 : i32
        %dma_start3A_71 = tpu.memref_slice %arg11[%dma_start3A_69, %dma_start3A_70] : memref<10112x64xf32, #tpu.memory_space<vmem_shared>> -> memref<10112x64xf32, #tpu.memory_space<vmem_shared>>
        tpu.enqueue_indirect_dma source(%arg8 : memref<128x64xf32, #tpu.memory_space<vmem>>) target(%dma_start3A_71 : memref<10112x64xf32, #tpu.memory_space<vmem_shared>>) offsets(%dma_start3A_68 : memref<128xi32, #tpu.memory_space<vmem>>) semaphore(%run_scoped3A_65 : memref<!tpu.dma_semaphore, #tpu.memory_space<semaphore_mem>>) {add = true}
        %dma_wait3A_72 = arith.constant 0 : i32
        %dma_wait3A_73 = tpu.memref_slice %arg7[%mul3A_31, %dma_wait3A_72] : memref<79x128xi32, #tpu.memory_space<vmem>> -> memref<1x128xi32, #tpu.memory_space<vmem>>
        %dma_wait3A_74 = tpu.memref_squeeze %dma_wait3A_73 : memref<1x128xi32, #tpu.memory_space<vmem>> -> memref<128xi32, #tpu.memory_space<vmem>>
        %dma_wait3A_75 = arith.constant 0 : i32
        %dma_wait3A_76 = arith.constant 0 : i32
        %dma_wait3A_77 = tpu.memref_slice %arg11[%dma_wait3A_75, %dma_wait3A_76] : memref<10112x64xf32, #tpu.memory_space<vmem_shared>> -> memref<10112x64xf32, #tpu.memory_space<vmem_shared>>
        tpu.wait_indirect_dma semaphore(%run_scoped3A_65 : memref<!tpu.dma_semaphore, #tpu.memory_space<semaphore_mem>>) src(%arg8 : memref<128x64xf32, #tpu.memory_space<vmem>>) dst(%dma_wait3A_77 : memref<10112x64xf32, #tpu.memory_space<vmem_shared>>)
        tpu.yield
      }) : () -> ()
      %add3A_47 = arith.constant 2 : i32
      %add3A_48 = arith.addi %mul3A_31, %add3A_47 : i32
      %dma_start3A_49 = arith.constant 0 : i32
      %dma_start3A_50 = tpu.memref_slice %arg6[%add3A_48, %dma_start3A_49] : memref<79x128xi32, #tpu.memory_space<vmem>> -> memref<1x128xi32, #tpu.memory_space<vmem>>
      %dma_start3A_51 = tpu.memref_squeeze %dma_start3A_50 : memref<1x128xi32, #tpu.memory_space<vmem>> -> memref<128xi32, #tpu.memory_space<vmem>>
      %dma_start3A_52 = arith.constant 0 : i32
      %dma_start3A_53 = arith.constant 0 : i32
      %dma_start3A_54 = tpu.memref_slice %arg2[%dma_start3A_52, %dma_start3A_53] : memref<10112x64xf32, #tpu.memory_space<hbm>> -> memref<10112x64xf32, #tpu.memory_space<hbm>>
      tpu.enqueue_indirect_dma source(%dma_start3A_54 : memref<10112x64xf32, #tpu.memory_space<hbm>>) target(%arg8 : memref<128x64xf32, #tpu.memory_space<vmem>>) offsets(%dma_start3A_51 : memref<128xi32, #tpu.memory_space<vmem>>) semaphore(%arg12 : memref<!tpu.dma_semaphore, #tpu.memory_space<semaphore_mem>>)
      %dma_wait3A_55 = arith.constant 0 : i32
      %dma_wait3A_56 = arith.constant 0 : i32
      %dma_wait3A_57 = tpu.memref_slice %arg6[%dma_wait3A_55, %dma_wait3A_56] : memref<79x128xi32, #tpu.memory_space<vmem>> -> memref<1x128xi32, #tpu.memory_space<vmem>>
      %dma_wait3A_58 = tpu.memref_squeeze %dma_wait3A_57 : memref<1x128xi32, #tpu.memory_space<vmem>> -> memref<128xi32, #tpu.memory_space<vmem>>
      %dma_wait3A_59 = arith.constant 0 : i32
      %dma_wait3A_60 = arith.constant 0 : i32
      %dma_wait3A_61 = tpu.memref_slice %arg2[%dma_wait3A_59, %dma_wait3A_60] : memref<10112x64xf32, #tpu.memory_space<hbm>> -> memref<10112x64xf32, #tpu.memory_space<hbm>>
      tpu.wait_indirect_dma semaphore(%arg13 : memref<!tpu.dma_semaphore, #tpu.memory_space<semaphore_mem>>) src(%dma_wait3A_61 : memref<10112x64xf32, #tpu.memory_space<hbm>>) dst(%arg9 : memref<128x64xf32, #tpu.memory_space<vmem>>)
      %add3A_62 = arith.constant 1 : i32
      %add3A_63 = arith.addi %mul3A_31, %add3A_62 : i32
      "tpu.region"() ({
        %run_scoped3A_65 = tpu.sem_alloc : memref<!tpu.dma_semaphore, #tpu.memory_space<semaphore_mem>>
        %dma_start3A_66 = arith.constant 0 : i32
        %dma_start3A_67 = tpu.memref_slice %arg7[%add3A_63, %dma_start3A_66] : memref<79x128xi32, #tpu.memory_space<vmem>> -> memref<1x128xi32, #tpu.memory_space<vmem>>
        %dma_start3A_68 = tpu.memref_squeeze %dma_start3A_67 : memref<1x128xi32, #tpu.memory_space<vmem>> -> memref<128xi32, #tpu.memory_space<vmem>>
        %dma_start3A_69 = arith.constant 0 : i32
        %dma_start3A_70 = arith.constant 0 : i32
        %dma_start3A_71 = tpu.memref_slice %arg11[%dma_start3A_69, %dma_start3A_70] : memref<10112x64xf32, #tpu.memory_space<vmem_shared>> -> memref<10112x64xf32, #tpu.memory_space<vmem_shared>>
        tpu.enqueue_indirect_dma source(%arg9 : memref<128x64xf32, #tpu.memory_space<vmem>>) target(%dma_start3A_71 : memref<10112x64xf32, #tpu.memory_space<vmem_shared>>) offsets(%dma_start3A_68 : memref<128xi32, #tpu.memory_space<vmem>>) semaphore(%run_scoped3A_65 : memref<!tpu.dma_semaphore, #tpu.memory_space<semaphore_mem>>) {add = true}
        %dma_wait3A_72 = arith.constant 0 : i32
        %dma_wait3A_73 = tpu.memref_slice %arg7[%add3A_63, %dma_wait3A_72] : memref<79x128xi32, #tpu.memory_space<vmem>> -> memref<1x128xi32, #tpu.memory_space<vmem>>
        %dma_wait3A_74 = tpu.memref_squeeze %dma_wait3A_73 : memref<1x128xi32, #tpu.memory_space<vmem>> -> memref<128xi32, #tpu.memory_space<vmem>>
        %dma_wait3A_75 = arith.constant 0 : i32
        %dma_wait3A_76 = arith.constant 0 : i32
        %dma_wait3A_77 = tpu.memref_slice %arg11[%dma_wait3A_75, %dma_wait3A_76] : memref<10112x64xf32, #tpu.memory_space<vmem_shared>> -> memref<10112x64xf32, #tpu.memory_space<vmem_shared>>
        tpu.wait_indirect_dma semaphore(%run_scoped3A_65 : memref<!tpu.dma_semaphore, #tpu.memory_space<semaphore_mem>>) src(%arg9 : memref<128x64xf32, #tpu.memory_space<vmem>>) dst(%dma_wait3A_77 : memref<10112x64xf32, #tpu.memory_space<vmem_shared>>)
        tpu.yield
      }) : () -> ()
      %scan3A_64 = arith.constant 0 : i32
      scf.yield %scan3A_64 : i32
    }
    %scan3A_16 = arith.constant 39 : i32
    %dma_wait3A = arith.constant 0 : i32
    %dma_wait3A_17 = arith.constant 0 : i32
    %dma_wait3A_18 = tpu.memref_slice %arg6[%dma_wait3A, %dma_wait3A_17] : memref<79x128xi32, #tpu.memory_space<vmem>> -> memref<1x128xi32, #tpu.memory_space<vmem>>
    %dma_wait3A_19 = tpu.memref_squeeze %dma_wait3A_18 : memref<1x128xi32, #tpu.memory_space<vmem>> -> memref<128xi32, #tpu.memory_space<vmem>>
    %dma_wait3A_20 = arith.constant 0 : i32
    %dma_wait3A_21 = arith.constant 0 : i32
    %dma_wait3A_22 = tpu.memref_slice %arg2[%dma_wait3A_20, %dma_wait3A_21] : memref<10112x64xf32, #tpu.memory_space<hbm>> -> memref<10112x64xf32, #tpu.memory_space<hbm>>
    tpu.wait_indirect_dma semaphore(%arg12 : memref<!tpu.dma_semaphore, #tpu.memory_space<semaphore_mem>>) src(%dma_wait3A_22 : memref<10112x64xf32, #tpu.memory_space<hbm>>) dst(%arg8 : memref<128x64xf32, #tpu.memory_space<vmem>>)
    %run_scoped3A = arith.constant 78 : i32
    "tpu.region"() ({
      %run_scoped3A_28 = tpu.sem_alloc : memref<!tpu.dma_semaphore, #tpu.memory_space<semaphore_mem>>
      %dma_start3A_29 = arith.constant 0 : i32
      %dma_start3A_30 = tpu.memref_slice %arg7[%run_scoped3A, %dma_start3A_29] : memref<79x128xi32, #tpu.memory_space<vmem>> -> memref<1x128xi32, #tpu.memory_space<vmem>>
      %dma_start3A_31 = tpu.memref_squeeze %dma_start3A_30 : memref<1x128xi32, #tpu.memory_space<vmem>> -> memref<128xi32, #tpu.memory_space<vmem>>
      %dma_start3A_32 = arith.constant 0 : i32
      %dma_start3A_33 = arith.constant 0 : i32
      %dma_start3A_34 = tpu.memref_slice %arg11[%dma_start3A_32, %dma_start3A_33] : memref<10112x64xf32, #tpu.memory_space<vmem_shared>> -> memref<10112x64xf32, #tpu.memory_space<vmem_shared>>
      tpu.enqueue_indirect_dma source(%arg8 : memref<128x64xf32, #tpu.memory_space<vmem>>) target(%dma_start3A_34 : memref<10112x64xf32, #tpu.memory_space<vmem_shared>>) offsets(%dma_start3A_31 : memref<128xi32, #tpu.memory_space<vmem>>) semaphore(%run_scoped3A_28 : memref<!tpu.dma_semaphore, #tpu.memory_space<semaphore_mem>>) {add = true}
      %dma_wait3A_35 = arith.constant 0 : i32
      %dma_wait3A_36 = tpu.memref_slice %arg7[%run_scoped3A, %dma_wait3A_35] : memref<79x128xi32, #tpu.memory_space<vmem>> -> memref<1x128xi32, #tpu.memory_space<vmem>>
      %dma_wait3A_37 = tpu.memref_squeeze %dma_wait3A_36 : memref<1x128xi32, #tpu.memory_space<vmem>> -> memref<128xi32, #tpu.memory_space<vmem>>
      %dma_wait3A_38 = arith.constant 0 : i32
      %dma_wait3A_39 = arith.constant 0 : i32
      %dma_wait3A_40 = tpu.memref_slice %arg11[%dma_wait3A_38, %dma_wait3A_39] : memref<10112x64xf32, #tpu.memory_space<vmem_shared>> -> memref<10112x64xf32, #tpu.memory_space<vmem_shared>>
      tpu.wait_indirect_dma semaphore(%run_scoped3A_28 : memref<!tpu.dma_semaphore, #tpu.memory_space<semaphore_mem>>) src(%arg8 : memref<128x64xf32, #tpu.memory_space<vmem>>) dst(%dma_wait3A_40 : memref<10112x64xf32, #tpu.memory_space<vmem_shared>>)
      tpu.yield
    }) : () -> ()
    %barrier3A_23 = arith.constant 0 : index
    tpu.barrier barrier_id(%barrier3A_23)
    %mul3A_24 = arith.constant 632 : i32
    %mul3A_25 = arith.muli %arg1, %mul3A_24 : i32
    "tpu.region"() ({
      %run_scoped3A_28 = tpu.sem_alloc : memref<!tpu.dma_semaphore, #tpu.memory_space<semaphore_mem>>
      %dma_start3A_29 = arith.constant 0 : i32
      %dma_start3A_30 = tpu.memref_slice %arg11[%mul3A_25, %dma_start3A_29] : memref<10112x64xf32, #tpu.memory_space<vmem_shared>> -> memref<632x64xf32, #tpu.memory_space<vmem_shared>>
      %dma_start3A_31 = arith.constant 0 : i32
      %dma_start3A_32 = tpu.memref_slice %arg11[%mul3A_25, %dma_start3A_31] : memref<10112x64xf32, #tpu.memory_space<vmem_shared>> -> memref<632x64xf32, #tpu.memory_space<vmem_shared>>
      tpu.enqueue_dma source(%dma_start3A_32 : memref<632x64xf32, #tpu.memory_space<vmem_shared>>) target(%arg10 : memref<632x64xf32, #tpu.memory_space<vmem>>) target_semaphore(%run_scoped3A_28 : memref<!tpu.dma_semaphore, #tpu.memory_space<semaphore_mem>>)
      %dma_wait3A_33 = arith.constant 0 : i32
      %dma_wait3A_34 = tpu.memref_slice %arg11[%mul3A_25, %dma_wait3A_33] : memref<10112x64xf32, #tpu.memory_space<vmem_shared>> -> memref<632x64xf32, #tpu.memory_space<vmem_shared>>
      %dma_wait3A_35 = arith.constant 0 : i32
      %dma_wait3A_36 = tpu.memref_slice %arg11[%mul3A_25, %dma_wait3A_35] : memref<10112x64xf32, #tpu.memory_space<vmem_shared>> -> memref<632x64xf32, #tpu.memory_space<vmem_shared>>
      tpu.wait_dma2 semaphore(%run_scoped3A_28 : memref<!tpu.dma_semaphore, #tpu.memory_space<semaphore_mem>>) src(%dma_wait3A_36 : memref<632x64xf32, #tpu.memory_space<vmem_shared>>) dst(%arg10 : memref<632x64xf32, #tpu.memory_space<vmem>>)
      tpu.yield
    }) : () -> ()
    %mul3A_26 = arith.constant 632 : i32
    %mul3A_27 = arith.muli %arg1, %mul3A_26 : i32
    "tpu.region"() ({
      %run_scoped3A_28 = tpu.sem_alloc : memref<!tpu.dma_semaphore, #tpu.memory_space<semaphore_mem>>
      %dma_start3A_29 = arith.constant 0 : i32
      %dma_start3A_30 = tpu.memref_slice %arg5[%arg0, %mul3A_27, %dma_start3A_29] : memref<2x10112x64xf32, #tpu.memory_space<hbm>> -> memref<1x632x64xf32, #tpu.memory_space<hbm>>
      %dma_start3A_31 = tpu.memref_squeeze %dma_start3A_30 : memref<1x632x64xf32, #tpu.memory_space<hbm>> -> memref<632x64xf32, #tpu.memory_space<hbm>>
      %dma_start3A_32 = arith.constant 0 : i32
      %dma_start3A_33 = tpu.memref_slice %arg5[%arg0, %mul3A_27, %dma_start3A_32] : memref<2x10112x64xf32, #tpu.memory_space<hbm>> -> memref<1x632x64xf32, #tpu.memory_space<hbm>>
      %dma_start3A_34 = tpu.memref_squeeze %dma_start3A_33 : memref<1x632x64xf32, #tpu.memory_space<hbm>> -> memref<632x64xf32, #tpu.memory_space<hbm>>
      tpu.enqueue_dma source(%arg10 : memref<632x64xf32, #tpu.memory_space<vmem>>) target(%dma_start3A_34 : memref<632x64xf32, #tpu.memory_space<hbm>>) target_semaphore(%run_scoped3A_28 : memref<!tpu.dma_semaphore, #tpu.memory_space<semaphore_mem>>)
      %dma_wait3A_35 = arith.constant 0 : i32
      %dma_wait3A_36 = tpu.memref_slice %arg5[%arg0, %mul3A_27, %dma_wait3A_35] : memref<2x10112x64xf32, #tpu.memory_space<hbm>> -> memref<1x632x64xf32, #tpu.memory_space<hbm>>
      %dma_wait3A_37 = tpu.memref_squeeze %dma_wait3A_36 : memref<1x632x64xf32, #tpu.memory_space<hbm>> -> memref<632x64xf32, #tpu.memory_space<hbm>>
      %dma_wait3A_38 = arith.constant 0 : i32
      %dma_wait3A_39 = tpu.memref_slice %arg5[%arg0, %mul3A_27, %dma_wait3A_38] : memref<2x10112x64xf32, #tpu.memory_space<hbm>> -> memref<1x632x64xf32, #tpu.memory_space<hbm>>
      %dma_wait3A_40 = tpu.memref_squeeze %dma_wait3A_39 : memref<1x632x64xf32, #tpu.memory_space<hbm>> -> memref<632x64xf32, #tpu.memory_space<hbm>>
      tpu.wait_dma2 semaphore(%run_scoped3A_28 : memref<!tpu.dma_semaphore, #tpu.memory_space<semaphore_mem>>) src(%arg10 : memref<632x64xf32, #tpu.memory_space<vmem>>) dst(%dma_wait3A_40 : memref<632x64xf32, #tpu.memory_space<hbm>>)
      tpu.yield
    }) : () -> ()
    return
  }
}

module attributes {stable_mosaic.version = 14 : i64} {
  func.func @_prep_body(%arg0: memref<2x10112x16xf32, #tpu.memory_space<vmem>>, %arg1: memref<10112x128xf32, #tpu.memory_space<vmem>>, %arg2: memref<128x64xf32, #tpu.memory_space<vmem>>, %arg3: memref<10112x1xf32, #tpu.memory_space<vmem>>, %arg4: memref<10112x64xf32, #tpu.memory_space<vmem>>) attributes {dimension_semantics = [], scalar_prefetch = 0 : i64, scratch_operands = 0 : i64, tpu.core_type = #tpu.core_type<tc>} {
    %get3A = arith.constant 0 : index
    %get3A_0 = arith.constant 0 : index
    %get3A_1 = arith.constant 0 : index
    %get3A_2 = vector.load %arg0[%get3A, %get3A_0, %get3A_1] : memref<2x10112x16xf32, #tpu.memory_space<vmem>>, vector<1x10112x1xf32>
    %get3A_3 = vector.shape_cast %get3A_2 : vector<1x10112x1xf32> to vector<10112x1xf32>
    %get3A_4 = arith.constant 1 : index
    %get3A_5 = arith.constant 0 : index
    %get3A_6 = arith.constant 0 : index
    %get3A_7 = vector.load %arg0[%get3A_4, %get3A_5, %get3A_6] : memref<2x10112x16xf32, #tpu.memory_space<vmem>>, vector<1x10112x1xf32>
    %get3A_8 = vector.shape_cast %get3A_7 : vector<1x10112x1xf32> to vector<10112x1xf32>
    %add3A = arith.addf %get3A_3, %get3A_8 : vector<10112x1xf32>
    %add3A_9 = arith.constant 1.000000e+00 : f32
    %add3A_10 = vector.broadcast %add3A_9 : f32 to vector<10112x1xf32>
    %add3A_11 = arith.addf %add3A, %add3A_10 : vector<10112x1xf32>
    %rsqrt3A = math.rsqrt %add3A_11 : vector<10112x1xf32>
    %swap3A = arith.constant 0 : index
    %swap3A_12 = arith.constant 0 : index
    %swap3A_13 = vector.load %arg3[%swap3A, %swap3A_12] : memref<10112x1xf32, #tpu.memory_space<vmem>>, vector<10112x1xf32>
    tpu.vector_store %arg3[%swap3A, %swap3A_12], %rsqrt3A {strides = array<i32>} : memref<10112x1xf32, #tpu.memory_space<vmem>>, vector<10112x1xf32>,
    %get3A_14 = arith.constant 0 : index
    %get3A_15 = arith.constant 0 : index
    %get3A_16 = vector.load %arg1[%get3A_14, %get3A_15] : memref<10112x128xf32, #tpu.memory_space<vmem>>, vector<10112x128xf32>
    %get3A_17 = arith.constant 0 : index
    %get3A_18 = arith.constant 0 : index
    %get3A_19 = vector.load %arg2[%get3A_17, %get3A_18] : memref<128x64xf32, #tpu.memory_space<vmem>>, vector<128x64xf32>
    %dot_general3A = arith.constant dense<0.000000e+00> : vector<10112x64xf32>
    %dot_general3A_20 = tpu.matmul %get3A_16, %get3A_19, %dot_general3A {dimension_numbers = #tpu.dot_dimension_numbers<[1], [0], [0], [1], [0, 0, 1, 1], [], []>, transpose_lhs_hint = false} : vector<10112x128xf32>, vector<128x64xf32>, vector<10112x64xf32> -> vector<10112x64xf32>
    %mul3A = vector.broadcast %rsqrt3A : vector<10112x1xf32> to vector<10112x64xf32>
    %mul3A_21 = arith.mulf %dot_general3A_20, %mul3A : vector<10112x64xf32>
    %swap3A_22 = arith.constant 0 : index
    %swap3A_23 = arith.constant 0 : index
    %swap3A_24 = vector.load %arg4[%swap3A_22, %swap3A_23] : memref<10112x64xf32, #tpu.memory_space<vmem>>, vector<10112x64xf32>
    tpu.vector_store %arg4[%swap3A_22, %swap3A_23], %mul3A_21 {strides = array<i32>} : memref<10112x64xf32, #tpu.memory_space<vmem>>, vector<10112x64xf32>,
    return
  }
}

module attributes {stable_mosaic.version = 14 : i64} {
  func.func @_mid_body(%arg0: memref<2x10112x64xf32, #tpu.memory_space<vmem>>, %arg1: memref<10112x64xf32, #tpu.memory_space<vmem>>, %arg2: memref<10112x1xf32, #tpu.memory_space<vmem>>, %arg3: memref<1x64xf32, #tpu.memory_space<vmem>>, %arg4: memref<1x64xf32, #tpu.memory_space<vmem>>, %arg5: memref<1x64xf32, #tpu.memory_space<vmem>>, %arg6: memref<64x64xf32, #tpu.memory_space<vmem>>, %arg7: memref<10112x64xf32, #tpu.memory_space<vmem>>) attributes {dimension_semantics = [], scalar_prefetch = 0 : i64, scratch_operands = 0 : i64, tpu.core_type = #tpu.core_type<tc>} {
    %get3A = arith.constant 0 : index
    %get3A_0 = arith.constant 0 : index
    %get3A_1 = vector.load %arg2[%get3A, %get3A_0] : memref<10112x1xf32, #tpu.memory_space<vmem>>, vector<10112x1xf32>
    %get3A_2 = arith.constant 0 : index
    %get3A_3 = arith.constant 0 : index
    %get3A_4 = arith.constant 0 : index
    %get3A_5 = vector.load %arg0[%get3A_2, %get3A_3, %get3A_4] : memref<2x10112x64xf32, #tpu.memory_space<vmem>>, vector<1x10112x64xf32>
    %get3A_6 = vector.shape_cast %get3A_5 : vector<1x10112x64xf32> to vector<10112x64xf32>
    %get3A_7 = arith.constant 1 : index
    %get3A_8 = arith.constant 0 : index
    %get3A_9 = arith.constant 0 : index
    %get3A_10 = vector.load %arg0[%get3A_7, %get3A_8, %get3A_9] : memref<2x10112x64xf32, #tpu.memory_space<vmem>>, vector<1x10112x64xf32>
    %get3A_11 = vector.shape_cast %get3A_10 : vector<1x10112x64xf32> to vector<10112x64xf32>
    %add3A = arith.addf %get3A_6, %get3A_11 : vector<10112x64xf32>
    %get3A_12 = arith.constant 0 : index
    %get3A_13 = arith.constant 0 : index
    %get3A_14 = vector.load %arg1[%get3A_12, %get3A_13] : memref<10112x64xf32, #tpu.memory_space<vmem>>, vector<10112x64xf32>
    %sub3A = arith.subf %add3A, %get3A_14 : vector<10112x64xf32>
    %mul3A = vector.broadcast %get3A_1 : vector<10112x1xf32> to vector<10112x64xf32>
    %mul3A_15 = arith.mulf %sub3A, %mul3A : vector<10112x64xf32>
    %get3A_16 = arith.constant 0 : index
    %get3A_17 = arith.constant 0 : index
    %get3A_18 = vector.load %arg3[%get3A_16, %get3A_17] : memref<1x64xf32, #tpu.memory_space<vmem>>, vector<1x64xf32>
    %add3A_19 = vector.broadcast %get3A_18 : vector<1x64xf32> to vector<10112x64xf32>
    %add3A_20 = arith.addf %mul3A_15, %add3A_19 : vector<10112x64xf32>
    %iota3A = tpu.iota {dimensions = array<i32: 0>} : vector<10112x1xi32>
    %lt3A = arith.constant 10000 : i32
    %lt3A_21 = vector.broadcast %lt3A : i32 to vector<10112x1xi32>
    %lt3A_22 = arith.cmpi slt, %iota3A, %lt3A_21 : vector<10112x1xi32>
    %jit3A = arith.constant 0.000000e+00 : f32
    %broadcast_in_dim3A = vector.shape_cast %lt3A_22 : vector<10112x1xi1> to vector<10112x1xi1>
    %broadcast_in_dim3A_23 = vector.broadcast %broadcast_in_dim3A : vector<10112x1xi1> to vector<10112x64xi1>
    %broadcast_in_dim3A_24 = vector.broadcast %jit3A : f32 to vector<10112x64xf32>
    %select_n3A = arith.select %broadcast_in_dim3A_23, %add3A_20, %broadcast_in_dim3A_24 : vector<10112x64xi1>, vector<10112x64xf32>
    %reduce_sum3A = arith.constant dense<0.000000e+00> : vector<64xf32>
    %reduce_sum3A_25 = vector.multi_reduction <add>, %select_n3A, %reduce_sum3A [0] : vector<10112x64xf32> to vector<64xf32>
    %broadcast_in_dim3A_26 = vector.shape_cast %reduce_sum3A_25 : vector<64xf32> to vector<1x64xf32>
    %div3A = arith.constant 1.000000e+04 : f32
    %div3A_27 = vector.broadcast %div3A : f32 to vector<1x64xf32>
    %div3A_28 = arith.divf %broadcast_in_dim3A_26, %div3A_27 : vector<1x64xf32>
    %sub3A_29 = vector.broadcast %div3A_28 : vector<1x64xf32> to vector<10112x64xf32>
    %sub3A_30 = arith.subf %add3A_20, %sub3A_29 : vector<10112x64xf32>
    %mul3A_31 = arith.mulf %sub3A_30, %sub3A_30 : vector<10112x64xf32>
    %jit3A_32 = arith.constant 0.000000e+00 : f32
    %broadcast_in_dim3A_33 = vector.shape_cast %lt3A_22 : vector<10112x1xi1> to vector<10112x1xi1>
    %broadcast_in_dim3A_34 = vector.broadcast %broadcast_in_dim3A_33 : vector<10112x1xi1> to vector<10112x64xi1>
    %broadcast_in_dim3A_35 = vector.broadcast %jit3A_32 : f32 to vector<10112x64xf32>
    %select_n3A_36 = arith.select %broadcast_in_dim3A_34, %mul3A_31, %broadcast_in_dim3A_35 : vector<10112x64xi1>, vector<10112x64xf32>
    %reduce_sum3A_37 = arith.constant dense<0.000000e+00> : vector<64xf32>
    %reduce_sum3A_38 = vector.multi_reduction <add>, %select_n3A_36, %reduce_sum3A_37 [0] : vector<10112x64xf32> to vector<64xf32>
    %broadcast_in_dim3A_39 = vector.shape_cast %reduce_sum3A_38 : vector<64xf32> to vector<1x64xf32>
    %div3A_40 = arith.constant 1.000000e+04 : f32
    %div3A_41 = vector.broadcast %div3A_40 : f32 to vector<1x64xf32>
    %div3A_42 = arith.divf %broadcast_in_dim3A_39, %div3A_41 : vector<1x64xf32>
    %get3A_43 = arith.constant 0 : index
    %get3A_44 = arith.constant 0 : index
    %get3A_45 = vector.load %arg4[%get3A_43, %get3A_44] : memref<1x64xf32, #tpu.memory_space<vmem>>, vector<1x64xf32>
    %mul3A_46 = vector.broadcast %get3A_45 : vector<1x64xf32> to vector<10112x64xf32>
    %mul3A_47 = arith.mulf %mul3A_46, %sub3A_30 : vector<10112x64xf32>
    %add3A_48 = arith.constant 9.99999974E-6 : f32
    %add3A_49 = vector.broadcast %add3A_48 : f32 to vector<1x64xf32>
    %add3A_50 = arith.addf %div3A_42, %add3A_49 : vector<1x64xf32>
    %rsqrt3A = math.rsqrt %add3A_50 : vector<1x64xf32>
    %mul3A_51 = vector.broadcast %rsqrt3A : vector<1x64xf32> to vector<10112x64xf32>
    %mul3A_52 = arith.mulf %mul3A_47, %mul3A_51 : vector<10112x64xf32>
    %get3A_53 = arith.constant 0 : index
    %get3A_54 = arith.constant 0 : index
    %get3A_55 = vector.load %arg5[%get3A_53, %get3A_54] : memref<1x64xf32, #tpu.memory_space<vmem>>, vector<1x64xf32>
    %add3A_56 = vector.broadcast %get3A_55 : vector<1x64xf32> to vector<10112x64xf32>
    %add3A_57 = arith.addf %mul3A_52, %add3A_56 : vector<10112x64xf32>
    %max3A = arith.constant 0.000000e+00 : f32
    %max3A_58 = vector.broadcast %max3A : f32 to vector<10112x64xf32>
    %max3A_59 = arith.maximumf %add3A_57, %max3A_58 : vector<10112x64xf32>
    %get3A_60 = arith.constant 0 : index
    %get3A_61 = arith.constant 0 : index
    %get3A_62 = vector.load %arg6[%get3A_60, %get3A_61] : memref<64x64xf32, #tpu.memory_space<vmem>>, vector<64x64xf32>
    %dot_general3A = arith.constant dense<0.000000e+00> : vector<10112x64xf32>
    %dot_general3A_63 = tpu.matmul %max3A_59, %get3A_62, %dot_general3A {dimension_numbers = #tpu.dot_dimension_numbers<[1], [0], [0], [1], [0, 0, 1, 1], [], []>, transpose_lhs_hint = false} : vector<10112x64xf32>, vector<64x64xf32>, vector<10112x64xf32> -> vector<10112x64xf32>
    %mul3A_64 = vector.broadcast %get3A_1 : vector<10112x1xf32> to vector<10112x64xf32>
    %mul3A_65 = arith.mulf %dot_general3A_63, %mul3A_64 : vector<10112x64xf32>
    %swap3A = arith.constant 0 : index
    %swap3A_66 = arith.constant 0 : index
    %swap3A_67 = vector.load %arg7[%swap3A, %swap3A_66] : memref<10112x64xf32, #tpu.memory_space<vmem>>, vector<10112x64xf32>
    tpu.vector_store %arg7[%swap3A, %swap3A_66], %mul3A_65 {strides = array<i32>} : memref<10112x64xf32, #tpu.memory_space<vmem>>, vector<10112x64xf32>,
    return
  }
}

module attributes {stable_mosaic.version = 14 : i64} {
  func.func @_fin_body(%arg0: memref<2x10112x64xf32, #tpu.memory_space<vmem>>, %arg1: memref<10112x64xf32, #tpu.memory_space<vmem>>, %arg2: memref<10112x1xf32, #tpu.memory_space<vmem>>, %arg3: memref<1x64xf32, #tpu.memory_space<vmem>>, %arg4: memref<1x64xf32, #tpu.memory_space<vmem>>, %arg5: memref<1x64xf32, #tpu.memory_space<vmem>>, %arg6: memref<1x10112xi32, #tpu.memory_space<vmem>>, %arg7: memref<64x10xf32, #tpu.memory_space<vmem>>, %arg8: memref<10xf32, #tpu.memory_space<vmem>>, %arg9: memref<128x10xf32, #tpu.memory_space<vmem>>) attributes {dimension_semantics = [], scalar_prefetch = 0 : i64, scratch_operands = 0 : i64, tpu.core_type = #tpu.core_type<tc>} {
    %get3A = arith.constant 0 : index
    %get3A_0 = arith.constant 0 : index
    %get3A_1 = vector.load %arg2[%get3A, %get3A_0] : memref<10112x1xf32, #tpu.memory_space<vmem>>, vector<10112x1xf32>
    %get3A_2 = arith.constant 0 : index
    %get3A_3 = arith.constant 0 : index
    %get3A_4 = arith.constant 0 : index
    %get3A_5 = vector.load %arg0[%get3A_2, %get3A_3, %get3A_4] : memref<2x10112x64xf32, #tpu.memory_space<vmem>>, vector<1x10112x64xf32>
    %get3A_6 = vector.shape_cast %get3A_5 : vector<1x10112x64xf32> to vector<10112x64xf32>
    %get3A_7 = arith.constant 1 : index
    %get3A_8 = arith.constant 0 : index
    %get3A_9 = arith.constant 0 : index
    %get3A_10 = vector.load %arg0[%get3A_7, %get3A_8, %get3A_9] : memref<2x10112x64xf32, #tpu.memory_space<vmem>>, vector<1x10112x64xf32>
    %get3A_11 = vector.shape_cast %get3A_10 : vector<1x10112x64xf32> to vector<10112x64xf32>
    %add3A = arith.addf %get3A_6, %get3A_11 : vector<10112x64xf32>
    %get3A_12 = arith.constant 0 : index
    %get3A_13 = arith.constant 0 : index
    %get3A_14 = vector.load %arg1[%get3A_12, %get3A_13] : memref<10112x64xf32, #tpu.memory_space<vmem>>, vector<10112x64xf32>
    %sub3A = arith.subf %add3A, %get3A_14 : vector<10112x64xf32>
    %mul3A = vector.broadcast %get3A_1 : vector<10112x1xf32> to vector<10112x64xf32>
    %mul3A_15 = arith.mulf %sub3A, %mul3A : vector<10112x64xf32>
    %get3A_16 = arith.constant 0 : index
    %get3A_17 = arith.constant 0 : index
    %get3A_18 = vector.load %arg3[%get3A_16, %get3A_17] : memref<1x64xf32, #tpu.memory_space<vmem>>, vector<1x64xf32>
    %add3A_19 = vector.broadcast %get3A_18 : vector<1x64xf32> to vector<10112x64xf32>
    %add3A_20 = arith.addf %mul3A_15, %add3A_19 : vector<10112x64xf32>
    %iota3A = tpu.iota {dimensions = array<i32: 0>} : vector<10112x1xi32>
    %lt3A = arith.constant 10000 : i32
    %lt3A_21 = vector.broadcast %lt3A : i32 to vector<10112x1xi32>
    %lt3A_22 = arith.cmpi slt, %iota3A, %lt3A_21 : vector<10112x1xi32>
    %jit3A = arith.constant 0.000000e+00 : f32
    %broadcast_in_dim3A = vector.shape_cast %lt3A_22 : vector<10112x1xi1> to vector<10112x1xi1>
    %broadcast_in_dim3A_23 = vector.broadcast %broadcast_in_dim3A : vector<10112x1xi1> to vector<10112x64xi1>
    %broadcast_in_dim3A_24 = vector.broadcast %jit3A : f32 to vector<10112x64xf32>
    %select_n3A = arith.select %broadcast_in_dim3A_23, %add3A_20, %broadcast_in_dim3A_24 : vector<10112x64xi1>, vector<10112x64xf32>
    %reduce_sum3A = arith.constant dense<0.000000e+00> : vector<64xf32>
    %reduce_sum3A_25 = vector.multi_reduction <add>, %select_n3A, %reduce_sum3A [0] : vector<10112x64xf32> to vector<64xf32>
    %broadcast_in_dim3A_26 = vector.shape_cast %reduce_sum3A_25 : vector<64xf32> to vector<1x64xf32>
    %div3A = arith.constant 1.000000e+04 : f32
    %div3A_27 = vector.broadcast %div3A : f32 to vector<1x64xf32>
    %div3A_28 = arith.divf %broadcast_in_dim3A_26, %div3A_27 : vector<1x64xf32>
    %sub3A_29 = vector.broadcast %div3A_28 : vector<1x64xf32> to vector<10112x64xf32>
    %sub3A_30 = arith.subf %add3A_20, %sub3A_29 : vector<10112x64xf32>
    %mul3A_31 = arith.mulf %sub3A_30, %sub3A_30 : vector<10112x64xf32>
    %jit3A_32 = arith.constant 0.000000e+00 : f32
    %broadcast_in_dim3A_33 = vector.shape_cast %lt3A_22 : vector<10112x1xi1> to vector<10112x1xi1>
    %broadcast_in_dim3A_34 = vector.broadcast %broadcast_in_dim3A_33 : vector<10112x1xi1> to vector<10112x64xi1>
    %broadcast_in_dim3A_35 = vector.broadcast %jit3A_32 : f32 to vector<10112x64xf32>
    %select_n3A_36 = arith.select %broadcast_in_dim3A_34, %mul3A_31, %broadcast_in_dim3A_35 : vector<10112x64xi1>, vector<10112x64xf32>
    %reduce_sum3A_37 = arith.constant dense<0.000000e+00> : vector<64xf32>
    %reduce_sum3A_38 = vector.multi_reduction <add>, %select_n3A_36, %reduce_sum3A_37 [0] : vector<10112x64xf32> to vector<64xf32>
    %broadcast_in_dim3A_39 = vector.shape_cast %reduce_sum3A_38 : vector<64xf32> to vector<1x64xf32>
    %div3A_40 = arith.constant 1.000000e+04 : f32
    %div3A_41 = vector.broadcast %div3A_40 : f32 to vector<1x64xf32>
    %div3A_42 = arith.divf %broadcast_in_dim3A_39, %div3A_41 : vector<1x64xf32>
    %get3A_43 = arith.constant 0 : index
    %get3A_44 = arith.constant 0 : index
    %get3A_45 = vector.load %arg4[%get3A_43, %get3A_44] : memref<1x64xf32, #tpu.memory_space<vmem>>, vector<1x64xf32>
    %mul3A_46 = vector.broadcast %get3A_45 : vector<1x64xf32> to vector<10112x64xf32>
    %mul3A_47 = arith.mulf %mul3A_46, %sub3A_30 : vector<10112x64xf32>
    %add3A_48 = arith.constant 9.99999974E-6 : f32
    %add3A_49 = vector.broadcast %add3A_48 : f32 to vector<1x64xf32>
    %add3A_50 = arith.addf %div3A_42, %add3A_49 : vector<1x64xf32>
    %rsqrt3A = math.rsqrt %add3A_50 : vector<1x64xf32>
    %mul3A_51 = vector.broadcast %rsqrt3A : vector<1x64xf32> to vector<10112x64xf32>
    %mul3A_52 = arith.mulf %mul3A_47, %mul3A_51 : vector<10112x64xf32>
    %get3A_53 = arith.constant 0 : index
    %get3A_54 = arith.constant 0 : index
    %get3A_55 = vector.load %arg5[%get3A_53, %get3A_54] : memref<1x64xf32, #tpu.memory_space<vmem>>, vector<1x64xf32>
    %add3A_56 = vector.broadcast %get3A_55 : vector<1x64xf32> to vector<10112x64xf32>
    %add3A_57 = arith.addf %mul3A_52, %add3A_56 : vector<10112x64xf32>
    %max3A = arith.constant 0.000000e+00 : f32
    %max3A_58 = vector.broadcast %max3A : f32 to vector<10112x64xf32>
    %max3A_59 = arith.maximumf %add3A_57, %max3A_58 : vector<10112x64xf32>
    %get3A_60 = arith.constant 0 : index
    %get3A_61 = arith.constant 0 : index
    %get3A_62 = vector.load %arg6[%get3A_60, %get3A_61] : memref<1x10112xi32, #tpu.memory_space<vmem>>, vector<1x10112xi32>
    %iota3A_63 = tpu.iota {dimensions = array<i32: 0>} : vector<128x10112xi32>
    %eq3A = vector.broadcast %get3A_62 : vector<1x10112xi32> to vector<128x10112xi32>
    %eq3A_64 = arith.cmpi eq, %iota3A_63, %eq3A : vector<128x10112xi32>
    %jit3A_65 = arith.constant 1.000000e+00 : f32
    %jit3A_66 = arith.constant 0.000000e+00 : f32
    %broadcast_in_dim3A_67 = vector.broadcast %jit3A_65 : f32 to vector<128x10112xf32>
    %broadcast_in_dim3A_68 = vector.broadcast %jit3A_66 : f32 to vector<128x10112xf32>
    %select_n3A_69 = arith.select %eq3A_64, %broadcast_in_dim3A_67, %broadcast_in_dim3A_68 : vector<128x10112xi1>, vector<128x10112xf32>
    %dot_general3A = arith.constant dense<0.000000e+00> : vector<128x64xf32>
    %dot_general3A_70 = tpu.matmul %select_n3A_69, %max3A_59, %dot_general3A {dimension_numbers = #tpu.dot_dimension_numbers<[1], [0], [0], [1], [0, 0, 1, 1], [], []>, transpose_lhs_hint = false} : vector<128x10112xf32>, vector<10112x64xf32>, vector<128x64xf32> -> vector<128x64xf32>
    %reduce_sum3A_71 = arith.constant dense<0.000000e+00> : vector<128xf32>
    %reduce_sum3A_72 = vector.multi_reduction <add>, %select_n3A_69, %reduce_sum3A_71 [1] : vector<128x10112xf32> to vector<128xf32>
    %broadcast_in_dim3A_73 = vector.shape_cast %reduce_sum3A_72 : vector<128xf32> to vector<128x1xf32>
    %max3A_74 = arith.constant 1.000000e+00 : f32
    %max3A_75 = vector.broadcast %max3A_74 : f32 to vector<128x1xf32>
    %max3A_76 = arith.maximumf %broadcast_in_dim3A_73, %max3A_75 : vector<128x1xf32>
    %div3A_77 = vector.broadcast %max3A_76 : vector<128x1xf32> to vector<128x64xf32>
    %div3A_78 = arith.divf %dot_general3A_70, %div3A_77 : vector<128x64xf32>
    %get3A_79 = arith.constant 0 : index
    %get3A_80 = arith.constant 0 : index
    %get3A_81 = vector.load %arg7[%get3A_79, %get3A_80] : memref<64x10xf32, #tpu.memory_space<vmem>>, vector<64x10xf32>
    %dot_general3A_82 = arith.constant dense<0.000000e+00> : vector<128x10xf32>
    %dot_general3A_83 = tpu.matmul %div3A_78, %get3A_81, %dot_general3A_82 {dimension_numbers = #tpu.dot_dimension_numbers<[1], [0], [0], [1], [0, 0, 1, 1], [], []>, transpose_lhs_hint = false} : vector<128x64xf32>, vector<64x10xf32>, vector<128x10xf32> -> vector<128x10xf32>
    %get3A_84 = arith.constant 0 : index
    %get3A_85 = vector.load %arg8[%get3A_84] : memref<10xf32, #tpu.memory_space<vmem>>, vector<10xf32>
    %broadcast_in_dim3A_86 = vector.shape_cast %get3A_85 : vector<10xf32> to vector<1x10xf32>
    %add3A_87 = vector.broadcast %broadcast_in_dim3A_86 : vector<1x10xf32> to vector<128x10xf32>
    %add3A_88 = arith.addf %dot_general3A_83, %add3A_87 : vector<128x10xf32>
    %reduce_max3A = arith.constant dense<0xFF800000> : vector<128xf32>
    %reduce_max3A_89 = vector.multi_reduction <maximumf>, %add3A_88, %reduce_max3A [1] : vector<128x10xf32> to vector<128xf32>
    %broadcast_in_dim3A_90 = vector.shape_cast %reduce_max3A_89 : vector<128xf32> to vector<128x1xf32>
    %sub3A_91 = vector.broadcast %broadcast_in_dim3A_90 : vector<128x1xf32> to vector<128x10xf32>
    %sub3A_92 = arith.subf %add3A_88, %sub3A_91 : vector<128x10xf32>
    %exp3A = math.exp %sub3A_92 : vector<128x10xf32>
    %reduce_sum3A_93 = arith.constant dense<0.000000e+00> : vector<128xf32>
    %reduce_sum3A_94 = vector.multi_reduction <add>, %exp3A, %reduce_sum3A_93 [1] : vector<128x10xf32> to vector<128xf32>
    %broadcast_in_dim3A_95 = vector.shape_cast %reduce_sum3A_94 : vector<128xf32> to vector<128x1xf32>
    %log3A = math.log %broadcast_in_dim3A_95 : vector<128x1xf32>
    %add3A_96 = arith.addf %log3A, %broadcast_in_dim3A_90 : vector<128x1xf32>
    %sub3A_97 = vector.broadcast %add3A_96 : vector<128x1xf32> to vector<128x10xf32>
    %sub3A_98 = arith.subf %add3A_88, %sub3A_97 : vector<128x10xf32>
    %swap3A = arith.constant 0 : index
    %swap3A_99 = arith.constant 0 : index
    %swap3A_100 = vector.load %arg9[%swap3A, %swap3A_99] : memref<128x10xf32, #tpu.memory_space<vmem>>, vector<128x10xf32>
    tpu.vector_store %arg9[%swap3A, %swap3A_99], %sub3A_98 {strides = array<i32>} : memref<128x10xf32, #tpu.memory_space<vmem>>, vector<128x10xf32>,
    return
  }
}

</mosaic_0001>

<sc_bundles>
// kernel: kernel.12.cloned.1.call-start
scs
__scs_entry_jumppad:
0x0: {  	(pc) =	sbr.rel $0x88, $3  }
0x1: {  	(tag) =	ssettag $0x0;
	lr =	simm.s32 $0x1  }
0x2: {  	[smem:$0x3F8C] =	sst lr;
	_ =	strace $0xD0000000  }
0x3: {  	_ = 	snop  }
0x4: {  	_ = 	snop  }
0x5: {  	_ = 	snop  }
0x6: {  	_ = 	snop  }
0x7: {  	_ = 	snop  }
__scs_overlays_trampoline_lowered:
0x8: {  	[smem:$0x3F9B] =	sst s0  }
0x9: {  	[smem:$0x3F9C] =	sst s1  }
0xa: {  	[smem:$0x3F9D] =	sst s2  }
0xb: {  	[smem:$0x3F9E] =	sst s3  }
0xc: {  	[smem:$0x3F9F] =	sst s4  }
0xd: {  	[smem:$0x3FA0] =	sst s5  }
0xe: {  	[smem:$0x3FA1] =	sst s6  }
0xf: {  	[smem:$0x3FA2] =	sst s7  }
0x10: {  	[smem:$0x3FA3] =	sst s8  }
0x11: {  	[smem:$0x3FA4] =	sst s9;
	s0 =	simm.s32 @!p0 $0x0  }
0x12: {  	s1 =	sld [smem:$0x3F8A];
	s0 =	simm.s32 @p0 $0x1  }
0x13: {  	[smem:$0x3FA5] =	sst s0;
	s0 =	simm.s32 @!p1 $0x0  }
0x14: {  	s2 =	sld [smem:$0x3F89];
	s0 =	simm.s32 @p1 $0x1  }
0x15: {  	[smem:$0x3FA6] =	sst s0;
	s0 =	simm.s32 @!p2 $0x0  }
0x16: {  	s3 =	sld [smem:$0x3FDB];
	s0 =	simm.s32 @p2 $0x1  }
0x17: {  	s4 =	simm.s32 $0x1BF5;
	[smem:$0x3FA8] =	sst s0  }
0x18: {  	s0 =	sld [smem:$0x3F8B];
	_ =	swait.ge [sflag:s4], $0x0  }
0x19: {  	s7 =	sld [smem:$0x3F8C]  }
0x1a: {  	s8 =	sadd.s32 $0xFFFFE003, lr  }
0x1b: {  	s9 =	sadd.s32 $0xFFFFFEF7, lr;
	s5 =	simm.s32 $0xFFFFFFFF;
	p2 =	slt.u32 s8, $0xFFFFF086  }
0x1c: {  	p1 =	slt.u32 s9, $0xF7A;
	s5 =	simm.s32 @!p2 $0x0  }
0x1d: {  	s5 =	simm.s32 @p1 $0x1;
	p0 =	seq.s32 s7, s2  }
0x1e: {  	s7 =	smul.u32 @!p0 $0xF7A, s2;
	p2 =	seq.s32 @!p0 s5, $0x0  }
0x1f: {  	s9 =	smul.u32 $0xF7A, s1;
	s8 =	simm.s32 @!p0 $0x1BF5;
	p2 =	por !p2, p0  }
0x20: {  	[sflag:s8] =	ssyncset.s32 @!p0 $0xFFFFF086;
	s6 =	sadd.s32 @!p0 s3, s7;
	s7 =	simm.s32 @!p0 $0x108  }
0x21: {  	s3 =	sadd.s32 s3, s9;
	s6 =	sadd.s32 @!p0 $0x88, s6;
	s7 =	simm.s32 @p2 $0x1082  }
0x22: {  	[simem:s7], [sflag:s8] =	dma.local @!p0 [hbm:s6], $0xF7A  }
0x23: {  	s9 =	sor.u32 $0xD0000000, s2;
	s6 =	simm.s32 $0x108;
	_ =	swait.ge @!p0 [sflag:s8], $0x0  }
0x24: {  	s3 =	sadd.s32 $0x88, s3;
	s6 =	simm.s32 @!p1 $0x1082;
	[sflag:s4] =	ssyncset.s32 $0xFFFFF086  }
0x25: {  	[simem:s6], [sflag:s4] =	dma.local [hbm:s3], $0xF7A  }
0x26: {  	[smem:$0x3F8C] =	sst s1;
	(tag) =	ssettag s2;
	_ =	strace s9  }
0x27: {  	s1 =	sld [smem:$0x3F9C]  }
0x28: {  	s2 =	sld [smem:$0x3F9D]  }
0x29: {  	s4 =	sld [smem:$0x3F9F]  }
0x2a: {  	p0 =	seq.s32 s5, $0x0;
	s5 =	sld [smem:$0x3FA0]  }
0x2b: {  	s6 =	sld [smem:$0x3FA1]  }
0x2c: {  	s7 =	sld [smem:$0x3FA2]  }
0x2d: {  	s3 =	simm.s32 $0x108;
	s8 =	sld [smem:$0x3FA3]  }
0x2e: {  	s3 =	simm.s32 @!p0 $0x1082;
	s9 =	sld [smem:$0x3FA4]  }
0x2f: {  	lr =	sadd.s32 s0, s3;
	s0 =	sld [smem:$0x3F9B]  }
0x30: {  	s3 =	sld [smem:$0x3F9E]  }
0x31: {  	[smem:$0x3FA7] =	sst s10  }
0x32: {  	s10 =	sld [smem:$0x3FA5];
	_ =	sdelay $0x3  }
0x33: {  	p0 =	seq.s32 s10, $0x1;
	s10 =	sld [smem:$0x3FA7];
	_ =	sdelay $0x3  }
0x34: {  	[smem:$0x3FA7] =	sst s10  }
0x35: {  	s10 =	sld [smem:$0x3FA6];
	_ =	sdelay $0x3  }
0x36: {  	p1 =	seq.s32 s10, $0x1;
	s10 =	sld [smem:$0x3FA7];
	_ =	sdelay $0x3  }
0x37: {  	[smem:$0x3FA7] =	sst s10  }
0x38: {  	s10 =	sld [smem:$0x3FA8]  }
0x39: {  	_ = 	snop;
	(pc) =	sbr.ind lr, $3  }
0x3a: {  	_ = 	snop  }
0x3b: {  	_ = 	snop  }
0x3c: {  	p2 =	seq.s32 s10, $0x1;
	s10 =	sld [smem:$0x3FA7]  }
0x3d: {  	_ =	shalt  }
0x3e: {  	_ =	shalt  }
0x3f: {  	_ =	shalt  }
0x40: {  	_ =	shalt  }
0x41: {  	_ =	shalt  }
0x42: {  	_ =	shalt  }
0x43: {  	_ =	shalt  }
0x44: {  	_ =	shalt  }
0x45: {  	_ =	shalt  }
0x46: {  	_ =	shalt  }
0x47: {  	_ =	shalt  }
0x48: {  	_ =	shalt  }
0x49: {  	_ =	shalt  }
0x4a: {  	_ =	shalt  }
0x4b: {  	_ =	shalt  }
0x4c: {  	_ =	shalt  }
0x4d: {  	_ =	shalt  }
0x4e: {  	_ =	shalt  }
0x4f: {  	_ =	shalt  }
0x50: {  	_ =	shalt  }
0x51: {  	_ =	shalt  }
0x52: {  	_ =	shalt  }
0x53: {  	_ =	shalt  }
0x54: {  	_ =	shalt  }
0x55: {  	_ =	shalt  }
0x56: {  	_ =	shalt  }
0x57: {  	_ =	shalt  }
0x58: {  	_ =	shalt  }
0x59: {  	_ =	shalt  }
0x5a: {  	_ =	shalt  }
0x5b: {  	_ =	shalt  }
0x5c: {  	_ =	shalt  }
0x5d: {  	_ =	shalt  }
0x5e: {  	_ =	shalt  }
0x5f: {  	_ =	shalt  }
0x60: {  	_ =	shalt  }
0x61: {  	_ =	shalt  }
0x62: {  	_ =	shalt  }
0x63: {  	_ =	shalt  }
0x64: {  	_ =	shalt  }
0x65: {  	_ =	shalt  }
0x66: {  	_ =	shalt  }
0x67: {  	_ =	shalt  }
0x68: {  	_ =	shalt  }
0x69: {  	_ =	shalt  }
0x6a: {  	_ =	shalt  }
0x6b: {  	_ =	shalt  }
0x6c: {  	_ =	shalt  }
0x6d: {  	_ =	shalt  }
0x6e: {  	_ =	shalt  }
0x6f: {  	_ =	shalt  }
0x70: {  	_ =	shalt  }
0x71: {  	_ =	shalt  }
0x72: {  	_ =	shalt  }
0x73: {  	_ =	shalt  }
0x74: {  	_ =	shalt  }
0x75: {  	_ =	shalt  }
0x76: {  	_ =	shalt  }
0x77: {  	_ =	shalt  }
0x78: {  	_ =	shalt  }
0x79: {  	_ =	shalt  }
0x7a: {  	_ =	shalt  }
0x7b: {  	_ =	shalt  }
0x7c: {  	_ =	shalt  }
0x7d: {  	_ =	shalt  }
0x7e: {  	_ =	shalt  }
0x7f: {  	_ =	shalt  }
0x80: {  	_ =	shalt  }
0x81: {  	_ =	shalt  }
0x82: {  	_ =	shalt  }
0x83: {  	_ =	shalt  }
0x84: {  	_ =	shalt  }
0x85: {  	_ =	shalt  }
0x86: {  	_ =	shalt  }
0x87: {  	_ =	shalt  }
.Lfunc_end0:
.L_simem_size_0:
called_computation_lowered:
.L_overlay_start_0:
0x88: {  	s2 =	sld [smem:$0x3FD9]  }
0x89: {  	s3 =	sld [smem:$0x3FFE];
	_ =	sdelay $0x1  }
0x8a: {  	s1 =	srdreg.scid  }
0x8b: {  	s0 =	sand.u32 $0x1, s1  }
0x8c: {  	s16 =	sshll.u32 s0, $0xA;
	s2 =	sadd.s32 s3, s2  }
0x8d: {  	s2 =	sadd.s32 s2, s16  }
0x8e: {  	[smem:$0x3FB3] =	sst s2  }
0x8f: {  	_ = 	snop  }
0x90: {  	(tm) =	ssettm $0x1  }
0x91: {  	s17 =	sld [smem:$0x3FFB];
	_ =	sdelay $0x3  }
0x92: {  	_ =	strace s17  }
0x93: {  	s2 =	sld [smem:$0x3FFC];
	_ =	sdelay $0x3  }
0x94: {  	_ =	strace s2  }
0x95: {  	s2 =	sld [smem:$0x3FFD];
	_ =	sdelay $0x3  }
0x96: {  	_ =	strace s2  }
0x97: {  	_ =	strace $0x8FFFFFFF  }
0x98: {  	s18 =	sld [smem:$0x3FDB];
	_ =	sdelay $0x1  }
0x99: {  	s19 =	simm.s32 $_scs_section_size  }
0x9a: {  	s4 =	simm.s32 $_size__tile_overlayer_lowered;
	s5 =	simm.s32 $_tile_overlayer_lowered  }
0x9b: {  	s22 =	simm.s32 $0x1BFF;
	s21 =	sshll.u32 s5, $0x1;
	s2 =	sadd.s32 s19, s18  }
0x9c: {  	s6 =	simm.s32 $0x0;
	s20 =	sshll.u32 s4, $0x1;
	s4 =	sadd.s32 s21, s2  }
0x9d: {  	[timem:s6], [sflag:s22] =	dma.local [hbm:s4], s20  }
0x9e: {  	_ =	swait.ge [sflag:s22], s20  }
0x9f: {  	s3 =	ssub.s32 $0x0, s20;
	[sflag:s22] =	ssyncset.done $0x0  }
0xa0: {  	[sflag:s22] =	ssyncadd.s32 s3;
	_ =	sdelay $0x1  }
0xa1: {  	s23 =	simm.s32 $0x1B8B  }
0xa2: {  	_ =	swait.ge [sflag:s23], $0x1  }
0xa3: {  	[sflag:s23] =	ssyncset.done $0x0  }
0xa4: {  	s25 =	simm.s32 $0x1B8E;
	s24 =	sld [smem:$0x3FFE];
	[sflag:s23] =	ssyncadd.s32 $0xFFFFFFFF  }
0xa5: {  	s26 =	simm.s32 $execute0_lowered;
	[smem:$0x3FD2] =	sst s25  }
0xa6: {  	s4 =	sshll.u32 s26, $0x1;
	_ =	strace $0x80000046;
	[dreg:$0x1] =	wrdreg $0xFFFFFFFF  }
0xa7: {  	s28 =	simm.s32 $_size_execute0_lowered;
	s2 =	sadd.s32 s2, s4;
	[dreg:$0x0] =	wrdreg $0x0  }
0xa8: {  	s4 =	sshll.u32 s28, $0x1;
	[dreg:$0x2] =	wrdreg s2  }
0xa9: {  	[dreg:$0x3] =	wrdreg s4  }
0xaa: {  	[dreg:$0x4] =	wrdreg $0xC0  }
0xab: {  	_ =	task [dreg:s6], $0x5FFFF  }
0xac: {  	[dreg:$0x1] =	wrdreg $0xFFFFFFFF  }
0xad: {  	[dreg:$0x0] =	wrdreg $0x60  }
0xae: {  	[dreg:$0x2] =	wrdreg s24  }
0xaf: {  	[dreg:$0x3] =	wrdreg $0x57000  }
0xb0: {  	[dreg:$0x4] =	wrdreg $0x9  }
0xb1: {  	_ =	task.clear_ibuf [dreg:s6], $0x5FFFF;
	_ =	strace $0x90000046  }
0xb2: {  	s29 =	simm.s32 $0x9;
	_ =	strace $0x80000048  }
0xb3: {  	_ =	swait.ge [sflag:s29], $0x1  }
0xb4: {  	[sflag:s29] =	ssyncadd.s32 $0xFFFFFFFF  }
0xb5: {  	_ =	strace $0x90000048  }
0xb6: {  	_ =	sfence  }
0xb7: {  	s30 =	sld [smem:$0x0];
	_ =	sdelay $0x2  }
0xb8: {  	s31 =	sshll.u32 s1, $0xD;
	s1 =	sshrl.u32 s1, $0x2  }
0xb9: {  	s3 =	sand.u32 $0x4000, s31;
	s1 =	sadd.s32 s1, s30  }
0xba: {  	s0 =	sor.u32 s3, s0;
	s1 =	sshll.u32 s1, $0x11  }
0xbb: {  	s0 =	sor.u32 s1, s0  }
0xbc: {  	s0 =	sadd.s32 $0x8F2B, s0  }
0xbd: {  	[sflag:s0] =	ssyncadd.remote.s32 $0x1  }
0xbe: {  	_ =	sfence.sel $0xFFFF  }
0xbf: {  	[dreg:$0x0] =	wrdreg $0xFFFFFFFF;
	(pc) =	sbr.abs _section_cstart, $3  }
0xc0: {  	[dreg:$0x1] =	wrdreg $0xFFFFFFFF  }
0xc1: {  	_ =	task.clear_ibuf [dreg:s6], $0x2FFFF;
	_ =	strace $0x9FFFFFFF  }
0xc2: {  	(tm) =	ssettm $0x7FFFFFFF  }
0xc3: {  	_ =	shalt  }
tec
execute0_lowered:
.L_overlay_start_1:
0x0: {  	(tag) =	ssettag $0x1  }
0x1: {  	s4 =	rddreg [dreg:$0x0]  }
0x2: {  	s2 =	rddreg [dreg:$0x1];
	s3 =	srdreg.scid  }
0x3: {  	s1 =	stileid.u32;
	s0 =	rddreg [dreg:$0x2];
	s10 =	simm.s32 $0x80  }
0x4: {  	s11 =	simm.s32 $0x2780;
	s5 =	sand.u32 $0x1, s3;
	s6 =	smul.u32 $0x2780, s1  }
0x5: {  	s3 =	simm.s32 $0x0;
	s7 =	sshll.u32 s5, $0x4;
	s8 =	smul.u32 $0x27800, s5  }
0x6: {  	s12 =	simm.s32 $0x0;
	[smem:$0x7FF] =	sst s3;
	s7 =	sor.u32 s1, s7  }
0x7: {  	s5 =	ssub.s32 $0x2, s5;
	s7 =	smul.u32 $0x4F0, s7;
	s8 =	sadd.s32 s6, s8  }
0x8: {  	_ =	strace $0x80000047;
	s9 =	sshrl.u32 s5, $0x1;
	s8 =	sshrl.u32 s8, $0x3  }
0x9: {  	s9 =	ssub.s32 s5, s9;
	s7 =	sadd.s32 s7, s4;
	s8 =	sadd.s32 s8, s4  }
0xa: {  	s4 =	sadd.s32 s6, s2;
	s5 =	sadd.s32 $0x3C00, s7;
	s6 =	sadd.s32 $0xDA00, s8  }
0xb: {  	v0 =	vimm.f32 $1.000000000e+00;
	v1 =	vimm.f32 $0.0e+00;
	s7 =	smax.u32 s9, $0x1;
	s8 =	simm.s32 $0x2F80;
	s9 =	simm.s32 $0x1  }
.LBB2_1:
0xc: {  	s13 =	simm.s32 $0x0  }
.LBB2_2:
0xd: {  	p0 =	sne.s32 s13, $0x1FC0  }
.Ltmp0:
0xe: {  	_ = 	snop;
	(pc) =	sbr.rel @p0 .LBB2_2-.Ltmp0, $3  }
0xf: {  	_ =	sdelay $0x1  }
0x10: {  	s14 =	sshra.s32 s13, $0x2  }
0x11: {  	s13 =	sadd.s32 $0x40, s13;
	[tilespmem:s14+$0x2780] =	vst v0  }
0x12: {  	s13 =	simm.s32 $0x40;
	s14 =	simm.s32 $0x0  }
.LBB2_4:
0x13: {  	p0 =	sne.s32 s13, $0x9DC0;
	[tilespmem:s14+$0x2F80] =	vst v1;
	s14 =	smov.u32 s13;
	s13 =	sadd.s32 $0x40, s13  }
.Ltmp1:
0x14: {  	(pc) =	sbr.rel @p0 .LBB2_4-.Ltmp1, $2  }
0x15: {  	_ =	sdelay $0x2  }
0x16: {  	s14 =	sshra.s32 s14, $0x2  }
0x17: {  	[tilespmem:s14+$0x2F80] =	vst v1  }
0x18: {  	[spmem:s4] =	stream.linear.scatter [tilespmem:s8], [sflag:$0x1], $0x2780, $0x38;
	[tilespmem:$0x7E80] =	vst v63  }
0x19: {  	_ =	swait.ge [sflag:s9], $0x2780  }
0x1a: {  	[sflag:s9] =	ssyncset.done $0x0  }
0x1b: {  	s13 =	simm.s32 $0x0;
	[sflag:s9] =	ssyncadd.s32 $0xFFFFD880  }
0x1c: {  	[tilespmem:s13], [sflag:$0x1] =	stream.linear.gather [hbm4b:s5+s13], $0x2780, $0x38;
	[tilespmem:$0x7E80] =	vst v63  }
0x1d: {  	_ =	swait.ge [sflag:s9], $0x2780  }
0x1e: {  	[sflag:s9] =	ssyncset.done $0x0  }
0x1f: {  	[sflag:s9] =	ssyncadd.s32 $0xFFFFD880  }
0x20: {  	s31 =	simm.s32 $0x0;
	[bflag:$0x0] =	sbarrier.arrive $0xFFFF  }
0x21: {  	[spmem:s2] =	stream.indirect.scatter.add.f32 [tilespmem:s11], [sflag:$0x1], $0x10, s31, s10, $0xb8;
	[tilespmem:$0x7E80] =	vst v63  }
0x22: {  	_ =	swait.ge [sflag:s9], $0x800  }
0x23: {  	s13 =	simm.s32 $0x200;
	[sflag:s9] =	ssyncset.done $0x0  }
.LBB2_6:
0x24: {  	s14 =	sshra.s32 s13, $0x2;
	[sflag:s9] =	ssyncadd.s32 $0xFFFFF800;
	p0 =	sne.s32 s13, $0x9C00  }
0x25: {  	[spmem:s2] =	stream.indirect.scatter.add.f32 [tilespmem:s11], [sflag:$0x1], $0x10, s14, s10, $0xb8;
	[tilespmem:$0x7E80] =	vst v63  }
.Ltmp2:
0x26: {  	_ = 	snop;
	(pc) =	sbr.rel @p0 .LBB2_6-.Ltmp2, $4  }
0x27: {  	_ = 	snop  }
0x28: {  	s13 =	sadd.s32 $0x200, s13  }
0x29: {  	_ =	swait.ge [sflag:s9], $0x800  }
0x2a: {  	[sflag:s9] =	ssyncset.done $0x0  }
0x2b: {  	[sflag:s9] =	ssyncadd.s32 $0xFFFFF800  }
0x2c: {  	[bflag:$0x0] =	sbarrier.arrive $0xFFFF  }
0x2d: {  	[tilespmem:s8], [sflag:$0x1] =	stream.linear.gather [spmem:s4], $0x2780, $0x38;
	[tilespmem:$0x7E80] =	vst v63  }
0x2e: {  	s12 =	sadd.s32 $0x1, s12;
	_ =	swait.ge [sflag:s9], $0x2780  }
0x2f: {  	p0 =	sne.s32 s12, s7;
	[sflag:s9] =	ssyncset.done $0x0  }
.Ltmp3:
0x30: {  	[sflag:s9] =	ssyncadd.s32 $0xFFFFD880;
	(pc) =	sbr.rel @p0 .LBB2_1-.Ltmp3, $4  }
0x31: {  	[hbm4b:s6+s3] =	stream.linear.scatter [tilespmem:s8], [sflag:$0x1], $0x2780, $0x38;
	[tilespmem:$0x7E80] =	vst v63  }
0x32: {  	_ =	swait.ge [sflag:s9], $0x2780  }
0x33: {  	[sflag:s9] =	ssyncset.done $0x0  }
0x34: {  	[sflag:s9] =	ssyncadd.s32 $0xFFFFD880  }
0x35: {  	_ =	sfence.sel $0x180000  }
0x36: {  	[bflag:$0x0] =	sbarrier.arrive $0xFFFF  }
0x37: {  	p0 =	sne.s32 s1, $0x0;
	_ =	strace $0x90000047  }
0x38: {  	s0 =	sadd.s32 @!p0 $0x100000, s0;
	[bflag:$0x2] =	sbarrier.arrive $0xFFFF  }
0x39: {  	[sflag:s0] =	ssyncadd.tile.s32 @!p0 $0x1;
	_ =	shalt  }
.Lfunc_end2:
_tile_overlayer_lowered:
.L_overlay_start_2:
0x3a: {  	(tag) =	ssettag $0x2  }
0x3b: {  	s0 =	rddreg [dreg:$0x0];
	s2 =	stileid.u32  }
0x3c: {  	s1 =	rddreg [dreg:$0x1];
	p0 =	sne.s32 s2, $0x0  }
0x3d: {  	s3 =	rddreg [dreg:$0x2];
	[bflag:$0x3] =	sbarrier.arrive $0xFFFF;
	s2 =	simm.s32 @!p0 $0x1C01  }
0x3e: {  	[timem:s3], [sflag:s2] =	dma.local @!p0 [hbm:s0], s1  }
0x3f: {  	s0 =	simm.s32 @!p0 $0x1  }
0x40: {  	_ =	swait.ge @!p0 [sflag:s0], s1  }
0x41: {  	s1 =	ssub.s32 @!p0 $0x0, s1;
	[sflag:s0] =	ssyncset.done @!p0 $0x0  }
0x42: {  	[sflag:s0] =	ssyncadd.s32 @!p0 s1  }
0x43: {  	[bflag:$0x3] =	sbarrier.arrive $0xFFFF  }
0x44: {  	_ =	shalt  }

// kernel: kernel.15.cloned.1.call-start
scs
__scs_entry_jumppad:
0x0: {  	(pc) =	sbr.rel $0x88, $3  }
0x1: {  	(tag) =	ssettag $0x0;
	lr =	simm.s32 $0x1  }
0x2: {  	[smem:$0x3F8C] =	sst lr;
	_ =	strace $0xD0000000  }
0x3: {  	_ = 	snop  }
0x4: {  	_ = 	snop  }
0x5: {  	_ = 	snop  }
0x6: {  	_ = 	snop  }
0x7: {  	_ = 	snop  }
__scs_overlays_trampoline_lowered:
0x8: {  	[smem:$0x3F9B] =	sst s0  }
0x9: {  	[smem:$0x3F9C] =	sst s1  }
0xa: {  	[smem:$0x3F9D] =	sst s2  }
0xb: {  	[smem:$0x3F9E] =	sst s3  }
0xc: {  	[smem:$0x3F9F] =	sst s4  }
0xd: {  	[smem:$0x3FA0] =	sst s5  }
0xe: {  	[smem:$0x3FA1] =	sst s6  }
0xf: {  	[smem:$0x3FA2] =	sst s7  }
0x10: {  	[smem:$0x3FA3] =	sst s8  }
0x11: {  	[smem:$0x3FA4] =	sst s9;
	s0 =	simm.s32 @!p0 $0x0  }
0x12: {  	s1 =	sld [smem:$0x3F8A];
	s0 =	simm.s32 @p0 $0x1  }
0x13: {  	[smem:$0x3FA5] =	sst s0;
	s0 =	simm.s32 @!p1 $0x0  }
0x14: {  	s2 =	sld [smem:$0x3F89];
	s0 =	simm.s32 @p1 $0x1  }
0x15: {  	[smem:$0x3FA6] =	sst s0;
	s0 =	simm.s32 @!p2 $0x0  }
0x16: {  	s3 =	sld [smem:$0x3FDB];
	s0 =	simm.s32 @p2 $0x1  }
0x17: {  	s4 =	simm.s32 $0x1BF5;
	[smem:$0x3FA8] =	sst s0  }
0x18: {  	s0 =	sld [smem:$0x3F8B];
	_ =	swait.ge [sflag:s4], $0x0  }
0x19: {  	s7 =	sld [smem:$0x3F8C]  }
0x1a: {  	s8 =	sadd.s32 $0xFFFFE003, lr  }
0x1b: {  	s9 =	sadd.s32 $0xFFFFFEF7, lr;
	s5 =	simm.s32 $0xFFFFFFFF;
	p2 =	slt.u32 s8, $0xFFFFF086  }
0x1c: {  	p1 =	slt.u32 s9, $0xF7A;
	s5 =	simm.s32 @!p2 $0x0  }
0x1d: {  	s5 =	simm.s32 @p1 $0x1;
	p0 =	seq.s32 s7, s2  }
0x1e: {  	s7 =	smul.u32 @!p0 $0xF7A, s2;
	p2 =	seq.s32 @!p0 s5, $0x0  }
0x1f: {  	s9 =	smul.u32 $0xF7A, s1;
	s8 =	simm.s32 @!p0 $0x1BF5;
	p2 =	por !p2, p0  }
0x20: {  	[sflag:s8] =	ssyncset.s32 @!p0 $0xFFFFF086;
	s6 =	sadd.s32 @!p0 s3, s7;
	s7 =	simm.s32 @!p0 $0x108  }
0x21: {  	s3 =	sadd.s32 s3, s9;
	s6 =	sadd.s32 @!p0 $0x88, s6;
	s7 =	simm.s32 @p2 $0x1082  }
0x22: {  	[simem:s7], [sflag:s8] =	dma.local @!p0 [hbm:s6], $0xF7A  }
0x23: {  	s9 =	sor.u32 $0xD0000000, s2;
	s6 =	simm.s32 $0x108;
	_ =	swait.ge @!p0 [sflag:s8], $0x0  }
0x24: {  	s3 =	sadd.s32 $0x88, s3;
	s6 =	simm.s32 @!p1 $0x1082;
	[sflag:s4] =	ssyncset.s32 $0xFFFFF086  }
0x25: {  	[simem:s6], [sflag:s4] =	dma.local [hbm:s3], $0xF7A  }
0x26: {  	[smem:$0x3F8C] =	sst s1;
	(tag) =	ssettag s2;
	_ =	strace s9  }
0x27: {  	s1 =	sld [smem:$0x3F9C]  }
0x28: {  	s2 =	sld [smem:$0x3F9D]  }
0x29: {  	s4 =	sld [smem:$0x3F9F]  }
0x2a: {  	p0 =	seq.s32 s5, $0x0;
	s5 =	sld [smem:$0x3FA0]  }
0x2b: {  	s6 =	sld [smem:$0x3FA1]  }
0x2c: {  	s7 =	sld [smem:$0x3FA2]  }
0x2d: {  	s3 =	simm.s32 $0x108;
	s8 =	sld [smem:$0x3FA3]  }
0x2e: {  	s3 =	simm.s32 @!p0 $0x1082;
	s9 =	sld [smem:$0x3FA4]  }
0x2f: {  	lr =	sadd.s32 s0, s3;
	s0 =	sld [smem:$0x3F9B]  }
0x30: {  	s3 =	sld [smem:$0x3F9E]  }
0x31: {  	[smem:$0x3FA7] =	sst s10  }
0x32: {  	s10 =	sld [smem:$0x3FA5];
	_ =	sdelay $0x3  }
0x33: {  	p0 =	seq.s32 s10, $0x1;
	s10 =	sld [smem:$0x3FA7];
	_ =	sdelay $0x3  }
0x34: {  	[smem:$0x3FA7] =	sst s10  }
0x35: {  	s10 =	sld [smem:$0x3FA6];
	_ =	sdelay $0x3  }
0x36: {  	p1 =	seq.s32 s10, $0x1;
	s10 =	sld [smem:$0x3FA7];
	_ =	sdelay $0x3  }
0x37: {  	[smem:$0x3FA7] =	sst s10  }
0x38: {  	s10 =	sld [smem:$0x3FA8]  }
0x39: {  	_ = 	snop;
	(pc) =	sbr.ind lr, $3  }
0x3a: {  	_ = 	snop  }
0x3b: {  	_ = 	snop  }
0x3c: {  	p2 =	seq.s32 s10, $0x1;
	s10 =	sld [smem:$0x3FA7]  }
0x3d: {  	_ =	shalt  }
0x3e: {  	_ =	shalt  }
0x3f: {  	_ =	shalt  }
0x40: {  	_ =	shalt  }
0x41: {  	_ =	shalt  }
0x42: {  	_ =	shalt  }
0x43: {  	_ =	shalt  }
0x44: {  	_ =	shalt  }
0x45: {  	_ =	shalt  }
0x46: {  	_ =	shalt  }
0x47: {  	_ =	shalt  }
0x48: {  	_ =	shalt  }
0x49: {  	_ =	shalt  }
0x4a: {  	_ =	shalt  }
0x4b: {  	_ =	shalt  }
0x4c: {  	_ =	shalt  }
0x4d: {  	_ =	shalt  }
0x4e: {  	_ =	shalt  }
0x4f: {  	_ =	shalt  }
0x50: {  	_ =	shalt  }
0x51: {  	_ =	shalt  }
0x52: {  	_ =	shalt  }
0x53: {  	_ =	shalt  }
0x54: {  	_ =	shalt  }
0x55: {  	_ =	shalt  }
0x56: {  	_ =	shalt  }
0x57: {  	_ =	shalt  }
0x58: {  	_ =	shalt  }
0x59: {  	_ =	shalt  }
0x5a: {  	_ =	shalt  }
0x5b: {  	_ =	shalt  }
0x5c: {  	_ =	shalt  }
0x5d: {  	_ =	shalt  }
0x5e: {  	_ =	shalt  }
0x5f: {  	_ =	shalt  }
0x60: {  	_ =	shalt  }
0x61: {  	_ =	shalt  }
0x62: {  	_ =	shalt  }
0x63: {  	_ =	shalt  }
0x64: {  	_ =	shalt  }
0x65: {  	_ =	shalt  }
0x66: {  	_ =	shalt  }
0x67: {  	_ =	shalt  }
0x68: {  	_ =	shalt  }
0x69: {  	_ =	shalt  }
0x6a: {  	_ =	shalt  }
0x6b: {  	_ =	shalt  }
0x6c: {  	_ =	shalt  }
0x6d: {  	_ =	shalt  }
0x6e: {  	_ =	shalt  }
0x6f: {  	_ =	shalt  }
0x70: {  	_ =	shalt  }
0x71: {  	_ =	shalt  }
0x72: {  	_ =	shalt  }
0x73: {  	_ =	shalt  }
0x74: {  	_ =	shalt  }
0x75: {  	_ =	shalt  }
0x76: {  	_ =	shalt  }
0x77: {  	_ =	shalt  }
0x78: {  	_ =	shalt  }
0x79: {  	_ =	shalt  }
0x7a: {  	_ =	shalt  }
0x7b: {  	_ =	shalt  }
0x7c: {  	_ =	shalt  }
0x7d: {  	_ =	shalt  }
0x7e: {  	_ =	shalt  }
0x7f: {  	_ =	shalt  }
0x80: {  	_ =	shalt  }
0x81: {  	_ =	shalt  }
0x82: {  	_ =	shalt  }
0x83: {  	_ =	shalt  }
0x84: {  	_ =	shalt  }
0x85: {  	_ =	shalt  }
0x86: {  	_ =	shalt  }
0x87: {  	_ =	shalt  }
.Lfunc_end0:
.L_simem_size_0:
called_computation.1_lowered:
.L_overlay_start_0:
0x88: {  	s2 =	sld [smem:$0x3FD9]  }
0x89: {  	s3 =	sld [smem:$0x3FFE];
	_ =	sdelay $0x1  }
0x8a: {  	s1 =	srdreg.scid  }
0x8b: {  	s0 =	sand.u32 $0x1, s1  }
0x8c: {  	s16 =	sshll.u32 s0, $0xA;
	s2 =	sadd.s32 s3, s2  }
0x8d: {  	s2 =	sadd.s32 s2, s16  }
0x8e: {  	[smem:$0x3FB3] =	sst s2  }
0x8f: {  	_ = 	snop  }
0x90: {  	(tm) =	ssettm $0x1  }
0x91: {  	s17 =	sld [smem:$0x3FFB];
	_ =	sdelay $0x3  }
0x92: {  	_ =	strace s17  }
0x93: {  	s2 =	sld [smem:$0x3FFC];
	_ =	sdelay $0x3  }
0x94: {  	_ =	strace s2  }
0x95: {  	s2 =	sld [smem:$0x3FFD];
	_ =	sdelay $0x3  }
0x96: {  	_ =	strace s2  }
0x97: {  	_ =	strace $0x8FFFFFFF  }
0x98: {  	s18 =	sld [smem:$0x3FDB];
	_ =	sdelay $0x1  }
0x99: {  	s19 =	simm.s32 $_scs_section_size  }
0x9a: {  	s4 =	simm.s32 $_size__tile_overlayer_lowered;
	s5 =	simm.s32 $_tile_overlayer_lowered  }
0x9b: {  	s22 =	simm.s32 $0x1BFF;
	s21 =	sshll.u32 s5, $0x1;
	s2 =	sadd.s32 s19, s18  }
0x9c: {  	s6 =	simm.s32 $0x0;
	s20 =	sshll.u32 s4, $0x1;
	s4 =	sadd.s32 s21, s2  }
0x9d: {  	[timem:s6], [sflag:s22] =	dma.local [hbm:s4], s20  }
0x9e: {  	_ =	swait.ge [sflag:s22], s20  }
0x9f: {  	s3 =	ssub.s32 $0x0, s20;
	[sflag:s22] =	ssyncset.done $0x0  }
0xa0: {  	[sflag:s22] =	ssyncadd.s32 s3;
	_ =	sdelay $0x1  }
0xa1: {  	s23 =	simm.s32 $0x1B8B  }
0xa2: {  	_ =	swait.ge [sflag:s23], $0x1  }
0xa3: {  	[sflag:s23] =	ssyncset.done $0x0  }
0xa4: {  	s25 =	simm.s32 $0x1B8E;
	s24 =	sld [smem:$0x3FFE];
	[sflag:s23] =	ssyncadd.s32 $0xFFFFFFFF  }
0xa5: {  	s26 =	simm.s32 $execute0_lowered;
	[smem:$0x3FD2] =	sst s25  }
0xa6: {  	s4 =	sshll.u32 s26, $0x1;
	_ =	strace $0x80000049;
	[dreg:$0x1] =	wrdreg $0xFFFFFFFF  }
0xa7: {  	s28 =	simm.s32 $_size_execute0_lowered;
	s2 =	sadd.s32 s2, s4;
	[dreg:$0x0] =	wrdreg $0x0  }
0xa8: {  	s4 =	sshll.u32 s28, $0x1;
	[dreg:$0x2] =	wrdreg s2  }
0xa9: {  	[dreg:$0x3] =	wrdreg s4  }
0xaa: {  	[dreg:$0x4] =	wrdreg $0xC0  }
0xab: {  	_ =	task [dreg:s6], $0x5FFFF  }
0xac: {  	[dreg:$0x1] =	wrdreg $0xFFFFFFFF  }
0xad: {  	[dreg:$0x0] =	wrdreg $0x60  }
0xae: {  	[dreg:$0x2] =	wrdreg s24  }
0xaf: {  	[dreg:$0x3] =	wrdreg $0x12D000  }
0xb0: {  	[dreg:$0x4] =	wrdreg $0x9  }
0xb1: {  	_ =	task.clear_ibuf [dreg:s6], $0x5FFFF;
	_ =	strace $0x90000049  }
0xb2: {  	s29 =	simm.s32 $0x9;
	_ =	strace $0x8000004B  }
0xb3: {  	_ =	swait.ge [sflag:s29], $0x1  }
0xb4: {  	[sflag:s29] =	ssyncadd.s32 $0xFFFFFFFF  }
0xb5: {  	_ =	strace $0x9000004B  }
0xb6: {  	_ =	sfence  }
0xb7: {  	s30 =	sld [smem:$0x0];
	_ =	sdelay $0x2  }
0xb8: {  	s31 =	sshll.u32 s1, $0xD;
	s1 =	sshrl.u32 s1, $0x2  }
0xb9: {  	s3 =	sand.u32 $0x4000, s31;
	s1 =	sadd.s32 s1, s30  }
0xba: {  	s0 =	sor.u32 s3, s0;
	s1 =	sshll.u32 s1, $0x11  }
0xbb: {  	s0 =	sor.u32 s1, s0  }
0xbc: {  	s0 =	sadd.s32 $0x8F2B, s0  }
0xbd: {  	[sflag:s0] =	ssyncadd.remote.s32 $0x1  }
0xbe: {  	_ =	sfence.sel $0xFFFF  }
0xbf: {  	[dreg:$0x0] =	wrdreg $0xFFFFFFFF;
	(pc) =	sbr.abs _section_cstart, $3  }
0xc0: {  	[dreg:$0x1] =	wrdreg $0xFFFFFFFF  }
0xc1: {  	_ =	task.clear_ibuf [dreg:s6], $0x2FFFF;
	_ =	strace $0x9FFFFFFF  }
0xc2: {  	(tm) =	ssettm $0x7FFFFFFF  }
0xc3: {  	_ =	shalt  }
tec
execute0_lowered:
.L_overlay_start_1:
0x0: {  	(tag) =	ssettag $0x1  }
0x1: {  	s6 =	rddreg [dreg:$0x0]  }
0x2: {  	s0 =	srdreg.scid;
	s2 =	rddreg [dreg:$0x1]  }
0x3: {  	s3 =	simm.s32 $0x0;
	s14 =	simm.s32 $0x80;
	s15 =	simm.s32 $0x4F00  }
0x4: {  	s16 =	simm.s32 $0x6F00;
	s17 =	simm.s32 $0x1;
	s18 =	simm.s32 $0x2  }
0x5: {  	s19 =	simm.s32 $0x4E80;
	s20 =	simm.s32 $0x0;
	s5 =	sand.u32 $0x1, s0  }
0x6: {  	s0 =	stileid.u32;
	[smem:$0x7FF] =	sst s3;
	s4 =	sadd.s32 $0x21600, s6  }
0x7: {  	s1 =	sshll.u32 s5, $0x4;
	s9 =	smul.u32 $0x9E000, s5;
	s5 =	ssub.s32 $0x2, s5  }
0x8: {  	s8 =	smul.u32 $0x9E00, s0;
	s1 =	sor.u32 s0, s1;
	s31 =	sshrl.u32 s5, $0x1  }
0x9: {  	s7 =	smul.u32 $0x4F0, s1;
	s1 =	rddreg [dreg:$0x2];
	_ =	strace $0x8000004A  }
0xa: {  	s30 =	sadd.s32 s8, s9;
	s11 =	sshrl.u32 s8, $0x3;
	s13 =	ssub.s32 s5, s31  }
0xb: {  	s5 =	sadd.s32 s4, s11;
	s10 =	sadd.s32 s7, s6;
	s7 =	sshrl.u32 s30, $0x3  }
0xc: {  	s11 =	simm.s32 $0x8F00;
	s12 =	sadd.s32 s7, s6;
	s6 =	sadd.s32 s8, s2  }
0xd: {  	s7 =	sadd.s32 $0x17800, s10;
	s8 =	sadd.s32 $0x3C00, s10;
	s10 =	smax.u32 s13, $0x1  }
0xe: {  	s13 =	simm.s32 $0x2780;
	s9 =	sadd.s32 $0x35200, s12;
	s12 =	simm.s32 $0x3  }
.LBB2_1:
0xf: {  	[tilespmem:s11], [sflag:$0x3] =	stream.linear.gather [hbm4b:s5+s3], $0x9E00, $0x38;
	[tilespmem:$0x1CB00] =	vst v63  }
0x10: {  	_ =	swait.ge [sflag:s12], $0x9E00  }
0x11: {  	[sflag:s12] =	ssyncset.done $0x0  }
0x12: {  	[sflag:s12] =	ssyncadd.s32 $0xFFFF6200  }
0x13: {  	[spmem:s6] =	stream.linear.scatter [tilespmem:s11], [sflag:$0x3], $0x9E00, $0x38;
	[tilespmem:$0x1CB00] =	vst v63  }
0x14: {  	_ =	swait.ge [sflag:s12], $0x9E00  }
0x15: {  	[sflag:s12] =	ssyncset.done $0x0  }
0x16: {  	[sflag:s12] =	ssyncadd.s32 $0xFFFF6200  }
0x17: {  	[tilespmem:s3], [sflag:$0x3] =	stream.linear.gather [hbm4b:s7+s3], $0x2780, $0x38;
	[tilespmem:$0x1CB00] =	vst v63  }
0x18: {  	_ =	swait.ge [sflag:s12], $0x2780  }
0x19: {  	[sflag:s12] =	ssyncset.done $0x0  }
0x1a: {  	[sflag:s12] =	ssyncadd.s32 $0xFFFFD880  }
0x1b: {  	[tilespmem:s13], [sflag:$0x3] =	stream.linear.gather [hbm4b:s8+s3], $0x2780, $0x38;
	[tilespmem:$0x1CB00] =	vst v63  }
0x1c: {  	_ =	swait.ge [sflag:s12], $0x2780  }
0x1d: {  	[sflag:s12] =	ssyncset.done $0x0  }
0x1e: {  	[sflag:s12] =	ssyncadd.s32 $0xFFFFD880  }
0x1f: {  	[bflag:$0x0] =	sbarrier.arrive $0xFFFF  }
0x20: {  	[tilespmem:s15], [sflag:$0x1] =	stream.indirect.gather [hbm4b:s4+s14], $0x40, s3, s14, $0xb8;
	[tilespmem:$0x1CB00] =	vst v63  }
0x21: {  	s21 =	simm.s32 $0x80  }
0x22: {  	[tilespmem:s16], [sflag:$0x2] =	stream.indirect.gather [hbm4b:s4+s14], $0x40, s21, s14, $0xb8;
	[tilespmem:$0x1CB00] =	vst v63  }
0x23: {  	_ =	swait.ge [sflag:s17], $0x2000  }
0x24: {  	[sflag:s17] =	ssyncset.done $0x0  }
0x25: {  	s29 =	simm.s32 $0x2780;
	[sflag:s17] =	ssyncadd.s32 $0xFFFFE000  }
0x26: {  	[spmem:s2] =	stream.indirect.scatter.add.f32 [tilespmem:s15], [sflag:$0x3], $0x40, s29, s14, $0xb8;
	[tilespmem:$0x1CB00] =	vst v63  }
0x27: {  	_ =	swait.ge [sflag:s12], $0x2000  }
0x28: {  	[sflag:s12] =	ssyncset.done $0x0  }
0x29: {  	s30 =	simm.s32 $0x100;
	[sflag:s12] =	ssyncadd.s32 $0xFFFFE000  }
0x2a: {  	[tilespmem:s15], [sflag:$0x1] =	stream.indirect.gather [hbm4b:s4+s14], $0x40, s30, s14, $0xb8;
	[tilespmem:$0x1CB00] =	vst v63  }
0x2b: {  	_ =	swait.ge [sflag:s18], $0x2000  }
0x2c: {  	[sflag:s18] =	ssyncset.done $0x0  }
0x2d: {  	s31 =	simm.s32 $0x2800;
	[sflag:s18] =	ssyncadd.s32 $0xFFFFE000  }
0x2e: {  	[spmem:s2] =	stream.indirect.scatter.add.f32 [tilespmem:s16], [sflag:$0x3], $0x40, s31, s14, $0xb8;
	[tilespmem:$0x1CB00] =	vst v63  }
0x2f: {  	_ =	swait.ge [sflag:s12], $0x2000  }
0x30: {  	s22 =	simm.s32 $0x800;
	s21 =	simm.s32 $0x100;
	[sflag:s12] =	ssyncset.done $0x0  }
.LBB2_2:
0x31: {  	s23 =	sadd.s32 $0x80, s21  }
0x32: {  	[sflag:s12] =	ssyncadd.s32 $0xFFFFE000;
	s24 =	smov.u32 s22;
	s25 =	sadd.s32 $0x400, s22  }
0x33: {  	[tilespmem:s16], [sflag:$0x2] =	stream.indirect.gather [hbm4b:s4+s14], $0x40, s23, s14, $0xb8;
	[tilespmem:$0x1CB00] =	vst v63  }
0x34: {  	p0 =	sne.s32 s22, $0x9800;
	_ =	swait.ge [sflag:s17], $0x2000  }
0x35: {  	[sflag:s17] =	ssyncset.done $0x0  }
0x36: {  	s22 =	sadd.s32 $0x2780, s21;
	[sflag:s17] =	ssyncadd.s32 $0xFFFFE000  }
0x37: {  	[spmem:s2] =	stream.indirect.scatter.add.f32 [tilespmem:s15], [sflag:$0x3], $0x40, s22, s14, $0xb8;
	[tilespmem:$0x1CB00] =	vst v63  }
0x38: {  	_ =	swait.ge [sflag:s12], $0x2000  }
0x39: {  	[sflag:s12] =	ssyncset.done $0x0  }
0x3a: {  	s22 =	sadd.s32 $0x100, s21;
	[sflag:s12] =	ssyncadd.s32 $0xFFFFE000  }
0x3b: {  	[tilespmem:s15], [sflag:$0x1] =	stream.indirect.gather [hbm4b:s4+s14], $0x40, s22, s14, $0xb8;
	[tilespmem:$0x1CB00] =	vst v63  }
0x3c: {  	_ =	swait.ge [sflag:s18], $0x2000  }
.Ltmp0:
0x3d: {  	[sflag:s18] =	ssyncset.done $0x0;
	(pc) =	sbr.rel @p0 .LBB2_2-.Ltmp0, $4  }
0x3e: {  	s21 =	sadd.s32 $0x2800, s21;
	[sflag:s18] =	ssyncadd.s32 $0xFFFFE000  }
0x3f: {  	[spmem:s2] =	stream.indirect.scatter.add.f32 [tilespmem:s16], [sflag:$0x3], $0x40, s21, s14, $0xb8;
	[tilespmem:$0x1CB00] =	vst v63  }
0x40: {  	_ =	swait.ge [sflag:s12], $0x2000  }
0x41: {  	s22 =	smov.u32 s25;
	s21 =	sshra.s32 s24, $0x2;
	[sflag:s12] =	ssyncset.done $0x0  }
0x42: {  	s22 =	sadd.s32 $0x80, s21;
	[sflag:s12] =	ssyncadd.s32 $0xFFFFE000  }
0x43: {  	[tilespmem:s16], [sflag:$0x2] =	stream.indirect.gather [hbm4b:s4+s14], $0x40, s22, s14, $0xb8;
	[tilespmem:$0x1CB00] =	vst v63  }
0x44: {  	_ =	swait.ge [sflag:s17], $0x2000  }
0x45: {  	[sflag:s17] =	ssyncset.done $0x0  }
0x46: {  	s29 =	sadd.s32 $0x2780, s21;
	[sflag:s17] =	ssyncadd.s32 $0xFFFFE000  }
0x47: {  	[spmem:s2] =	stream.indirect.scatter.add.f32 [tilespmem:s15], [sflag:$0x3], $0x40, s29, s14, $0xb8;
	[tilespmem:$0x1CB00] =	vst v63  }
0x48: {  	_ =	swait.ge [sflag:s12], $0x2000  }
0x49: {  	[sflag:s12] =	ssyncset.done $0x0  }
0x4a: {  	s30 =	sadd.s32 $0x100, s21;
	[sflag:s12] =	ssyncadd.s32 $0xFFFFE000  }
0x4b: {  	[tilespmem:s15], [sflag:$0x1] =	stream.indirect.gather [hbm4b:s4+s14], $0x40, s30, s14, $0xb8;
	[tilespmem:$0x1CB00] =	vst v63  }
0x4c: {  	_ =	swait.ge [sflag:s18], $0x2000  }
0x4d: {  	[sflag:s18] =	ssyncset.done $0x0  }
0x4e: {  	s31 =	sadd.s32 $0x2800, s21;
	[sflag:s18] =	ssyncadd.s32 $0xFFFFE000  }
0x4f: {  	[spmem:s2] =	stream.indirect.scatter.add.f32 [tilespmem:s16], [sflag:$0x3], $0x40, s31, s14, $0xb8;
	[tilespmem:$0x1CB00] =	vst v63  }
0x50: {  	_ =	swait.ge [sflag:s12], $0x2000  }
0x51: {  	[sflag:s12] =	ssyncset.done $0x0  }
0x52: {  	[sflag:s12] =	ssyncadd.s32 $0xFFFFE000  }
0x53: {  	_ =	swait.ge [sflag:s17], $0x2000  }
0x54: {  	[sflag:s17] =	ssyncset.done $0x0  }
0x55: {  	[sflag:s17] =	ssyncadd.s32 $0xFFFFE000  }
0x56: {  	[spmem:s2] =	stream.indirect.scatter.add.f32 [tilespmem:s15], [sflag:$0x3], $0x40, s19, s14, $0xb8;
	[tilespmem:$0x1CB00] =	vst v63  }
0x57: {  	_ =	swait.ge [sflag:s12], $0x2000  }
0x58: {  	[sflag:s12] =	ssyncset.done $0x0  }
0x59: {  	[sflag:s12] =	ssyncadd.s32 $0xFFFFE000  }
0x5a: {  	[bflag:$0x0] =	sbarrier.arrive $0xFFFF  }
0x5b: {  	[tilespmem:s11], [sflag:$0x3] =	stream.linear.gather [spmem:s6], $0x9E00, $0x38;
	[tilespmem:$0x1CB00] =	vst v63  }
0x5c: {  	s20 =	sadd.s32 $0x1, s20;
	_ =	swait.ge [sflag:s12], $0x9E00  }
0x5d: {  	p0 =	sne.s32 s20, s10;
	[sflag:s12] =	ssyncset.done $0x0  }
.Ltmp1:
0x5e: {  	[sflag:s12] =	ssyncadd.s32 $0xFFFF6200;
	(pc) =	sbr.rel @p0 .LBB2_1-.Ltmp1, $4  }
0x5f: {  	[hbm4b:s9+s3] =	stream.linear.scatter [tilespmem:s11], [sflag:$0x3], $0x9E00, $0x38;
	[tilespmem:$0x1CB00] =	vst v63  }
0x60: {  	_ =	swait.ge [sflag:s12], $0x9E00  }
0x61: {  	[sflag:s12] =	ssyncset.done $0x0  }
0x62: {  	[sflag:s12] =	ssyncadd.s32 $0xFFFF6200  }
0x63: {  	_ =	sfence.sel $0x180000  }
0x64: {  	[bflag:$0x0] =	sbarrier.arrive $0xFFFF  }
0x65: {  	p0 =	sne.s32 s0, $0x0;
	_ =	strace $0x9000004A  }
0x66: {  	s0 =	sadd.s32 @!p0 $0x100000, s1;
	[bflag:$0x2] =	sbarrier.arrive $0xFFFF  }
0x67: {  	[sflag:s0] =	ssyncadd.tile.s32 @!p0 $0x1;
	_ =	shalt  }
.Lfunc_end2:
_tile_overlayer_lowered:
.L_overlay_start_2:
0x68: {  	(tag) =	ssettag $0x2  }
0x69: {  	s0 =	rddreg [dreg:$0x0];
	s2 =	stileid.u32  }
0x6a: {  	s1 =	rddreg [dreg:$0x1];
	p0 =	sne.s32 s2, $0x0  }
0x6b: {  	s3 =	rddreg [dreg:$0x2];
	[bflag:$0x3] =	sbarrier.arrive $0xFFFF;
	s2 =	simm.s32 @!p0 $0x1C03  }
0x6c: {  	[timem:s3], [sflag:s2] =	dma.local @!p0 [hbm:s0], s1  }
0x6d: {  	s0 =	simm.s32 @!p0 $0x3  }
0x6e: {  	_ =	swait.ge @!p0 [sflag:s0], s1  }
0x6f: {  	s1 =	ssub.s32 @!p0 $0x0, s1;
	[sflag:s0] =	ssyncset.done @!p0 $0x0  }
0x70: {  	[sflag:s0] =	ssyncadd.s32 @!p0 s1  }
0x71: {  	[bflag:$0x3] =	sbarrier.arrive $0xFFFF  }
0x72: {  	_ =	shalt  }

// kernel: kernel.18.cloned.1.call-start
scs
__scs_entry_jumppad:
0x0: {  	(pc) =	sbr.rel $0x88, $3  }
0x1: {  	(tag) =	ssettag $0x0;
	lr =	simm.s32 $0x1  }
0x2: {  	[smem:$0x3F8C] =	sst lr;
	_ =	strace $0xD0000000  }
0x3: {  	_ = 	snop  }
0x4: {  	_ = 	snop  }
0x5: {  	_ = 	snop  }
0x6: {  	_ = 	snop  }
0x7: {  	_ = 	snop  }
__scs_overlays_trampoline_lowered:
0x8: {  	[smem:$0x3F9B] =	sst s0  }
0x9: {  	[smem:$0x3F9C] =	sst s1  }
0xa: {  	[smem:$0x3F9D] =	sst s2  }
0xb: {  	[smem:$0x3F9E] =	sst s3  }
0xc: {  	[smem:$0x3F9F] =	sst s4  }
0xd: {  	[smem:$0x3FA0] =	sst s5  }
0xe: {  	[smem:$0x3FA1] =	sst s6  }
0xf: {  	[smem:$0x3FA2] =	sst s7  }
0x10: {  	[smem:$0x3FA3] =	sst s8  }
0x11: {  	[smem:$0x3FA4] =	sst s9;
	s0 =	simm.s32 @!p0 $0x0  }
0x12: {  	s1 =	sld [smem:$0x3F8A];
	s0 =	simm.s32 @p0 $0x1  }
0x13: {  	[smem:$0x3FA5] =	sst s0;
	s0 =	simm.s32 @!p1 $0x0  }
0x14: {  	s2 =	sld [smem:$0x3F89];
	s0 =	simm.s32 @p1 $0x1  }
0x15: {  	[smem:$0x3FA6] =	sst s0;
	s0 =	simm.s32 @!p2 $0x0  }
0x16: {  	s3 =	sld [smem:$0x3FDB];
	s0 =	simm.s32 @p2 $0x1  }
0x17: {  	s4 =	simm.s32 $0x1BF5;
	[smem:$0x3FA8] =	sst s0  }
0x18: {  	s0 =	sld [smem:$0x3F8B];
	_ =	swait.ge [sflag:s4], $0x0  }
0x19: {  	s7 =	sld [smem:$0x3F8C]  }
0x1a: {  	s8 =	sadd.s32 $0xFFFFE003, lr  }
0x1b: {  	s9 =	sadd.s32 $0xFFFFFEF7, lr;
	s5 =	simm.s32 $0xFFFFFFFF;
	p2 =	slt.u32 s8, $0xFFFFF086  }
0x1c: {  	p1 =	slt.u32 s9, $0xF7A;
	s5 =	simm.s32 @!p2 $0x0  }
0x1d: {  	s5 =	simm.s32 @p1 $0x1;
	p0 =	seq.s32 s7, s2  }
0x1e: {  	s7 =	smul.u32 @!p0 $0xF7A, s2;
	p2 =	seq.s32 @!p0 s5, $0x0  }
0x1f: {  	s9 =	smul.u32 $0xF7A, s1;
	s8 =	simm.s32 @!p0 $0x1BF5;
	p2 =	por !p2, p0  }
0x20: {  	[sflag:s8] =	ssyncset.s32 @!p0 $0xFFFFF086;
	s6 =	sadd.s32 @!p0 s3, s7;
	s7 =	simm.s32 @!p0 $0x108  }
0x21: {  	s3 =	sadd.s32 s3, s9;
	s6 =	sadd.s32 @!p0 $0x88, s6;
	s7 =	simm.s32 @p2 $0x1082  }
0x22: {  	[simem:s7], [sflag:s8] =	dma.local @!p0 [hbm:s6], $0xF7A  }
0x23: {  	s9 =	sor.u32 $0xD0000000, s2;
	s6 =	simm.s32 $0x108;
	_ =	swait.ge @!p0 [sflag:s8], $0x0  }
0x24: {  	s3 =	sadd.s32 $0x88, s3;
	s6 =	simm.s32 @!p1 $0x1082;
	[sflag:s4] =	ssyncset.s32 $0xFFFFF086  }
0x25: {  	[simem:s6], [sflag:s4] =	dma.local [hbm:s3], $0xF7A  }
0x26: {  	[smem:$0x3F8C] =	sst s1;
	(tag) =	ssettag s2;
	_ =	strace s9  }
0x27: {  	s1 =	sld [smem:$0x3F9C]  }
0x28: {  	s2 =	sld [smem:$0x3F9D]  }
0x29: {  	s4 =	sld [smem:$0x3F9F]  }
0x2a: {  	p0 =	seq.s32 s5, $0x0;
	s5 =	sld [smem:$0x3FA0]  }
0x2b: {  	s6 =	sld [smem:$0x3FA1]  }
0x2c: {  	s7 =	sld [smem:$0x3FA2]  }
0x2d: {  	s3 =	simm.s32 $0x108;
	s8 =	sld [smem:$0x3FA3]  }
0x2e: {  	s3 =	simm.s32 @!p0 $0x1082;
	s9 =	sld [smem:$0x3FA4]  }
0x2f: {  	lr =	sadd.s32 s0, s3;
	s0 =	sld [smem:$0x3F9B]  }
0x30: {  	s3 =	sld [smem:$0x3F9E]  }
0x31: {  	[smem:$0x3FA7] =	sst s10  }
0x32: {  	s10 =	sld [smem:$0x3FA5];
	_ =	sdelay $0x3  }
0x33: {  	p0 =	seq.s32 s10, $0x1;
	s10 =	sld [smem:$0x3FA7];
	_ =	sdelay $0x3  }
0x34: {  	[smem:$0x3FA7] =	sst s10  }
0x35: {  	s10 =	sld [smem:$0x3FA6];
	_ =	sdelay $0x3  }
0x36: {  	p1 =	seq.s32 s10, $0x1;
	s10 =	sld [smem:$0x3FA7];
	_ =	sdelay $0x3  }
0x37: {  	[smem:$0x3FA7] =	sst s10  }
0x38: {  	s10 =	sld [smem:$0x3FA8]  }
0x39: {  	_ = 	snop;
	(pc) =	sbr.ind lr, $3  }
0x3a: {  	_ = 	snop  }
0x3b: {  	_ = 	snop  }
0x3c: {  	p2 =	seq.s32 s10, $0x1;
	s10 =	sld [smem:$0x3FA7]  }
0x3d: {  	_ =	shalt  }
0x3e: {  	_ =	shalt  }
0x3f: {  	_ =	shalt  }
0x40: {  	_ =	shalt  }
0x41: {  	_ =	shalt  }
0x42: {  	_ =	shalt  }
0x43: {  	_ =	shalt  }
0x44: {  	_ =	shalt  }
0x45: {  	_ =	shalt  }
0x46: {  	_ =	shalt  }
0x47: {  	_ =	shalt  }
0x48: {  	_ =	shalt  }
0x49: {  	_ =	shalt  }
0x4a: {  	_ =	shalt  }
0x4b: {  	_ =	shalt  }
0x4c: {  	_ =	shalt  }
0x4d: {  	_ =	shalt  }
0x4e: {  	_ =	shalt  }
0x4f: {  	_ =	shalt  }
0x50: {  	_ =	shalt  }
0x51: {  	_ =	shalt  }
0x52: {  	_ =	shalt  }
0x53: {  	_ =	shalt  }
0x54: {  	_ =	shalt  }
0x55: {  	_ =	shalt  }
0x56: {  	_ =	shalt  }
0x57: {  	_ =	shalt  }
0x58: {  	_ =	shalt  }
0x59: {  	_ =	shalt  }
0x5a: {  	_ =	shalt  }
0x5b: {  	_ =	shalt  }
0x5c: {  	_ =	shalt  }
0x5d: {  	_ =	shalt  }
0x5e: {  	_ =	shalt  }
0x5f: {  	_ =	shalt  }
0x60: {  	_ =	shalt  }
0x61: {  	_ =	shalt  }
0x62: {  	_ =	shalt  }
0x63: {  	_ =	shalt  }
0x64: {  	_ =	shalt  }
0x65: {  	_ =	shalt  }
0x66: {  	_ =	shalt  }
0x67: {  	_ =	shalt  }
0x68: {  	_ =	shalt  }
0x69: {  	_ =	shalt  }
0x6a: {  	_ =	shalt  }
0x6b: {  	_ =	shalt  }
0x6c: {  	_ =	shalt  }
0x6d: {  	_ =	shalt  }
0x6e: {  	_ =	shalt  }
0x6f: {  	_ =	shalt  }
0x70: {  	_ =	shalt  }
0x71: {  	_ =	shalt  }
0x72: {  	_ =	shalt  }
0x73: {  	_ =	shalt  }
0x74: {  	_ =	shalt  }
0x75: {  	_ =	shalt  }
0x76: {  	_ =	shalt  }
0x77: {  	_ =	shalt  }
0x78: {  	_ =	shalt  }
0x79: {  	_ =	shalt  }
0x7a: {  	_ =	shalt  }
0x7b: {  	_ =	shalt  }
0x7c: {  	_ =	shalt  }
0x7d: {  	_ =	shalt  }
0x7e: {  	_ =	shalt  }
0x7f: {  	_ =	shalt  }
0x80: {  	_ =	shalt  }
0x81: {  	_ =	shalt  }
0x82: {  	_ =	shalt  }
0x83: {  	_ =	shalt  }
0x84: {  	_ =	shalt  }
0x85: {  	_ =	shalt  }
0x86: {  	_ =	shalt  }
0x87: {  	_ =	shalt  }
.Lfunc_end0:
.L_simem_size_0:
called_computation.2_lowered:
.L_overlay_start_0:
0x88: {  	s2 =	sld [smem:$0x3FD9]  }
0x89: {  	s3 =	sld [smem:$0x3FFE];
	_ =	sdelay $0x1  }
0x8a: {  	s1 =	srdreg.scid  }
0x8b: {  	s0 =	sand.u32 $0x1, s1  }
0x8c: {  	s16 =	sshll.u32 s0, $0xA;
	s2 =	sadd.s32 s3, s2  }
0x8d: {  	s2 =	sadd.s32 s2, s16  }
0x8e: {  	[smem:$0x3FB3] =	sst s2  }
0x8f: {  	_ = 	snop  }
0x90: {  	(tm) =	ssettm $0x1  }
0x91: {  	s17 =	sld [smem:$0x3FFB];
	_ =	sdelay $0x3  }
0x92: {  	_ =	strace s17  }
0x93: {  	s2 =	sld [smem:$0x3FFC];
	_ =	sdelay $0x3  }
0x94: {  	_ =	strace s2  }
0x95: {  	s2 =	sld [smem:$0x3FFD];
	_ =	sdelay $0x3  }
0x96: {  	_ =	strace s2  }
0x97: {  	_ =	strace $0x8FFFFFFF  }
0x98: {  	s18 =	sld [smem:$0x3FDB];
	_ =	sdelay $0x1  }
0x99: {  	s19 =	simm.s32 $_scs_section_size  }
0x9a: {  	s4 =	simm.s32 $_size__tile_overlayer_lowered;
	s5 =	simm.s32 $_tile_overlayer_lowered  }
0x9b: {  	s22 =	simm.s32 $0x1BFF;
	s21 =	sshll.u32 s5, $0x1;
	s2 =	sadd.s32 s19, s18  }
0x9c: {  	s6 =	simm.s32 $0x0;
	s20 =	sshll.u32 s4, $0x1;
	s4 =	sadd.s32 s21, s2  }
0x9d: {  	[timem:s6], [sflag:s22] =	dma.local [hbm:s4], s20  }
0x9e: {  	_ =	swait.ge [sflag:s22], s20  }
0x9f: {  	s3 =	ssub.s32 $0x0, s20;
	[sflag:s22] =	ssyncset.done $0x0  }
0xa0: {  	[sflag:s22] =	ssyncadd.s32 s3;
	_ =	sdelay $0x1  }
0xa1: {  	s23 =	simm.s32 $0x1B8B  }
0xa2: {  	_ =	swait.ge [sflag:s23], $0x1  }
0xa3: {  	[sflag:s23] =	ssyncset.done $0x0  }
0xa4: {  	s25 =	simm.s32 $0x1B8E;
	s24 =	sld [smem:$0x3FFE];
	[sflag:s23] =	ssyncadd.s32 $0xFFFFFFFF  }
0xa5: {  	s26 =	simm.s32 $execute0_lowered;
	[smem:$0x3FD2] =	sst s25  }
0xa6: {  	s4 =	sshll.u32 s26, $0x1;
	_ =	strace $0x8000004C;
	[dreg:$0x1] =	wrdreg $0xFFFFFFFF  }
0xa7: {  	s28 =	simm.s32 $_size_execute0_lowered;
	s2 =	sadd.s32 s2, s4;
	[dreg:$0x0] =	wrdreg $0x0  }
0xa8: {  	s4 =	sshll.u32 s28, $0x1;
	[dreg:$0x2] =	wrdreg s2  }
0xa9: {  	[dreg:$0x3] =	wrdreg s4  }
0xaa: {  	[dreg:$0x4] =	wrdreg $0xC0  }
0xab: {  	_ =	task [dreg:s6], $0x5FFFF  }
0xac: {  	[dreg:$0x1] =	wrdreg $0xFFFFFFFF  }
0xad: {  	[dreg:$0x0] =	wrdreg $0x60  }
0xae: {  	[dreg:$0x2] =	wrdreg s24  }
0xaf: {  	[dreg:$0x3] =	wrdreg $0x12D000  }
0xb0: {  	[dreg:$0x4] =	wrdreg $0x9  }
0xb1: {  	_ =	task.clear_ibuf [dreg:s6], $0x5FFFF;
	_ =	strace $0x9000004C  }
0xb2: {  	s29 =	simm.s32 $0x9;
	_ =	strace $0x8000004E  }
0xb3: {  	_ =	swait.ge [sflag:s29], $0x1  }
0xb4: {  	[sflag:s29] =	ssyncadd.s32 $0xFFFFFFFF  }
0xb5: {  	_ =	strace $0x9000004E  }
0xb6: {  	_ =	sfence  }
0xb7: {  	s30 =	sld [smem:$0x0];
	_ =	sdelay $0x2  }
0xb8: {  	s31 =	sshll.u32 s1, $0xD;
	s1 =	sshrl.u32 s1, $0x2  }
0xb9: {  	s3 =	sand.u32 $0x4000, s31;
	s1 =	sadd.s32 s1, s30  }
0xba: {  	s0 =	sor.u32 s3, s0;
	s1 =	sshll.u32 s1, $0x11  }
0xbb: {  	s0 =	sor.u32 s1, s0  }
0xbc: {  	s0 =	sadd.s32 $0x8F2B, s0  }
0xbd: {  	[sflag:s0] =	ssyncadd.remote.s32 $0x1  }
0xbe: {  	_ =	sfence.sel $0xFFFF  }
0xbf: {  	[dreg:$0x0] =	wrdreg $0xFFFFFFFF;
	(pc) =	sbr.abs _section_cstart, $3  }
0xc0: {  	[dreg:$0x1] =	wrdreg $0xFFFFFFFF  }
0xc1: {  	_ =	task.clear_ibuf [dreg:s6], $0x2FFFF;
	_ =	strace $0x9FFFFFFF  }
0xc2: {  	(tm) =	ssettm $0x7FFFFFFF  }
0xc3: {  	_ =	shalt  }
tec
execute0_lowered:
.L_overlay_start_1:
0x0: {  	(tag) =	ssettag $0x1  }
0x1: {  	s6 =	rddreg [dreg:$0x0]  }
0x2: {  	s0 =	srdreg.scid;
	s2 =	rddreg [dreg:$0x1]  }
0x3: {  	s3 =	simm.s32 $0x0;
	s14 =	simm.s32 $0x80;
	s15 =	simm.s32 $0x4F00  }
0x4: {  	s16 =	simm.s32 $0x6F00;
	s17 =	simm.s32 $0x1;
	s18 =	simm.s32 $0x2  }
0x5: {  	s19 =	simm.s32 $0x4E80;
	s20 =	simm.s32 $0x0;
	s5 =	sand.u32 $0x1, s0  }
0x6: {  	s0 =	stileid.u32;
	[smem:$0x7FF] =	sst s3;
	s4 =	sadd.s32 $0x21600, s6  }
0x7: {  	s1 =	sshll.u32 s5, $0x4;
	s9 =	smul.u32 $0x9E000, s5;
	s5 =	ssub.s32 $0x2, s5  }
0x8: {  	s8 =	smul.u32 $0x9E00, s0;
	s1 =	sor.u32 s0, s1;
	s31 =	sshrl.u32 s5, $0x1  }
0x9: {  	s7 =	smul.u32 $0x4F0, s1;
	s1 =	rddreg [dreg:$0x2];
	_ =	strace $0x8000004D  }
0xa: {  	s30 =	sadd.s32 s8, s9;
	s11 =	sshrl.u32 s8, $0x3;
	s13 =	ssub.s32 s5, s31  }
0xb: {  	s5 =	sadd.s32 s4, s11;
	s10 =	sadd.s32 s7, s6;
	s7 =	sshrl.u32 s30, $0x3  }
0xc: {  	s11 =	simm.s32 $0x8F00;
	s12 =	sadd.s32 s7, s6;
	s6 =	sadd.s32 s8, s2  }
0xd: {  	s7 =	sadd.s32 $0x17800, s10;
	s8 =	sadd.s32 $0x3C00, s10;
	s10 =	smax.u32 s13, $0x1  }
0xe: {  	s13 =	simm.s32 $0x2780;
	s9 =	sadd.s32 $0x35200, s12;
	s12 =	simm.s32 $0x3  }
.LBB2_1:
0xf: {  	[tilespmem:s11], [sflag:$0x3] =	stream.linear.gather [hbm4b:s5+s3], $0x9E00, $0x38;
	[tilespmem:$0x1CB00] =	vst v63  }
0x10: {  	_ =	swait.ge [sflag:s12], $0x9E00  }
0x11: {  	[sflag:s12] =	ssyncset.done $0x0  }
0x12: {  	[sflag:s12] =	ssyncadd.s32 $0xFFFF6200  }
0x13: {  	[spmem:s6] =	stream.linear.scatter [tilespmem:s11], [sflag:$0x3], $0x9E00, $0x38;
	[tilespmem:$0x1CB00] =	vst v63  }
0x14: {  	_ =	swait.ge [sflag:s12], $0x9E00  }
0x15: {  	[sflag:s12] =	ssyncset.done $0x0  }
0x16: {  	[sflag:s12] =	ssyncadd.s32 $0xFFFF6200  }
0x17: {  	[tilespmem:s3], [sflag:$0x3] =	stream.linear.gather [hbm4b:s7+s3], $0x2780, $0x38;
	[tilespmem:$0x1CB00] =	vst v63  }
0x18: {  	_ =	swait.ge [sflag:s12], $0x2780  }
0x19: {  	[sflag:s12] =	ssyncset.done $0x0  }
0x1a: {  	[sflag:s12] =	ssyncadd.s32 $0xFFFFD880  }
0x1b: {  	[tilespmem:s13], [sflag:$0x3] =	stream.linear.gather [hbm4b:s8+s3], $0x2780, $0x38;
	[tilespmem:$0x1CB00] =	vst v63  }
0x1c: {  	_ =	swait.ge [sflag:s12], $0x2780  }
0x1d: {  	[sflag:s12] =	ssyncset.done $0x0  }
0x1e: {  	[sflag:s12] =	ssyncadd.s32 $0xFFFFD880  }
0x1f: {  	[bflag:$0x0] =	sbarrier.arrive $0xFFFF  }
0x20: {  	[tilespmem:s15], [sflag:$0x1] =	stream.indirect.gather [hbm4b:s4+s14], $0x40, s3, s14, $0xb8;
	[tilespmem:$0x1CB00] =	vst v63  }
0x21: {  	s21 =	simm.s32 $0x80  }
0x22: {  	[tilespmem:s16], [sflag:$0x2] =	stream.indirect.gather [hbm4b:s4+s14], $0x40, s21, s14, $0xb8;
	[tilespmem:$0x1CB00] =	vst v63  }
0x23: {  	_ =	swait.ge [sflag:s17], $0x2000  }
0x24: {  	[sflag:s17] =	ssyncset.done $0x0  }
0x25: {  	s29 =	simm.s32 $0x2780;
	[sflag:s17] =	ssyncadd.s32 $0xFFFFE000  }
0x26: {  	[spmem:s2] =	stream.indirect.scatter.add.f32 [tilespmem:s15], [sflag:$0x3], $0x40, s29, s14, $0xb8;
	[tilespmem:$0x1CB00] =	vst v63  }
0x27: {  	_ =	swait.ge [sflag:s12], $0x2000  }
0x28: {  	[sflag:s12] =	ssyncset.done $0x0  }
0x29: {  	s30 =	simm.s32 $0x100;
	[sflag:s12] =	ssyncadd.s32 $0xFFFFE000  }
0x2a: {  	[tilespmem:s15], [sflag:$0x1] =	stream.indirect.gather [hbm4b:s4+s14], $0x40, s30, s14, $0xb8;
	[tilespmem:$0x1CB00] =	vst v63  }
0x2b: {  	_ =	swait.ge [sflag:s18], $0x2000  }
0x2c: {  	[sflag:s18] =	ssyncset.done $0x0  }
0x2d: {  	s31 =	simm.s32 $0x2800;
	[sflag:s18] =	ssyncadd.s32 $0xFFFFE000  }
0x2e: {  	[spmem:s2] =	stream.indirect.scatter.add.f32 [tilespmem:s16], [sflag:$0x3], $0x40, s31, s14, $0xb8;
	[tilespmem:$0x1CB00] =	vst v63  }
0x2f: {  	_ =	swait.ge [sflag:s12], $0x2000  }
0x30: {  	s22 =	simm.s32 $0x800;
	s21 =	simm.s32 $0x100;
	[sflag:s12] =	ssyncset.done $0x0  }
.LBB2_2:
0x31: {  	s23 =	sadd.s32 $0x80, s21  }
0x32: {  	[sflag:s12] =	ssyncadd.s32 $0xFFFFE000;
	s24 =	smov.u32 s22;
	s25 =	sadd.s32 $0x400, s22  }
0x33: {  	[tilespmem:s16], [sflag:$0x2] =	stream.indirect.gather [hbm4b:s4+s14], $0x40, s23, s14, $0xb8;
	[tilespmem:$0x1CB00] =	vst v63  }
0x34: {  	p0 =	sne.s32 s22, $0x9800;
	_ =	swait.ge [sflag:s17], $0x2000  }
0x35: {  	[sflag:s17] =	ssyncset.done $0x0  }
0x36: {  	s22 =	sadd.s32 $0x2780, s21;
	[sflag:s17] =	ssyncadd.s32 $0xFFFFE000  }
0x37: {  	[spmem:s2] =	stream.indirect.scatter.add.f32 [tilespmem:s15], [sflag:$0x3], $0x40, s22, s14, $0xb8;
	[tilespmem:$0x1CB00] =	vst v63  }
0x38: {  	_ =	swait.ge [sflag:s12], $0x2000  }
0x39: {  	[sflag:s12] =	ssyncset.done $0x0  }
0x3a: {  	s22 =	sadd.s32 $0x100, s21;
	[sflag:s12] =	ssyncadd.s32 $0xFFFFE000  }
0x3b: {  	[tilespmem:s15], [sflag:$0x1] =	stream.indirect.gather [hbm4b:s4+s14], $0x40, s22, s14, $0xb8;
	[tilespmem:$0x1CB00] =	vst v63  }
0x3c: {  	_ =	swait.ge [sflag:s18], $0x2000  }
.Ltmp0:
0x3d: {  	[sflag:s18] =	ssyncset.done $0x0;
	(pc) =	sbr.rel @p0 .LBB2_2-.Ltmp0, $4  }
0x3e: {  	s21 =	sadd.s32 $0x2800, s21;
	[sflag:s18] =	ssyncadd.s32 $0xFFFFE000  }
0x3f: {  	[spmem:s2] =	stream.indirect.scatter.add.f32 [tilespmem:s16], [sflag:$0x3], $0x40, s21, s14, $0xb8;
	[tilespmem:$0x1CB00] =	vst v63  }
0x40: {  	_ =	swait.ge [sflag:s12], $0x2000  }
0x41: {  	s22 =	smov.u32 s25;
	s21 =	sshra.s32 s24, $0x2;
	[sflag:s12] =	ssyncset.done $0x0  }
0x42: {  	s22 =	sadd.s32 $0x80, s21;
	[sflag:s12] =	ssyncadd.s32 $0xFFFFE000  }
0x43: {  	[tilespmem:s16], [sflag:$0x2] =	stream.indirect.gather [hbm4b:s4+s14], $0x40, s22, s14, $0xb8;
	[tilespmem:$0x1CB00] =	vst v63  }
0x44: {  	_ =	swait.ge [sflag:s17], $0x2000  }
0x45: {  	[sflag:s17] =	ssyncset.done $0x0  }
0x46: {  	s29 =	sadd.s32 $0x2780, s21;
	[sflag:s17] =	ssyncadd.s32 $0xFFFFE000  }
0x47: {  	[spmem:s2] =	stream.indirect.scatter.add.f32 [tilespmem:s15], [sflag:$0x3], $0x40, s29, s14, $0xb8;
	[tilespmem:$0x1CB00] =	vst v63  }
0x48: {  	_ =	swait.ge [sflag:s12], $0x2000  }
0x49: {  	[sflag:s12] =	ssyncset.done $0x0  }
0x4a: {  	s30 =	sadd.s32 $0x100, s21;
	[sflag:s12] =	ssyncadd.s32 $0xFFFFE000  }
0x4b: {  	[tilespmem:s15], [sflag:$0x1] =	stream.indirect.gather [hbm4b:s4+s14], $0x40, s30, s14, $0xb8;
	[tilespmem:$0x1CB00] =	vst v63  }
0x4c: {  	_ =	swait.ge [sflag:s18], $0x2000  }
0x4d: {  	[sflag:s18] =	ssyncset.done $0x0  }
0x4e: {  	s31 =	sadd.s32 $0x2800, s21;
	[sflag:s18] =	ssyncadd.s32 $0xFFFFE000  }
0x4f: {  	[spmem:s2] =	stream.indirect.scatter.add.f32 [tilespmem:s16], [sflag:$0x3], $0x40, s31, s14, $0xb8;
	[tilespmem:$0x1CB00] =	vst v63  }
0x50: {  	_ =	swait.ge [sflag:s12], $0x2000  }
0x51: {  	[sflag:s12] =	ssyncset.done $0x0  }
0x52: {  	[sflag:s12] =	ssyncadd.s32 $0xFFFFE000  }
0x53: {  	_ =	swait.ge [sflag:s17], $0x2000  }
0x54: {  	[sflag:s17] =	ssyncset.done $0x0  }
0x55: {  	[sflag:s17] =	ssyncadd.s32 $0xFFFFE000  }
0x56: {  	[spmem:s2] =	stream.indirect.scatter.add.f32 [tilespmem:s15], [sflag:$0x3], $0x40, s19, s14, $0xb8;
	[tilespmem:$0x1CB00] =	vst v63  }
0x57: {  	_ =	swait.ge [sflag:s12], $0x2000  }
0x58: {  	[sflag:s12] =	ssyncset.done $0x0  }
0x59: {  	[sflag:s12] =	ssyncadd.s32 $0xFFFFE000  }
0x5a: {  	[bflag:$0x0] =	sbarrier.arrive $0xFFFF  }
0x5b: {  	[tilespmem:s11], [sflag:$0x3] =	stream.linear.gather [spmem:s6], $0x9E00, $0x38;
	[tilespmem:$0x1CB00] =	vst v63  }
0x5c: {  	s20 =	sadd.s32 $0x1, s20;
	_ =	swait.ge [sflag:s12], $0x9E00  }
0x5d: {  	p0 =	sne.s32 s20, s10;
	[sflag:s12] =	ssyncset.done $0x0  }
.Ltmp1:
0x5e: {  	[sflag:s12] =	ssyncadd.s32 $0xFFFF6200;
	(pc) =	sbr.rel @p0 .LBB2_1-.Ltmp1, $4  }
0x5f: {  	[hbm4b:s9+s3] =	stream.linear.scatter [tilespmem:s11], [sflag:$0x3], $0x9E00, $0x38;
	[tilespmem:$0x1CB00] =	vst v63  }
0x60: {  	_ =	swait.ge [sflag:s12], $0x9E00  }
0x61: {  	[sflag:s12] =	ssyncset.done $0x0  }
0x62: {  	[sflag:s12] =	ssyncadd.s32 $0xFFFF6200  }
0x63: {  	_ =	sfence.sel $0x180000  }
0x64: {  	[bflag:$0x0] =	sbarrier.arrive $0xFFFF  }
0x65: {  	p0 =	sne.s32 s0, $0x0;
	_ =	strace $0x9000004D  }
0x66: {  	s0 =	sadd.s32 @!p0 $0x100000, s1;
	[bflag:$0x2] =	sbarrier.arrive $0xFFFF  }
0x67: {  	[sflag:s0] =	ssyncadd.tile.s32 @!p0 $0x1;
	_ =	shalt  }
.Lfunc_end2:
_tile_overlayer_lowered:
.L_overlay_start_2:
0x68: {  	(tag) =	ssettag $0x2  }
0x69: {  	s0 =	rddreg [dreg:$0x0];
	s2 =	stileid.u32  }
0x6a: {  	s1 =	rddreg [dreg:$0x1];
	p0 =	sne.s32 s2, $0x0  }
0x6b: {  	s3 =	rddreg [dreg:$0x2];
	[bflag:$0x3] =	sbarrier.arrive $0xFFFF;
	s2 =	simm.s32 @!p0 $0x1C03  }
0x6c: {  	[timem:s3], [sflag:s2] =	dma.local @!p0 [hbm:s0], s1  }
0x6d: {  	s0 =	simm.s32 @!p0 $0x3  }
0x6e: {  	_ =	swait.ge @!p0 [sflag:s0], s1  }
0x6f: {  	s1 =	ssub.s32 @!p0 $0x0, s1;
	[sflag:s0] =	ssyncset.done @!p0 $0x0  }
0x70: {  	[sflag:s0] =	ssyncadd.s32 @!p0 s1  }
0x71: {  	[bflag:$0x3] =	sbarrier.arrive $0xFFFF  }
0x72: {  	_ =	shalt  }

// kernel: kernel.21.cloned.1.call-start
scs
__scs_entry_jumppad:
0x0: {  	(pc) =	sbr.rel $0x88, $3  }
0x1: {  	(tag) =	ssettag $0x0;
	lr =	simm.s32 $0x1  }
0x2: {  	[smem:$0x3F8C] =	sst lr;
	_ =	strace $0xD0000000  }
0x3: {  	_ = 	snop  }
0x4: {  	_ = 	snop  }
0x5: {  	_ = 	snop  }
0x6: {  	_ = 	snop  }
0x7: {  	_ = 	snop  }
__scs_overlays_trampoline_lowered:
0x8: {  	[smem:$0x3F9B] =	sst s0  }
0x9: {  	[smem:$0x3F9C] =	sst s1  }
0xa: {  	[smem:$0x3F9D] =	sst s2  }
0xb: {  	[smem:$0x3F9E] =	sst s3  }
0xc: {  	[smem:$0x3F9F] =	sst s4  }
0xd: {  	[smem:$0x3FA0] =	sst s5  }
0xe: {  	[smem:$0x3FA1] =	sst s6  }
0xf: {  	[smem:$0x3FA2] =	sst s7  }
0x10: {  	[smem:$0x3FA3] =	sst s8  }
0x11: {  	[smem:$0x3FA4] =	sst s9;
	s0 =	simm.s32 @!p0 $0x0  }
0x12: {  	s1 =	sld [smem:$0x3F8A];
	s0 =	simm.s32 @p0 $0x1  }
0x13: {  	[smem:$0x3FA5] =	sst s0;
	s0 =	simm.s32 @!p1 $0x0  }
0x14: {  	s2 =	sld [smem:$0x3F89];
	s0 =	simm.s32 @p1 $0x1  }
0x15: {  	[smem:$0x3FA6] =	sst s0;
	s0 =	simm.s32 @!p2 $0x0  }
0x16: {  	s3 =	sld [smem:$0x3FDB];
	s0 =	simm.s32 @p2 $0x1  }
0x17: {  	s4 =	simm.s32 $0x1BF5;
	[smem:$0x3FA8] =	sst s0  }
0x18: {  	s0 =	sld [smem:$0x3F8B];
	_ =	swait.ge [sflag:s4], $0x0  }
0x19: {  	s7 =	sld [smem:$0x3F8C]  }
0x1a: {  	s8 =	sadd.s32 $0xFFFFE003, lr  }
0x1b: {  	s9 =	sadd.s32 $0xFFFFFEF7, lr;
	s5 =	simm.s32 $0xFFFFFFFF;
	p2 =	slt.u32 s8, $0xFFFFF086  }
0x1c: {  	p1 =	slt.u32 s9, $0xF7A;
	s5 =	simm.s32 @!p2 $0x0  }
0x1d: {  	s5 =	simm.s32 @p1 $0x1;
	p0 =	seq.s32 s7, s2  }
0x1e: {  	s7 =	smul.u32 @!p0 $0xF7A, s2;
	p2 =	seq.s32 @!p0 s5, $0x0  }
0x1f: {  	s9 =	smul.u32 $0xF7A, s1;
	s8 =	simm.s32 @!p0 $0x1BF5;
	p2 =	por !p2, p0  }
0x20: {  	[sflag:s8] =	ssyncset.s32 @!p0 $0xFFFFF086;
	s6 =	sadd.s32 @!p0 s3, s7;
	s7 =	simm.s32 @!p0 $0x108  }
0x21: {  	s3 =	sadd.s32 s3, s9;
	s6 =	sadd.s32 @!p0 $0x88, s6;
	s7 =	simm.s32 @p2 $0x1082  }
0x22: {  	[simem:s7], [sflag:s8] =	dma.local @!p0 [hbm:s6], $0xF7A  }
0x23: {  	s9 =	sor.u32 $0xD0000000, s2;
	s6 =	simm.s32 $0x108;
	_ =	swait.ge @!p0 [sflag:s8], $0x0  }
0x24: {  	s3 =	sadd.s32 $0x88, s3;
	s6 =	simm.s32 @!p1 $0x1082;
	[sflag:s4] =	ssyncset.s32 $0xFFFFF086  }
0x25: {  	[simem:s6], [sflag:s4] =	dma.local [hbm:s3], $0xF7A  }
0x26: {  	[smem:$0x3F8C] =	sst s1;
	(tag) =	ssettag s2;
	_ =	strace s9  }
0x27: {  	s1 =	sld [smem:$0x3F9C]  }
0x28: {  	s2 =	sld [smem:$0x3F9D]  }
0x29: {  	s4 =	sld [smem:$0x3F9F]  }
0x2a: {  	p0 =	seq.s32 s5, $0x0;
	s5 =	sld [smem:$0x3FA0]  }
0x2b: {  	s6 =	sld [smem:$0x3FA1]  }
0x2c: {  	s7 =	sld [smem:$0x3FA2]  }
0x2d: {  	s3 =	simm.s32 $0x108;
	s8 =	sld [smem:$0x3FA3]  }
0x2e: {  	s3 =	simm.s32 @!p0 $0x1082;
	s9 =	sld [smem:$0x3FA4]  }
0x2f: {  	lr =	sadd.s32 s0, s3;
	s0 =	sld [smem:$0x3F9B]  }
0x30: {  	s3 =	sld [smem:$0x3F9E]  }
0x31: {  	[smem:$0x3FA7] =	sst s10  }
0x32: {  	s10 =	sld [smem:$0x3FA5];
	_ =	sdelay $0x3  }
0x33: {  	p0 =	seq.s32 s10, $0x1;
	s10 =	sld [smem:$0x3FA7];
	_ =	sdelay $0x3  }
0x34: {  	[smem:$0x3FA7] =	sst s10  }
0x35: {  	s10 =	sld [smem:$0x3FA6];
	_ =	sdelay $0x3  }
0x36: {  	p1 =	seq.s32 s10, $0x1;
	s10 =	sld [smem:$0x3FA7];
	_ =	sdelay $0x3  }
0x37: {  	[smem:$0x3FA7] =	sst s10  }
0x38: {  	s10 =	sld [smem:$0x3FA8]  }
0x39: {  	_ = 	snop;
	(pc) =	sbr.ind lr, $3  }
0x3a: {  	_ = 	snop  }
0x3b: {  	_ = 	snop  }
0x3c: {  	p2 =	seq.s32 s10, $0x1;
	s10 =	sld [smem:$0x3FA7]  }
0x3d: {  	_ =	shalt  }
0x3e: {  	_ =	shalt  }
0x3f: {  	_ =	shalt  }
0x40: {  	_ =	shalt  }
0x41: {  	_ =	shalt  }
0x42: {  	_ =	shalt  }
0x43: {  	_ =	shalt  }
0x44: {  	_ =	shalt  }
0x45: {  	_ =	shalt  }
0x46: {  	_ =	shalt  }
0x47: {  	_ =	shalt  }
0x48: {  	_ =	shalt  }
0x49: {  	_ =	shalt  }
0x4a: {  	_ =	shalt  }
0x4b: {  	_ =	shalt  }
0x4c: {  	_ =	shalt  }
0x4d: {  	_ =	shalt  }
0x4e: {  	_ =	shalt  }
0x4f: {  	_ =	shalt  }
0x50: {  	_ =	shalt  }
0x51: {  	_ =	shalt  }
0x52: {  	_ =	shalt  }
0x53: {  	_ =	shalt  }
0x54: {  	_ =	shalt  }
0x55: {  	_ =	shalt  }
0x56: {  	_ =	shalt  }
0x57: {  	_ =	shalt  }
0x58: {  	_ =	shalt  }
0x59: {  	_ =	shalt  }
0x5a: {  	_ =	shalt  }
0x5b: {  	_ =	shalt  }
0x5c: {  	_ =	shalt  }
0x5d: {  	_ =	shalt  }
0x5e: {  	_ =	shalt  }
0x5f: {  	_ =	shalt  }
0x60: {  	_ =	shalt  }
0x61: {  	_ =	shalt  }
0x62: {  	_ =	shalt  }
0x63: {  	_ =	shalt  }
0x64: {  	_ =	shalt  }
0x65: {  	_ =	shalt  }
0x66: {  	_ =	shalt  }
0x67: {  	_ =	shalt  }
0x68: {  	_ =	shalt  }
0x69: {  	_ =	shalt  }
0x6a: {  	_ =	shalt  }
0x6b: {  	_ =	shalt  }
0x6c: {  	_ =	shalt  }
0x6d: {  	_ =	shalt  }
0x6e: {  	_ =	shalt  }
0x6f: {  	_ =	shalt  }
0x70: {  	_ =	shalt  }
0x71: {  	_ =	shalt  }
0x72: {  	_ =	shalt  }
0x73: {  	_ =	shalt  }
0x74: {  	_ =	shalt  }
0x75: {  	_ =	shalt  }
0x76: {  	_ =	shalt  }
0x77: {  	_ =	shalt  }
0x78: {  	_ =	shalt  }
0x79: {  	_ =	shalt  }
0x7a: {  	_ =	shalt  }
0x7b: {  	_ =	shalt  }
0x7c: {  	_ =	shalt  }
0x7d: {  	_ =	shalt  }
0x7e: {  	_ =	shalt  }
0x7f: {  	_ =	shalt  }
0x80: {  	_ =	shalt  }
0x81: {  	_ =	shalt  }
0x82: {  	_ =	shalt  }
0x83: {  	_ =	shalt  }
0x84: {  	_ =	shalt  }
0x85: {  	_ =	shalt  }
0x86: {  	_ =	shalt  }
0x87: {  	_ =	shalt  }
.Lfunc_end0:
.L_simem_size_0:
called_computation.3_lowered:
.L_overlay_start_0:
0x88: {  	s2 =	sld [smem:$0x3FD9]  }
0x89: {  	s3 =	sld [smem:$0x3FFE];
	_ =	sdelay $0x1  }
0x8a: {  	s1 =	srdreg.scid  }
0x8b: {  	s0 =	sand.u32 $0x1, s1  }
0x8c: {  	s16 =	sshll.u32 s0, $0xA;
	s2 =	sadd.s32 s3, s2  }
0x8d: {  	s2 =	sadd.s32 s2, s16  }
0x8e: {  	[smem:$0x3FB3] =	sst s2  }
0x8f: {  	_ = 	snop  }
0x90: {  	(tm) =	ssettm $0x1  }
0x91: {  	s17 =	sld [smem:$0x3FFB];
	_ =	sdelay $0x3  }
0x92: {  	_ =	strace s17  }
0x93: {  	s2 =	sld [smem:$0x3FFC];
	_ =	sdelay $0x3  }
0x94: {  	_ =	strace s2  }
0x95: {  	s2 =	sld [smem:$0x3FFD];
	_ =	sdelay $0x3  }
0x96: {  	_ =	strace s2  }
0x97: {  	_ =	strace $0x8FFFFFFF  }
0x98: {  	s18 =	sld [smem:$0x3FDB];
	_ =	sdelay $0x1  }
0x99: {  	s19 =	simm.s32 $_scs_section_size  }
0x9a: {  	s4 =	simm.s32 $_size__tile_overlayer_lowered;
	s5 =	simm.s32 $_tile_overlayer_lowered  }
0x9b: {  	s22 =	simm.s32 $0x1BFF;
	s21 =	sshll.u32 s5, $0x1;
	s2 =	sadd.s32 s19, s18  }
0x9c: {  	s6 =	simm.s32 $0x0;
	s20 =	sshll.u32 s4, $0x1;
	s4 =	sadd.s32 s21, s2  }
0x9d: {  	[timem:s6], [sflag:s22] =	dma.local [hbm:s4], s20  }
0x9e: {  	_ =	swait.ge [sflag:s22], s20  }
0x9f: {  	s3 =	ssub.s32 $0x0, s20;
	[sflag:s22] =	ssyncset.done $0x0  }
0xa0: {  	[sflag:s22] =	ssyncadd.s32 s3;
	_ =	sdelay $0x1  }
0xa1: {  	s23 =	simm.s32 $0x1B8B  }
0xa2: {  	_ =	swait.ge [sflag:s23], $0x1  }
0xa3: {  	[sflag:s23] =	ssyncset.done $0x0  }
0xa4: {  	s25 =	simm.s32 $0x1B8E;
	s24 =	sld [smem:$0x3FFE];
	[sflag:s23] =	ssyncadd.s32 $0xFFFFFFFF  }
0xa5: {  	s26 =	simm.s32 $execute0_lowered;
	[smem:$0x3FD2] =	sst s25  }
0xa6: {  	s4 =	sshll.u32 s26, $0x1;
	_ =	strace $0x8000004F;
	[dreg:$0x1] =	wrdreg $0xFFFFFFFF  }
0xa7: {  	s28 =	simm.s32 $_size_execute0_lowered;
	s2 =	sadd.s32 s2, s4;
	[dreg:$0x0] =	wrdreg $0x0  }
0xa8: {  	s4 =	sshll.u32 s28, $0x1;
	[dreg:$0x2] =	wrdreg s2  }
0xa9: {  	[dreg:$0x3] =	wrdreg s4  }
0xaa: {  	[dreg:$0x4] =	wrdreg $0xC0  }
0xab: {  	_ =	task [dreg:s6], $0x5FFFF  }
0xac: {  	[dreg:$0x1] =	wrdreg $0xFFFFFFFF  }
0xad: {  	[dreg:$0x0] =	wrdreg $0x60  }
0xae: {  	[dreg:$0x2] =	wrdreg s24  }
0xaf: {  	[dreg:$0x3] =	wrdreg $0x12D000  }
0xb0: {  	[dreg:$0x4] =	wrdreg $0x9  }
0xb1: {  	_ =	task.clear_ibuf [dreg:s6], $0x5FFFF;
	_ =	strace $0x9000004F  }
0xb2: {  	s29 =	simm.s32 $0x9;
	_ =	strace $0x80000051  }
0xb3: {  	_ =	swait.ge [sflag:s29], $0x1  }
0xb4: {  	[sflag:s29] =	ssyncadd.s32 $0xFFFFFFFF  }
0xb5: {  	_ =	strace $0x90000051  }
0xb6: {  	_ =	sfence  }
0xb7: {  	s30 =	sld [smem:$0x0];
	_ =	sdelay $0x2  }
0xb8: {  	s31 =	sshll.u32 s1, $0xD;
	s1 =	sshrl.u32 s1, $0x2  }
0xb9: {  	s3 =	sand.u32 $0x4000, s31;
	s1 =	sadd.s32 s1, s30  }
0xba: {  	s0 =	sor.u32 s3, s0;
	s1 =	sshll.u32 s1, $0x11  }
0xbb: {  	s0 =	sor.u32 s1, s0  }
0xbc: {  	s0 =	sadd.s32 $0x8F2B, s0  }
0xbd: {  	[sflag:s0] =	ssyncadd.remote.s32 $0x1  }
0xbe: {  	_ =	sfence.sel $0xFFFF  }
0xbf: {  	[dreg:$0x0] =	wrdreg $0xFFFFFFFF;
	(pc) =	sbr.abs _section_cstart, $3  }
0xc0: {  	[dreg:$0x1] =	wrdreg $0xFFFFFFFF  }
0xc1: {  	_ =	task.clear_ibuf [dreg:s6], $0x2FFFF;
	_ =	strace $0x9FFFFFFF  }
0xc2: {  	(tm) =	ssettm $0x7FFFFFFF  }
0xc3: {  	_ =	shalt  }
tec
execute0_lowered:
.L_overlay_start_1:
0x0: {  	(tag) =	ssettag $0x1  }
0x1: {  	s6 =	rddreg [dreg:$0x0]  }
0x2: {  	s0 =	srdreg.scid;
	s2 =	rddreg [dreg:$0x1]  }
0x3: {  	s3 =	simm.s32 $0x0;
	s14 =	simm.s32 $0x80;
	s15 =	simm.s32 $0x4F00  }
0x4: {  	s16 =	simm.s32 $0x6F00;
	s17 =	simm.s32 $0x1;
	s18 =	simm.s32 $0x2  }
0x5: {  	s19 =	simm.s32 $0x4E80;
	s20 =	simm.s32 $0x0;
	s5 =	sand.u32 $0x1, s0  }
0x6: {  	s0 =	stileid.u32;
	[smem:$0x7FF] =	sst s3;
	s4 =	sadd.s32 $0x21600, s6  }
0x7: {  	s1 =	sshll.u32 s5, $0x4;
	s9 =	smul.u32 $0x9E000, s5;
	s5 =	ssub.s32 $0x2, s5  }
0x8: {  	s8 =	smul.u32 $0x9E00, s0;
	s1 =	sor.u32 s0, s1;
	s31 =	sshrl.u32 s5, $0x1  }
0x9: {  	s7 =	smul.u32 $0x4F0, s1;
	s1 =	rddreg [dreg:$0x2];
	_ =	strace $0x80000050  }
0xa: {  	s30 =	sadd.s32 s8, s9;
	s11 =	sshrl.u32 s8, $0x3;
	s13 =	ssub.s32 s5, s31  }
0xb: {  	s5 =	sadd.s32 s4, s11;
	s10 =	sadd.s32 s7, s6;
	s7 =	sshrl.u32 s30, $0x3  }
0xc: {  	s11 =	simm.s32 $0x8F00;
	s12 =	sadd.s32 s7, s6;
	s6 =	sadd.s32 s8, s2  }
0xd: {  	s7 =	sadd.s32 $0x17800, s10;
	s8 =	sadd.s32 $0x3C00, s10;
	s10 =	smax.u32 s13, $0x1  }
0xe: {  	s13 =	simm.s32 $0x2780;
	s9 =	sadd.s32 $0x35200, s12;
	s12 =	simm.s32 $0x3  }
.LBB2_1:
0xf: {  	[tilespmem:s11], [sflag:$0x3] =	stream.linear.gather [hbm4b:s5+s3], $0x9E00, $0x38;
	[tilespmem:$0x1CB00] =	vst v63  }
0x10: {  	_ =	swait.ge [sflag:s12], $0x9E00  }
0x11: {  	[sflag:s12] =	ssyncset.done $0x0  }
0x12: {  	[sflag:s12] =	ssyncadd.s32 $0xFFFF6200  }
0x13: {  	[spmem:s6] =	stream.linear.scatter [tilespmem:s11], [sflag:$0x3], $0x9E00, $0x38;
	[tilespmem:$0x1CB00] =	vst v63  }
0x14: {  	_ =	swait.ge [sflag:s12], $0x9E00  }
0x15: {  	[sflag:s12] =	ssyncset.done $0x0  }
0x16: {  	[sflag:s12] =	ssyncadd.s32 $0xFFFF6200  }
0x17: {  	[tilespmem:s3], [sflag:$0x3] =	stream.linear.gather [hbm4b:s7+s3], $0x2780, $0x38;
	[tilespmem:$0x1CB00] =	vst v63  }
0x18: {  	_ =	swait.ge [sflag:s12], $0x2780  }
0x19: {  	[sflag:s12] =	ssyncset.done $0x0  }
0x1a: {  	[sflag:s12] =	ssyncadd.s32 $0xFFFFD880  }
0x1b: {  	[tilespmem:s13], [sflag:$0x3] =	stream.linear.gather [hbm4b:s8+s3], $0x2780, $0x38;
	[tilespmem:$0x1CB00] =	vst v63  }
0x1c: {  	_ =	swait.ge [sflag:s12], $0x2780  }
0x1d: {  	[sflag:s12] =	ssyncset.done $0x0  }
0x1e: {  	[sflag:s12] =	ssyncadd.s32 $0xFFFFD880  }
0x1f: {  	[bflag:$0x0] =	sbarrier.arrive $0xFFFF  }
0x20: {  	[tilespmem:s15], [sflag:$0x1] =	stream.indirect.gather [hbm4b:s4+s14], $0x40, s3, s14, $0xb8;
	[tilespmem:$0x1CB00] =	vst v63  }
0x21: {  	s21 =	simm.s32 $0x80  }
0x22: {  	[tilespmem:s16], [sflag:$0x2] =	stream.indirect.gather [hbm4b:s4+s14], $0x40, s21, s14, $0xb8;
	[tilespmem:$0x1CB00] =	vst v63  }
0x23: {  	_ =	swait.ge [sflag:s17], $0x2000  }
0x24: {  	[sflag:s17] =	ssyncset.done $0x0  }
0x25: {  	s29 =	simm.s32 $0x2780;
	[sflag:s17] =	ssyncadd.s32 $0xFFFFE000  }
0x26: {  	[spmem:s2] =	stream.indirect.scatter.add.f32 [tilespmem:s15], [sflag:$0x3], $0x40, s29, s14, $0xb8;
	[tilespmem:$0x1CB00] =	vst v63  }
0x27: {  	_ =	swait.ge [sflag:s12], $0x2000  }
0x28: {  	[sflag:s12] =	ssyncset.done $0x0  }
0x29: {  	s30 =	simm.s32 $0x100;
	[sflag:s12] =	ssyncadd.s32 $0xFFFFE000  }
0x2a: {  	[tilespmem:s15], [sflag:$0x1] =	stream.indirect.gather [hbm4b:s4+s14], $0x40, s30, s14, $0xb8;
	[tilespmem:$0x1CB00] =	vst v63  }
0x2b: {  	_ =	swait.ge [sflag:s18], $0x2000  }
0x2c: {  	[sflag:s18] =	ssyncset.done $0x0  }
0x2d: {  	s31 =	simm.s32 $0x2800;
	[sflag:s18] =	ssyncadd.s32 $0xFFFFE000  }
0x2e: {  	[spmem:s2] =	stream.indirect.scatter.add.f32 [tilespmem:s16], [sflag:$0x3], $0x40, s31, s14, $0xb8;
	[tilespmem:$0x1CB00] =	vst v63  }
0x2f: {  	_ =	swait.ge [sflag:s12], $0x2000  }
0x30: {  	s22 =	simm.s32 $0x800;
	s21 =	simm.s32 $0x100;
	[sflag:s12] =	ssyncset.done $0x0  }
.LBB2_2:
0x31: {  	s23 =	sadd.s32 $0x80, s21  }
0x32: {  	[sflag:s12] =	ssyncadd.s32 $0xFFFFE000;
	s24 =	smov.u32 s22;
	s25 =	sadd.s32 $0x400, s22  }
0x33: {  	[tilespmem:s16], [sflag:$0x2] =	stream.indirect.gather [hbm4b:s4+s14], $0x40, s23, s14, $0xb8;
	[tilespmem:$0x1CB00] =	vst v63  }
0x34: {  	p0 =	sne.s32 s22, $0x9800;
	_ =	swait.ge [sflag:s17], $0x2000  }
0x35: {  	[sflag:s17] =	ssyncset.done $0x0  }
0x36: {  	s22 =	sadd.s32 $0x2780, s21;
	[sflag:s17] =	ssyncadd.s32 $0xFFFFE000  }
0x37: {  	[spmem:s2] =	stream.indirect.scatter.add.f32 [tilespmem:s15], [sflag:$0x3], $0x40, s22, s14, $0xb8;
	[tilespmem:$0x1CB00] =	vst v63  }
0x38: {  	_ =	swait.ge [sflag:s12], $0x2000  }
0x39: {  	[sflag:s12] =	ssyncset.done $0x0  }
0x3a: {  	s22 =	sadd.s32 $0x100, s21;
	[sflag:s12] =	ssyncadd.s32 $0xFFFFE000  }
0x3b: {  	[tilespmem:s15], [sflag:$0x1] =	stream.indirect.gather [hbm4b:s4+s14], $0x40, s22, s14, $0xb8;
	[tilespmem:$0x1CB00] =	vst v63  }
0x3c: {  	_ =	swait.ge [sflag:s18], $0x2000  }
.Ltmp0:
0x3d: {  	[sflag:s18] =	ssyncset.done $0x0;
	(pc) =	sbr.rel @p0 .LBB2_2-.Ltmp0, $4  }
0x3e: {  	s21 =	sadd.s32 $0x2800, s21;
	[sflag:s18] =	ssyncadd.s32 $0xFFFFE000  }
0x3f: {  	[spmem:s2] =	stream.indirect.scatter.add.f32 [tilespmem:s16], [sflag:$0x3], $0x40, s21, s14, $0xb8;
	[tilespmem:$0x1CB00] =	vst v63  }
0x40: {  	_ =	swait.ge [sflag:s12], $0x2000  }
0x41: {  	s22 =	smov.u32 s25;
	s21 =	sshra.s32 s24, $0x2;
	[sflag:s12] =	ssyncset.done $0x0  }
0x42: {  	s22 =	sadd.s32 $0x80, s21;
	[sflag:s12] =	ssyncadd.s32 $0xFFFFE000  }
0x43: {  	[tilespmem:s16], [sflag:$0x2] =	stream.indirect.gather [hbm4b:s4+s14], $0x40, s22, s14, $0xb8;
	[tilespmem:$0x1CB00] =	vst v63  }
0x44: {  	_ =	swait.ge [sflag:s17], $0x2000  }
0x45: {  	[sflag:s17] =	ssyncset.done $0x0  }
0x46: {  	s29 =	sadd.s32 $0x2780, s21;
	[sflag:s17] =	ssyncadd.s32 $0xFFFFE000  }
0x47: {  	[spmem:s2] =	stream.indirect.scatter.add.f32 [tilespmem:s15], [sflag:$0x3], $0x40, s29, s14, $0xb8;
	[tilespmem:$0x1CB00] =	vst v63  }
0x48: {  	_ =	swait.ge [sflag:s12], $0x2000  }
0x49: {  	[sflag:s12] =	ssyncset.done $0x0  }
0x4a: {  	s30 =	sadd.s32 $0x100, s21;
	[sflag:s12] =	ssyncadd.s32 $0xFFFFE000  }
0x4b: {  	[tilespmem:s15], [sflag:$0x1] =	stream.indirect.gather [hbm4b:s4+s14], $0x40, s30, s14, $0xb8;
	[tilespmem:$0x1CB00] =	vst v63  }
0x4c: {  	_ =	swait.ge [sflag:s18], $0x2000  }
0x4d: {  	[sflag:s18] =	ssyncset.done $0x0  }
0x4e: {  	s31 =	sadd.s32 $0x2800, s21;
	[sflag:s18] =	ssyncadd.s32 $0xFFFFE000  }
0x4f: {  	[spmem:s2] =	stream.indirect.scatter.add.f32 [tilespmem:s16], [sflag:$0x3], $0x40, s31, s14, $0xb8;
	[tilespmem:$0x1CB00] =	vst v63  }
0x50: {  	_ =	swait.ge [sflag:s12], $0x2000  }
0x51: {  	[sflag:s12] =	ssyncset.done $0x0  }
0x52: {  	[sflag:s12] =	ssyncadd.s32 $0xFFFFE000  }
0x53: {  	_ =	swait.ge [sflag:s17], $0x2000  }
0x54: {  	[sflag:s17] =	ssyncset.done $0x0  }
0x55: {  	[sflag:s17] =	ssyncadd.s32 $0xFFFFE000  }
0x56: {  	[spmem:s2] =	stream.indirect.scatter.add.f32 [tilespmem:s15], [sflag:$0x3], $0x40, s19, s14, $0xb8;
	[tilespmem:$0x1CB00] =	vst v63  }
0x57: {  	_ =	swait.ge [sflag:s12], $0x2000  }
0x58: {  	[sflag:s12] =	ssyncset.done $0x0  }
0x59: {  	[sflag:s12] =	ssyncadd.s32 $0xFFFFE000  }
0x5a: {  	[bflag:$0x0] =	sbarrier.arrive $0xFFFF  }
0x5b: {  	[tilespmem:s11], [sflag:$0x3] =	stream.linear.gather [spmem:s6], $0x9E00, $0x38;
	[tilespmem:$0x1CB00] =	vst v63  }
0x5c: {  	s20 =	sadd.s32 $0x1, s20;
	_ =	swait.ge [sflag:s12], $0x9E00  }
0x5d: {  	p0 =	sne.s32 s20, s10;
	[sflag:s12] =	ssyncset.done $0x0  }
.Ltmp1:
0x5e: {  	[sflag:s12] =	ssyncadd.s32 $0xFFFF6200;
	(pc) =	sbr.rel @p0 .LBB2_1-.Ltmp1, $4  }
0x5f: {  	[hbm4b:s9+s3] =	stream.linear.scatter [tilespmem:s11], [sflag:$0x3], $0x9E00, $0x38;
	[tilespmem:$0x1CB00] =	vst v63  }
0x60: {  	_ =	swait.ge [sflag:s12], $0x9E00  }
0x61: {  	[sflag:s12] =	ssyncset.done $0x0  }
0x62: {  	[sflag:s12] =	ssyncadd.s32 $0xFFFF6200  }
0x63: {  	_ =	sfence.sel $0x180000  }
0x64: {  	[bflag:$0x0] =	sbarrier.arrive $0xFFFF  }
0x65: {  	p0 =	sne.s32 s0, $0x0;
	_ =	strace $0x90000050  }
0x66: {  	s0 =	sadd.s32 @!p0 $0x100000, s1;
	[bflag:$0x2] =	sbarrier.arrive $0xFFFF  }
0x67: {  	[sflag:s0] =	ssyncadd.tile.s32 @!p0 $0x1;
	_ =	shalt  }
.Lfunc_end2:
_tile_overlayer_lowered:
.L_overlay_start_2:
0x68: {  	(tag) =	ssettag $0x2  }
0x69: {  	s0 =	rddreg [dreg:$0x0];
	s2 =	stileid.u32  }
0x6a: {  	s1 =	rddreg [dreg:$0x1];
	p0 =	sne.s32 s2, $0x0  }
0x6b: {  	s3 =	rddreg [dreg:$0x2];
	[bflag:$0x3] =	sbarrier.arrive $0xFFFF;
	s2 =	simm.s32 @!p0 $0x1C03  }
0x6c: {  	[timem:s3], [sflag:s2] =	dma.local @!p0 [hbm:s0], s1  }
0x6d: {  	s0 =	simm.s32 @!p0 $0x3  }
0x6e: {  	_ =	swait.ge @!p0 [sflag:s0], s1  }
0x6f: {  	s1 =	ssub.s32 @!p0 $0x0, s1;
	[sflag:s0] =	ssyncset.done @!p0 $0x0  }
0x70: {  	[sflag:s0] =	ssyncadd.s32 @!p0 s1  }
0x71: {  	[bflag:$0x3] =	sbarrier.arrive $0xFFFF  }
0x72: {  	_ =	shalt  }

// kernel: kernel.24.cloned.1.call-start
scs
__scs_entry_jumppad:
0x0: {  	(pc) =	sbr.rel $0x88, $3  }
0x1: {  	(tag) =	ssettag $0x0;
	lr =	simm.s32 $0x1  }
0x2: {  	[smem:$0x3F8C] =	sst lr;
	_ =	strace $0xD0000000  }
0x3: {  	_ = 	snop  }
0x4: {  	_ = 	snop  }
0x5: {  	_ = 	snop  }
0x6: {  	_ = 	snop  }
0x7: {  	_ = 	snop  }
__scs_overlays_trampoline_lowered:
0x8: {  	[smem:$0x3F9B] =	sst s0  }
0x9: {  	[smem:$0x3F9C] =	sst s1  }
0xa: {  	[smem:$0x3F9D] =	sst s2  }
0xb: {  	[smem:$0x3F9E] =	sst s3  }
0xc: {  	[smem:$0x3F9F] =	sst s4  }
0xd: {  	[smem:$0x3FA0] =	sst s5  }
0xe: {  	[smem:$0x3FA1] =	sst s6  }
0xf: {  	[smem:$0x3FA2] =	sst s7  }
0x10: {  	[smem:$0x3FA3] =	sst s8  }
0x11: {  	[smem:$0x3FA4] =	sst s9;
	s0 =	simm.s32 @!p0 $0x0  }
0x12: {  	s1 =	sld [smem:$0x3F8A];
	s0 =	simm.s32 @p0 $0x1  }
0x13: {  	[smem:$0x3FA5] =	sst s0;
	s0 =	simm.s32 @!p1 $0x0  }
0x14: {  	s2 =	sld [smem:$0x3F89];
	s0 =	simm.s32 @p1 $0x1  }
0x15: {  	[smem:$0x3FA6] =	sst s0;
	s0 =	simm.s32 @!p2 $0x0  }
0x16: {  	s3 =	sld [smem:$0x3FDB];
	s0 =	simm.s32 @p2 $0x1  }
0x17: {  	s4 =	simm.s32 $0x1BF5;
	[smem:$0x3FA8] =	sst s0  }
0x18: {  	s0 =	sld [smem:$0x3F8B];
	_ =	swait.ge [sflag:s4], $0x0  }
0x19: {  	s7 =	sld [smem:$0x3F8C]  }
0x1a: {  	s8 =	sadd.s32 $0xFFFFE003, lr  }
0x1b: {  	s9 =	sadd.s32 $0xFFFFFEF7, lr;
	s5 =	simm.s32 $0xFFFFFFFF;
	p2 =	slt.u32 s8, $0xFFFFF086  }
0x1c: {  	p1 =	slt.u32 s9, $0xF7A;
	s5 =	simm.s32 @!p2 $0x0  }
0x1d: {  	s5 =	simm.s32 @p1 $0x1;
	p0 =	seq.s32 s7, s2  }
0x1e: {  	s7 =	smul.u32 @!p0 $0xF7A, s2;
	p2 =	seq.s32 @!p0 s5, $0x0  }
0x1f: {  	s9 =	smul.u32 $0xF7A, s1;
	s8 =	simm.s32 @!p0 $0x1BF5;
	p2 =	por !p2, p0  }
0x20: {  	[sflag:s8] =	ssyncset.s32 @!p0 $0xFFFFF086;
	s6 =	sadd.s32 @!p0 s3, s7;
	s7 =	simm.s32 @!p0 $0x108  }
0x21: {  	s3 =	sadd.s32 s3, s9;
	s6 =	sadd.s32 @!p0 $0x88, s6;
	s7 =	simm.s32 @p2 $0x1082  }
0x22: {  	[simem:s7], [sflag:s8] =	dma.local @!p0 [hbm:s6], $0xF7A  }
0x23: {  	s9 =	sor.u32 $0xD0000000, s2;
	s6 =	simm.s32 $0x108;
	_ =	swait.ge @!p0 [sflag:s8], $0x0  }
0x24: {  	s3 =	sadd.s32 $0x88, s3;
	s6 =	simm.s32 @!p1 $0x1082;
	[sflag:s4] =	ssyncset.s32 $0xFFFFF086  }
0x25: {  	[simem:s6], [sflag:s4] =	dma.local [hbm:s3], $0xF7A  }
0x26: {  	[smem:$0x3F8C] =	sst s1;
	(tag) =	ssettag s2;
	_ =	strace s9  }
0x27: {  	s1 =	sld [smem:$0x3F9C]  }
0x28: {  	s2 =	sld [smem:$0x3F9D]  }
0x29: {  	s4 =	sld [smem:$0x3F9F]  }
0x2a: {  	p0 =	seq.s32 s5, $0x0;
	s5 =	sld [smem:$0x3FA0]  }
0x2b: {  	s6 =	sld [smem:$0x3FA1]  }
0x2c: {  	s7 =	sld [smem:$0x3FA2]  }
0x2d: {  	s3 =	simm.s32 $0x108;
	s8 =	sld [smem:$0x3FA3]  }
0x2e: {  	s3 =	simm.s32 @!p0 $0x1082;
	s9 =	sld [smem:$0x3FA4]  }
0x2f: {  	lr =	sadd.s32 s0, s3;
	s0 =	sld [smem:$0x3F9B]  }
0x30: {  	s3 =	sld [smem:$0x3F9E]  }
0x31: {  	[smem:$0x3FA7] =	sst s10  }
0x32: {  	s10 =	sld [smem:$0x3FA5];
	_ =	sdelay $0x3  }
0x33: {  	p0 =	seq.s32 s10, $0x1;
	s10 =	sld [smem:$0x3FA7];
	_ =	sdelay $0x3  }
0x34: {  	[smem:$0x3FA7] =	sst s10  }
0x35: {  	s10 =	sld [smem:$0x3FA6];
	_ =	sdelay $0x3  }
0x36: {  	p1 =	seq.s32 s10, $0x1;
	s10 =	sld [smem:$0x3FA7];
	_ =	sdelay $0x3  }
0x37: {  	[smem:$0x3FA7] =	sst s10  }
0x38: {  	s10 =	sld [smem:$0x3FA8]  }
0x39: {  	_ = 	snop;
	(pc) =	sbr.ind lr, $3  }
0x3a: {  	_ = 	snop  }
0x3b: {  	_ = 	snop  }
0x3c: {  	p2 =	seq.s32 s10, $0x1;
	s10 =	sld [smem:$0x3FA7]  }
0x3d: {  	_ =	shalt  }
0x3e: {  	_ =	shalt  }
0x3f: {  	_ =	shalt  }
0x40: {  	_ =	shalt  }
0x41: {  	_ =	shalt  }
0x42: {  	_ =	shalt  }
0x43: {  	_ =	shalt  }
0x44: {  	_ =	shalt  }
0x45: {  	_ =	shalt  }
0x46: {  	_ =	shalt  }
0x47: {  	_ =	shalt  }
0x48: {  	_ =	shalt  }
0x49: {  	_ =	shalt  }
0x4a: {  	_ =	shalt  }
0x4b: {  	_ =	shalt  }
0x4c: {  	_ =	shalt  }
0x4d: {  	_ =	shalt  }
0x4e: {  	_ =	shalt  }
0x4f: {  	_ =	shalt  }
0x50: {  	_ =	shalt  }
0x51: {  	_ =	shalt  }
0x52: {  	_ =	shalt  }
0x53: {  	_ =	shalt  }
0x54: {  	_ =	shalt  }
0x55: {  	_ =	shalt  }
0x56: {  	_ =	shalt  }
0x57: {  	_ =	shalt  }
0x58: {  	_ =	shalt  }
0x59: {  	_ =	shalt  }
0x5a: {  	_ =	shalt  }
0x5b: {  	_ =	shalt  }
0x5c: {  	_ =	shalt  }
0x5d: {  	_ =	shalt  }
0x5e: {  	_ =	shalt  }
0x5f: {  	_ =	shalt  }
0x60: {  	_ =	shalt  }
0x61: {  	_ =	shalt  }
0x62: {  	_ =	shalt  }
0x63: {  	_ =	shalt  }
0x64: {  	_ =	shalt  }
0x65: {  	_ =	shalt  }
0x66: {  	_ =	shalt  }
0x67: {  	_ =	shalt  }
0x68: {  	_ =	shalt  }
0x69: {  	_ =	shalt  }
0x6a: {  	_ =	shalt  }
0x6b: {  	_ =	shalt  }
0x6c: {  	_ =	shalt  }
0x6d: {  	_ =	shalt  }
0x6e: {  	_ =	shalt  }
0x6f: {  	_ =	shalt  }
0x70: {  	_ =	shalt  }
0x71: {  	_ =	shalt  }
0x72: {  	_ =	shalt  }
0x73: {  	_ =	shalt  }
0x74: {  	_ =	shalt  }
0x75: {  	_ =	shalt  }
0x76: {  	_ =	shalt  }
0x77: {  	_ =	shalt  }
0x78: {  	_ =	shalt  }
0x79: {  	_ =	shalt  }
0x7a: {  	_ =	shalt  }
0x7b: {  	_ =	shalt  }
0x7c: {  	_ =	shalt  }
0x7d: {  	_ =	shalt  }
0x7e: {  	_ =	shalt  }
0x7f: {  	_ =	shalt  }
0x80: {  	_ =	shalt  }
0x81: {  	_ =	shalt  }
0x82: {  	_ =	shalt  }
0x83: {  	_ =	shalt  }
0x84: {  	_ =	shalt  }
0x85: {  	_ =	shalt  }
0x86: {  	_ =	shalt  }
0x87: {  	_ =	shalt  }
.Lfunc_end0:
.L_simem_size_0:
called_computation.4_lowered:
.L_overlay_start_0:
0x88: {  	s2 =	sld [smem:$0x3FD9]  }
0x89: {  	s3 =	sld [smem:$0x3FFE];
	_ =	sdelay $0x1  }
0x8a: {  	s1 =	srdreg.scid  }
0x8b: {  	s0 =	sand.u32 $0x1, s1  }
0x8c: {  	s16 =	sshll.u32 s0, $0xA;
	s2 =	sadd.s32 s3, s2  }
0x8d: {  	s2 =	sadd.s32 s2, s16  }
0x8e: {  	[smem:$0x3FB3] =	sst s2  }
0x8f: {  	_ = 	snop  }
0x90: {  	(tm) =	ssettm $0x1  }
0x91: {  	s17 =	sld [smem:$0x3FFB];
	_ =	sdelay $0x3  }
0x92: {  	_ =	strace s17  }
0x93: {  	s2 =	sld [smem:$0x3FFC];
	_ =	sdelay $0x3  }
0x94: {  	_ =	strace s2  }
0x95: {  	s2 =	sld [smem:$0x3FFD];
	_ =	sdelay $0x3  }
0x96: {  	_ =	strace s2  }
0x97: {  	_ =	strace $0x8FFFFFFF  }
0x98: {  	s18 =	sld [smem:$0x3FDB];
	_ =	sdelay $0x1  }
0x99: {  	s19 =	simm.s32 $_scs_section_size  }
0x9a: {  	s4 =	simm.s32 $_size__tile_overlayer_lowered;
	s5 =	simm.s32 $_tile_overlayer_lowered  }
0x9b: {  	s22 =	simm.s32 $0x1BFF;
	s21 =	sshll.u32 s5, $0x1;
	s2 =	sadd.s32 s19, s18  }
0x9c: {  	s6 =	simm.s32 $0x0;
	s20 =	sshll.u32 s4, $0x1;
	s4 =	sadd.s32 s21, s2  }
0x9d: {  	[timem:s6], [sflag:s22] =	dma.local [hbm:s4], s20  }
0x9e: {  	_ =	swait.ge [sflag:s22], s20  }
0x9f: {  	s3 =	ssub.s32 $0x0, s20;
	[sflag:s22] =	ssyncset.done $0x0  }
0xa0: {  	[sflag:s22] =	ssyncadd.s32 s3;
	_ =	sdelay $0x1  }
0xa1: {  	s23 =	simm.s32 $0x1B8B  }
0xa2: {  	_ =	swait.ge [sflag:s23], $0x1  }
0xa3: {  	[sflag:s23] =	ssyncset.done $0x0  }
0xa4: {  	s25 =	simm.s32 $0x1B8E;
	s24 =	sld [smem:$0x3FFE];
	[sflag:s23] =	ssyncadd.s32 $0xFFFFFFFF  }
0xa5: {  	s26 =	simm.s32 $execute0_lowered;
	[smem:$0x3FD2] =	sst s25  }
0xa6: {  	s4 =	sshll.u32 s26, $0x1;
	_ =	strace $0x80000052;
	[dreg:$0x1] =	wrdreg $0xFFFFFFFF  }
0xa7: {  	s28 =	simm.s32 $_size_execute0_lowered;
	s2 =	sadd.s32 s2, s4;
	[dreg:$0x0] =	wrdreg $0x0  }
0xa8: {  	s4 =	sshll.u32 s28, $0x1;
	[dreg:$0x2] =	wrdreg s2  }
0xa9: {  	[dreg:$0x3] =	wrdreg s4  }
0xaa: {  	[dreg:$0x4] =	wrdreg $0xC0  }
0xab: {  	_ =	task [dreg:s6], $0x5FFFF  }
0xac: {  	[dreg:$0x1] =	wrdreg $0xFFFFFFFF  }
0xad: {  	[dreg:$0x0] =	wrdreg $0x60  }
0xae: {  	[dreg:$0x2] =	wrdreg s24  }
0xaf: {  	[dreg:$0x3] =	wrdreg $0x12D000  }
0xb0: {  	[dreg:$0x4] =	wrdreg $0x9  }
0xb1: {  	_ =	task.clear_ibuf [dreg:s6], $0x5FFFF;
	_ =	strace $0x90000052  }
0xb2: {  	s29 =	simm.s32 $0x9;
	_ =	strace $0x80000054  }
0xb3: {  	_ =	swait.ge [sflag:s29], $0x1  }
0xb4: {  	[sflag:s29] =	ssyncadd.s32 $0xFFFFFFFF  }
0xb5: {  	_ =	strace $0x90000054  }
0xb6: {  	_ =	sfence  }
0xb7: {  	s30 =	sld [smem:$0x0];
	_ =	sdelay $0x2  }
0xb8: {  	s31 =	sshll.u32 s1, $0xD;
	s1 =	sshrl.u32 s1, $0x2  }
0xb9: {  	s3 =	sand.u32 $0x4000, s31;
	s1 =	sadd.s32 s1, s30  }
0xba: {  	s0 =	sor.u32 s3, s0;
	s1 =	sshll.u32 s1, $0x11  }
0xbb: {  	s0 =	sor.u32 s1, s0  }
0xbc: {  	s0 =	sadd.s32 $0x8F2B, s0  }
0xbd: {  	[sflag:s0] =	ssyncadd.remote.s32 $0x1  }
0xbe: {  	_ =	sfence.sel $0xFFFF  }
0xbf: {  	[dreg:$0x0] =	wrdreg $0xFFFFFFFF;
	(pc) =	sbr.abs _section_cstart, $3  }
0xc0: {  	[dreg:$0x1] =	wrdreg $0xFFFFFFFF  }
0xc1: {  	_ =	task.clear_ibuf [dreg:s6], $0x2FFFF;
	_ =	strace $0x9FFFFFFF  }
0xc2: {  	(tm) =	ssettm $0x7FFFFFFF  }
0xc3: {  	_ =	shalt  }
tec
execute0_lowered:
.L_overlay_start_1:
0x0: {  	(tag) =	ssettag $0x1  }
0x1: {  	s6 =	rddreg [dreg:$0x0]  }
0x2: {  	s0 =	srdreg.scid;
	s2 =	rddreg [dreg:$0x1]  }
0x3: {  	s3 =	simm.s32 $0x0;
	s14 =	simm.s32 $0x80;
	s15 =	simm.s32 $0x4F00  }
0x4: {  	s16 =	simm.s32 $0x6F00;
	s17 =	simm.s32 $0x1;
	s18 =	simm.s32 $0x2  }
0x5: {  	s19 =	simm.s32 $0x4E80;
	s20 =	simm.s32 $0x0;
	s5 =	sand.u32 $0x1, s0  }
0x6: {  	s0 =	stileid.u32;
	[smem:$0x7FF] =	sst s3;
	s4 =	sadd.s32 $0x21600, s6  }
0x7: {  	s1 =	sshll.u32 s5, $0x4;
	s9 =	smul.u32 $0x9E000, s5;
	s5 =	ssub.s32 $0x2, s5  }
0x8: {  	s8 =	smul.u32 $0x9E00, s0;
	s1 =	sor.u32 s0, s1;
	s31 =	sshrl.u32 s5, $0x1  }
0x9: {  	s7 =	smul.u32 $0x4F0, s1;
	s1 =	rddreg [dreg:$0x2];
	_ =	strace $0x80000053  }
0xa: {  	s30 =	sadd.s32 s8, s9;
	s11 =	sshrl.u32 s8, $0x3;
	s13 =	ssub.s32 s5, s31  }
0xb: {  	s5 =	sadd.s32 s4, s11;
	s10 =	sadd.s32 s7, s6;
	s7 =	sshrl.u32 s30, $0x3  }
0xc: {  	s11 =	simm.s32 $0x8F00;
	s12 =	sadd.s32 s7, s6;
	s6 =	sadd.s32 s8, s2  }
0xd: {  	s7 =	sadd.s32 $0x17800, s10;
	s8 =	sadd.s32 $0x3C00, s10;
	s10 =	smax.u32 s13, $0x1  }
0xe: {  	s13 =	simm.s32 $0x2780;
	s9 =	sadd.s32 $0x35200, s12;
	s12 =	simm.s32 $0x3  }
.LBB2_1:
0xf: {  	[tilespmem:s11], [sflag:$0x3] =	stream.linear.gather [hbm4b:s5+s3], $0x9E00, $0x38;
	[tilespmem:$0x1CB00] =	vst v63  }
0x10: {  	_ =	swait.ge [sflag:s12], $0x9E00  }
0x11: {  	[sflag:s12] =	ssyncset.done $0x0  }
0x12: {  	[sflag:s12] =	ssyncadd.s32 $0xFFFF6200  }
0x13: {  	[spmem:s6] =	stream.linear.scatter [tilespmem:s11], [sflag:$0x3], $0x9E00, $0x38;
	[tilespmem:$0x1CB00] =	vst v63  }
0x14: {  	_ =	swait.ge [sflag:s12], $0x9E00  }
0x15: {  	[sflag:s12] =	ssyncset.done $0x0  }
0x16: {  	[sflag:s12] =	ssyncadd.s32 $0xFFFF6200  }
0x17: {  	[tilespmem:s3], [sflag:$0x3] =	stream.linear.gather [hbm4b:s7+s3], $0x2780, $0x38;
	[tilespmem:$0x1CB00] =	vst v63  }
0x18: {  	_ =	swait.ge [sflag:s12], $0x2780  }
0x19: {  	[sflag:s12] =	ssyncset.done $0x0  }
0x1a: {  	[sflag:s12] =	ssyncadd.s32 $0xFFFFD880  }
0x1b: {  	[tilespmem:s13], [sflag:$0x3] =	stream.linear.gather [hbm4b:s8+s3], $0x2780, $0x38;
	[tilespmem:$0x1CB00] =	vst v63  }
0x1c: {  	_ =	swait.ge [sflag:s12], $0x2780  }
0x1d: {  	[sflag:s12] =	ssyncset.done $0x0  }
0x1e: {  	[sflag:s12] =	ssyncadd.s32 $0xFFFFD880  }
0x1f: {  	[bflag:$0x0] =	sbarrier.arrive $0xFFFF  }
0x20: {  	[tilespmem:s15], [sflag:$0x1] =	stream.indirect.gather [hbm4b:s4+s14], $0x40, s3, s14, $0xb8;
	[tilespmem:$0x1CB00] =	vst v63  }
0x21: {  	s21 =	simm.s32 $0x80  }
0x22: {  	[tilespmem:s16], [sflag:$0x2] =	stream.indirect.gather [hbm4b:s4+s14], $0x40, s21, s14, $0xb8;
	[tilespmem:$0x1CB00] =	vst v63  }
0x23: {  	_ =	swait.ge [sflag:s17], $0x2000  }
0x24: {  	[sflag:s17] =	ssyncset.done $0x0  }
0x25: {  	s29 =	simm.s32 $0x2780;
	[sflag:s17] =	ssyncadd.s32 $0xFFFFE000  }
0x26: {  	[spmem:s2] =	stream.indirect.scatter.add.f32 [tilespmem:s15], [sflag:$0x3], $0x40, s29, s14, $0xb8;
	[tilespmem:$0x1CB00] =	vst v63  }
0x27: {  	_ =	swait.ge [sflag:s12], $0x2000  }
0x28: {  	[sflag:s12] =	ssyncset.done $0x0  }
0x29: {  	s30 =	simm.s32 $0x100;
	[sflag:s12] =	ssyncadd.s32 $0xFFFFE000  }
0x2a: {  	[tilespmem:s15], [sflag:$0x1] =	stream.indirect.gather [hbm4b:s4+s14], $0x40, s30, s14, $0xb8;
	[tilespmem:$0x1CB00] =	vst v63  }
0x2b: {  	_ =	swait.ge [sflag:s18], $0x2000  }
0x2c: {  	[sflag:s18] =	ssyncset.done $0x0  }
0x2d: {  	s31 =	simm.s32 $0x2800;
	[sflag:s18] =	ssyncadd.s32 $0xFFFFE000  }
0x2e: {  	[spmem:s2] =	stream.indirect.scatter.add.f32 [tilespmem:s16], [sflag:$0x3], $0x40, s31, s14, $0xb8;
	[tilespmem:$0x1CB00] =	vst v63  }
0x2f: {  	_ =	swait.ge [sflag:s12], $0x2000  }
0x30: {  	s22 =	simm.s32 $0x800;
	s21 =	simm.s32 $0x100;
	[sflag:s12] =	ssyncset.done $0x0  }
.LBB2_2:
0x31: {  	s23 =	sadd.s32 $0x80, s21  }
0x32: {  	[sflag:s12] =	ssyncadd.s32 $0xFFFFE000;
	s24 =	smov.u32 s22;
	s25 =	sadd.s32 $0x400, s22  }
0x33: {  	[tilespmem:s16], [sflag:$0x2] =	stream.indirect.gather [hbm4b:s4+s14], $0x40, s23, s14, $0xb8;
	[tilespmem:$0x1CB00] =	vst v63  }
0x34: {  	p0 =	sne.s32 s22, $0x9800;
	_ =	swait.ge [sflag:s17], $0x2000  }
0x35: {  	[sflag:s17] =	ssyncset.done $0x0  }
0x36: {  	s22 =	sadd.s32 $0x2780, s21;
	[sflag:s17] =	ssyncadd.s32 $0xFFFFE000  }
0x37: {  	[spmem:s2] =	stream.indirect.scatter.add.f32 [tilespmem:s15], [sflag:$0x3], $0x40, s22, s14, $0xb8;
	[tilespmem:$0x1CB00] =	vst v63  }
0x38: {  	_ =	swait.ge [sflag:s12], $0x2000  }
0x39: {  	[sflag:s12] =	ssyncset.done $0x0  }
0x3a: {  	s22 =	sadd.s32 $0x100, s21;
	[sflag:s12] =	ssyncadd.s32 $0xFFFFE000  }
0x3b: {  	[tilespmem:s15], [sflag:$0x1] =	stream.indirect.gather [hbm4b:s4+s14], $0x40, s22, s14, $0xb8;
	[tilespmem:$0x1CB00] =	vst v63  }
0x3c: {  	_ =	swait.ge [sflag:s18], $0x2000  }
.Ltmp0:
0x3d: {  	[sflag:s18] =	ssyncset.done $0x0;
	(pc) =	sbr.rel @p0 .LBB2_2-.Ltmp0, $4  }
0x3e: {  	s21 =	sadd.s32 $0x2800, s21;
	[sflag:s18] =	ssyncadd.s32 $0xFFFFE000  }
0x3f: {  	[spmem:s2] =	stream.indirect.scatter.add.f32 [tilespmem:s16], [sflag:$0x3], $0x40, s21, s14, $0xb8;
	[tilespmem:$0x1CB00] =	vst v63  }
0x40: {  	_ =	swait.ge [sflag:s12], $0x2000  }
0x41: {  	s22 =	smov.u32 s25;
	s21 =	sshra.s32 s24, $0x2;
	[sflag:s12] =	ssyncset.done $0x0  }
0x42: {  	s22 =	sadd.s32 $0x80, s21;
	[sflag:s12] =	ssyncadd.s32 $0xFFFFE000  }
0x43: {  	[tilespmem:s16], [sflag:$0x2] =	stream.indirect.gather [hbm4b:s4+s14], $0x40, s22, s14, $0xb8;
	[tilespmem:$0x1CB00] =	vst v63  }
0x44: {  	_ =	swait.ge [sflag:s17], $0x2000  }
0x45: {  	[sflag:s17] =	ssyncset.done $0x0  }
0x46: {  	s29 =	sadd.s32 $0x2780, s21;
	[sflag:s17] =	ssyncadd.s32 $0xFFFFE000  }
0x47: {  	[spmem:s2] =	stream.indirect.scatter.add.f32 [tilespmem:s15], [sflag:$0x3], $0x40, s29, s14, $0xb8;
	[tilespmem:$0x1CB00] =	vst v63  }
0x48: {  	_ =	swait.ge [sflag:s12], $0x2000  }
0x49: {  	[sflag:s12] =	ssyncset.done $0x0  }
0x4a: {  	s30 =	sadd.s32 $0x100, s21;
	[sflag:s12] =	ssyncadd.s32 $0xFFFFE000  }
0x4b: {  	[tilespmem:s15], [sflag:$0x1] =	stream.indirect.gather [hbm4b:s4+s14], $0x40, s30, s14, $0xb8;
	[tilespmem:$0x1CB00] =	vst v63  }
0x4c: {  	_ =	swait.ge [sflag:s18], $0x2000  }
0x4d: {  	[sflag:s18] =	ssyncset.done $0x0  }
0x4e: {  	s31 =	sadd.s32 $0x2800, s21;
	[sflag:s18] =	ssyncadd.s32 $0xFFFFE000  }
0x4f: {  	[spmem:s2] =	stream.indirect.scatter.add.f32 [tilespmem:s16], [sflag:$0x3], $0x40, s31, s14, $0xb8;
	[tilespmem:$0x1CB00] =	vst v63  }
0x50: {  	_ =	swait.ge [sflag:s12], $0x2000  }
0x51: {  	[sflag:s12] =	ssyncset.done $0x0  }
0x52: {  	[sflag:s12] =	ssyncadd.s32 $0xFFFFE000  }
0x53: {  	_ =	swait.ge [sflag:s17], $0x2000  }
0x54: {  	[sflag:s17] =	ssyncset.done $0x0  }
0x55: {  	[sflag:s17] =	ssyncadd.s32 $0xFFFFE000  }
0x56: {  	[spmem:s2] =	stream.indirect.scatter.add.f32 [tilespmem:s15], [sflag:$0x3], $0x40, s19, s14, $0xb8;
	[tilespmem:$0x1CB00] =	vst v63  }
0x57: {  	_ =	swait.ge [sflag:s12], $0x2000  }
0x58: {  	[sflag:s12] =	ssyncset.done $0x0  }
0x59: {  	[sflag:s12] =	ssyncadd.s32 $0xFFFFE000  }
0x5a: {  	[bflag:$0x0] =	sbarrier.arrive $0xFFFF  }
0x5b: {  	[tilespmem:s11], [sflag:$0x3] =	stream.linear.gather [spmem:s6], $0x9E00, $0x38;
	[tilespmem:$0x1CB00] =	vst v63  }
0x5c: {  	s20 =	sadd.s32 $0x1, s20;
	_ =	swait.ge [sflag:s12], $0x9E00  }
0x5d: {  	p0 =	sne.s32 s20, s10;
	[sflag:s12] =	ssyncset.done $0x0  }
.Ltmp1:
0x5e: {  	[sflag:s12] =	ssyncadd.s32 $0xFFFF6200;
	(pc) =	sbr.rel @p0 .LBB2_1-.Ltmp1, $4  }
0x5f: {  	[hbm4b:s9+s3] =	stream.linear.scatter [tilespmem:s11], [sflag:$0x3], $0x9E00, $0x38;
	[tilespmem:$0x1CB00] =	vst v63  }
0x60: {  	_ =	swait.ge [sflag:s12], $0x9E00  }
0x61: {  	[sflag:s12] =	ssyncset.done $0x0  }
0x62: {  	[sflag:s12] =	ssyncadd.s32 $0xFFFF6200  }
0x63: {  	_ =	sfence.sel $0x180000  }
0x64: {  	[bflag:$0x0] =	sbarrier.arrive $0xFFFF  }
0x65: {  	p0 =	sne.s32 s0, $0x0;
	_ =	strace $0x90000053  }
0x66: {  	s0 =	sadd.s32 @!p0 $0x100000, s1;
	[bflag:$0x2] =	sbarrier.arrive $0xFFFF  }
0x67: {  	[sflag:s0] =	ssyncadd.tile.s32 @!p0 $0x1;
	_ =	shalt  }
.Lfunc_end2:
_tile_overlayer_lowered:
.L_overlay_start_2:
0x68: {  	(tag) =	ssettag $0x2  }
0x69: {  	s0 =	rddreg [dreg:$0x0];
	s2 =	stileid.u32  }
0x6a: {  	s1 =	rddreg [dreg:$0x1];
	p0 =	sne.s32 s2, $0x0  }
0x6b: {  	s3 =	rddreg [dreg:$0x2];
	[bflag:$0x3] =	sbarrier.arrive $0xFFFF;
	s2 =	simm.s32 @!p0 $0x1C03  }
0x6c: {  	[timem:s3], [sflag:s2] =	dma.local @!p0 [hbm:s0], s1  }
0x6d: {  	s0 =	simm.s32 @!p0 $0x3  }
0x6e: {  	_ =	swait.ge @!p0 [sflag:s0], s1  }
0x6f: {  	s1 =	ssub.s32 @!p0 $0x0, s1;
	[sflag:s0] =	ssyncset.done @!p0 $0x0  }
0x70: {  	[sflag:s0] =	ssyncadd.s32 @!p0 s1  }
0x71: {  	[bflag:$0x3] =	sbarrier.arrive $0xFFFF  }
0x72: {  	_ =	shalt  }

</sc_bundles>
